<compile_context>
chip_gen: v7x
topology: tpu7x:2x2x1
jax: 0.10.2.dev20260603
libtpu: 0.0.44.dev20260713+nightly
codegen_flags: <defaults>
</compile_context>

<pallas_src>
import functools

import jax
import jax.numpy as jnp
from jax import lax
from jax.experimental import pallas as pl
from jax.experimental.pallas import tpu as pltpu
from jax.experimental.pallas import tpu_sc as plsc

R = 1024
V = 100000
B = 16384
NC, NS = 2, 16
NW = NC * NS
CK = 32
CHUNKS = (2048, 6144, 6144, 2048)
TBLK = 1024


def _make_sc_body(bw, nck):
    def _sc_body(tt_hbm, idx_hbm, out_hbm, idx_v, rb0, rb1,
                 gs0, gs1, ws0, ws1):
        cid = lax.axis_index("c")
        sid = lax.axis_index("s")
        wid = sid * NC + cid
        base = wid * bw
        rb = (rb0, rb1)
        gsem = (gs0, gs1)
        wsem = (ws0, ws1)

        pltpu.sync_copy(idx_hbm.at[pl.ds(base, bw)], idx_v)

        def gather_start(c):
            pltpu.make_async_copy(
                tt_hbm.at[idx_v.at[pl.ds(c * CK, CK)]], rb[c % 2],
                gsem[c % 2]).start()

        def write_start(c):
            pltpu.make_async_copy(
                rb[c % 2], out_hbm.at[pl.ds(base + c * CK, CK)],
                wsem[c % 2]).start()

        gather_start(0)
        for c in range(nck):
            par = c % 2
            pltpu.make_async_copy(
                tt_hbm.at[pl.ds(0, CK)], rb[par], gsem[par]).wait()
            if c + 1 < nck:
                if c >= 1:
                    pltpu.make_async_copy(
                        tt_hbm.at[pl.ds(0, CK)], rb[1 - par],
                        wsem[1 - par]).wait()
                gather_start(c + 1)
            write_start(c)
        pltpu.make_async_copy(tt_hbm.at[pl.ds(0, CK)], rb0, wsem[0]).wait()
        pltpu.make_async_copy(tt_hbm.at[pl.ds(0, CK)], rb1, wsem[1]).wait()

    return _sc_body


@functools.cache
def _make_gather(cb):
    bw = cb // NW
    nck = bw // CK
    body = _make_sc_body(bw, nck)
    return pl.kernel(
        lambda *refs: body(*refs),
        mesh=plsc.VectorSubcoreMesh(core_axis_name="c", subcore_axis_name="s"),
        out_type=jax.ShapeDtypeStruct((cb, R), jnp.float32),
        scratch_types=[
            pltpu.VMEM((bw,), jnp.int32),
            pltpu.VMEM((CK, R), jnp.float32),
            pltpu.VMEM((CK, R), jnp.float32),
            pltpu.SemaphoreType.DMA,
            pltpu.SemaphoreType.DMA,
            pltpu.SemaphoreType.DMA,
            pltpu.SemaphoreType.DMA,
        ],
        compiler_params=pltpu.CompilerParams(needs_layout_passes=False),
    )


def _t_body(x_hbm, o_ref, xbuf, sem):
    i = pl.program_id(0)
    n = pl.num_programs(0)

    @pl.when(i == 0)
    def _():
        pltpu.make_async_copy(
            x_hbm.at[pl.ds(0, TBLK)], xbuf.at[0], sem.at[0]).start()

    @pl.when(i + 1 < n)
    def _():
        pltpu.make_async_copy(
            x_hbm.at[pl.ds((i + 1) * TBLK, TBLK)],
            xbuf.at[(i + 1) % 2], sem.at[(i + 1) % 2]).start()

    pltpu.make_async_copy(
        x_hbm.at[pl.ds(0, TBLK)], xbuf.at[i % 2], sem.at[i % 2]).wait()
    o_ref[...] = xbuf[i % 2].T


def _t_update_body(acc_ref, x_hbm, o_ref, xbuf, sem):
    del acc_ref
    _t_body(x_hbm, o_ref, xbuf, sem)


def _tc_transpose_first(blk):
    cb = blk.shape[0]
    return pl.pallas_call(
        _t_body,
        grid=(cb // TBLK,),
        in_specs=[pl.BlockSpec(memory_space=pl.MemorySpace.ANY)],
        out_specs=pl.BlockSpec((R, TBLK), lambda i: (0, i)),
        out_shape=jax.ShapeDtypeStruct((R, B), jnp.float32),
        scratch_shapes=[
            pltpu.VMEM((2, TBLK, R), jnp.float32),
            pltpu.SemaphoreType.DMA((2,)),
        ],
    )(blk)


def _tc_transpose_update(acc, blk, col0):
    cb = blk.shape[0]
    blk0 = col0 // TBLK
    return pl.pallas_call(
        _t_update_body,
        grid=(cb // TBLK,),
        in_specs=[
            pl.BlockSpec(memory_space=pl.MemorySpace.ANY),
            pl.BlockSpec(memory_space=pl.MemorySpace.ANY),
        ],
        out_specs=pl.BlockSpec(
            (R, TBLK), lambda i, blk0=blk0: (0, blk0 + i)),
        out_shape=jax.ShapeDtypeStruct((R, B), jnp.float32),
        input_output_aliases={0: 0},
        scratch_shapes=[
            pltpu.VMEM((2, TBLK, R), jnp.float32),
            pltpu.SemaphoreType.DMA((2,)),
        ],
    )(acc, blk)


def kernel(t, index):
    tt = t.T
    idx = index.astype(jnp.int32)
    blks = []
    off = 0
    for cb in CHUNKS:
        blks.append(_make_gather(cb)(tt, lax.slice(idx, (off,), (off + cb,))))
        off += cb
    out = _tc_transpose_first(blks[0])
    col0 = CHUNKS[0]
    for k in range(1, len(CHUNKS)):
        out = _tc_transpose_update(out, blks[k], col0)
        col0 += CHUNKS[k]
    return out

# --- scband reference (transcript-rebuilt; emitter-appended) ---
"""Pipeline reference for scband-index-net-36670430773661 (READ-ONLY COPY).

The authoritative reference and input builder live on the scoring server;
editing this copy changes nothing except your own understanding.
"""

import jax, jax.numpy as jnp
import numpy as np


def setup_inputs(seed: int = 0) -> dict:
    key = jax.random.key(seed)
    k1, k2 = jax.random.split(key)
    t = jax.random.normal(k1, (1024, 100000), dtype=jnp.float32)
    index = jax.random.randint(k2, (16384,), 0, 100000, dtype=jnp.int64)
    return {"t": t, "index": index}


def reference(t, index):
    # torch: t.index_select(dim=1, index=index)
    return jnp.take(t, index, axis=1)

if __name__ == "__main__":
    import jax
    _d = setup_inputs()
    print(jax.jit(kernel)(*tuple(_d.values())))

</pallas_src>

<mosaic_0001>
#map = affine_map<(d0, d1) -> (0, 0)>
#map1 = affine_map<(d0, d1) -> (0)>
module attributes {stable_mosaic.version = 14 : i64} {
  func.func @_lambda_(%arg0: i32, %arg1: i32, %arg2: memref<100000x1024xf32, #tpu.memory_space<hbm>>, %arg3: memref<2048xi32, #tpu.memory_space<hbm>>, %arg4: memref<2048x1024xf32, #tpu.memory_space<hbm>>, %arg5: memref<64xi32, #tpu.memory_space<vmem>>, %arg6: memref<32x1024xf32, #tpu.memory_space<vmem>>, %arg7: memref<32x1024xf32, #tpu.memory_space<vmem>>, %arg8: memref<!tpu.dma_semaphore, #tpu.memory_space<semaphore_mem>>, %arg9: memref<!tpu.dma_semaphore, #tpu.memory_space<semaphore_mem>>, %arg10: memref<!tpu.dma_semaphore, #tpu.memory_space<semaphore_mem>>, %arg11: memref<!tpu.dma_semaphore, #tpu.memory_space<semaphore_mem>>) attributes {dimension_semantics = [#tpu.dimension_semantics<core_parallel>, #tpu.dimension_semantics<subcore_parallel>], iteration_bounds = array<i64: 2, 16>, scalar_prefetch = 0 : i64, scratch_operands = 7 : i64, tpu.core_type = #tpu.core_type<sc_vector_subcore>, window_params = [{transform_indices = #map}, {transform_indices = #map1}, {transform_indices = #map}]} {
    %mul3A = arith.constant 2 : i32
    %mul3A_0 = arith.muli %arg1, %mul3A : i32
    %add3A = arith.addi %mul3A_0, %arg0 : i32
    %mul3A_1 = arith.constant 64 : i32
    %mul3A_2 = arith.muli %add3A, %mul3A_1 : i32
    "tpu.region"() ({
      %run_scoped3A = tpu.sem_alloc : memref<!tpu.dma_semaphore, #tpu.memory_space<semaphore_mem>>
      %dma_start3A_47 = tpu.memref_slice %arg3[%mul3A_2] : memref<2048xi32, #tpu.memory_space<hbm>> -> memref<64xi32, #tpu.memory_space<hbm>>
      %dma_start3A_48 = tpu.memref_slice %arg3[%mul3A_2] : memref<2048xi32, #tpu.memory_space<hbm>> -> memref<64xi32, #tpu.memory_space<hbm>>
      tpu.enqueue_dma source(%dma_start3A_48 : memref<64xi32, #tpu.memory_space<hbm>>) target(%arg5 : memref<64xi32, #tpu.memory_space<vmem>>) target_semaphore(%run_scoped3A : memref<!tpu.dma_semaphore, #tpu.memory_space<semaphore_mem>>)
      %dma_wait3A_49 = tpu.memref_slice %arg3[%mul3A_2] : memref<2048xi32, #tpu.memory_space<hbm>> -> memref<64xi32, #tpu.memory_space<hbm>>
      %dma_wait3A_50 = tpu.memref_slice %arg3[%mul3A_2] : memref<2048xi32, #tpu.memory_space<hbm>> -> memref<64xi32, #tpu.memory_space<hbm>>
      tpu.wait_dma2 semaphore(%run_scoped3A : memref<!tpu.dma_semaphore, #tpu.memory_space<semaphore_mem>>) src(%dma_wait3A_50 : memref<64xi32, #tpu.memory_space<hbm>>) dst(%arg5 : memref<64xi32, #tpu.memory_space<vmem>>)
      tpu.yield
    }) : () -> ()
    %dma_start3A = arith.constant 0 : i32
    %dma_start3A_3 = tpu.memref_slice %arg5[%dma_start3A] : memref<64xi32, #tpu.memory_space<vmem>> -> memref<32xi32, #tpu.memory_space<vmem>>
    %dma_start3A_4 = arith.constant 0 : i32
    %dma_start3A_5 = arith.constant 0 : i32
    %dma_start3A_6 = tpu.memref_slice %arg2[%dma_start3A_4, %dma_start3A_5] : memref<100000x1024xf32, #tpu.memory_space<hbm>> -> memref<100000x1024xf32, #tpu.memory_space<hbm>>
    tpu.enqueue_indirect_dma source(%dma_start3A_6 : memref<100000x1024xf32, #tpu.memory_space<hbm>>) target(%arg6 : memref<32x1024xf32, #tpu.memory_space<vmem>>) offsets(%dma_start3A_3 : memref<32xi32, #tpu.memory_space<vmem>>) semaphore(%arg8 : memref<!tpu.dma_semaphore, #tpu.memory_space<semaphore_mem>>)
    %dma_wait3A = arith.constant 0 : i32
    %dma_wait3A_7 = arith.constant 0 : i32
    %dma_wait3A_8 = tpu.memref_slice %arg2[%dma_wait3A, %dma_wait3A_7] : memref<100000x1024xf32, #tpu.memory_space<hbm>> -> memref<32x1024xf32, #tpu.memory_space<hbm>>
    %dma_wait3A_9 = arith.constant 0 : i32
    %dma_wait3A_10 = arith.constant 0 : i32
    %dma_wait3A_11 = tpu.memref_slice %arg2[%dma_wait3A_9, %dma_wait3A_10] : memref<100000x1024xf32, #tpu.memory_space<hbm>> -> memref<32x1024xf32, #tpu.memory_space<hbm>>
    tpu.wait_dma2 semaphore(%arg8 : memref<!tpu.dma_semaphore, #tpu.memory_space<semaphore_mem>>) src(%dma_wait3A_11 : memref<32x1024xf32, #tpu.memory_space<hbm>>) dst(%arg6 : memref<32x1024xf32, #tpu.memory_space<vmem>>)
    %dma_start3A_12 = arith.constant 32 : i32
    %dma_start3A_13 = tpu.memref_slice %arg5[%dma_start3A_12] : memref<64xi32, #tpu.memory_space<vmem>> -> memref<32xi32, #tpu.memory_space<vmem>>
    %dma_start3A_14 = arith.constant 0 : i32
    %dma_start3A_15 = arith.constant 0 : i32
    %dma_start3A_16 = tpu.memref_slice %arg2[%dma_start3A_14, %dma_start3A_15] : memref<100000x1024xf32, #tpu.memory_space<hbm>> -> memref<100000x1024xf32, #tpu.memory_space<hbm>>
    tpu.enqueue_indirect_dma source(%dma_start3A_16 : memref<100000x1024xf32, #tpu.memory_space<hbm>>) target(%arg7 : memref<32x1024xf32, #tpu.memory_space<vmem>>) offsets(%dma_start3A_13 : memref<32xi32, #tpu.memory_space<vmem>>) semaphore(%arg9 : memref<!tpu.dma_semaphore, #tpu.memory_space<semaphore_mem>>)
    %add3A_17 = arith.constant 0 : i32
    %add3A_18 = arith.addi %mul3A_2, %add3A_17 : i32
    %dma_start3A_19 = arith.constant 0 : i32
    %dma_start3A_20 = tpu.memref_slice %arg4[%add3A_18, %dma_start3A_19] : memref<2048x1024xf32, #tpu.memory_space<hbm>> -> memref<32x1024xf32, #tpu.memory_space<hbm>>
    %dma_start3A_21 = arith.constant 0 : i32
    %dma_start3A_22 = tpu.memref_slice %arg4[%add3A_18, %dma_start3A_21] : memref<2048x1024xf32, #tpu.memory_space<hbm>> -> memref<32x1024xf32, #tpu.memory_space<hbm>>
    tpu.enqueue_dma source(%arg6 : memref<32x1024xf32, #tpu.memory_space<vmem>>) target(%dma_start3A_22 : memref<32x1024xf32, #tpu.memory_space<hbm>>) target_semaphore(%arg10 : memref<!tpu.dma_semaphore, #tpu.memory_space<semaphore_mem>>)
    %dma_wait3A_23 = arith.constant 0 : i32
    %dma_wait3A_24 = arith.constant 0 : i32
    %dma_wait3A_25 = tpu.memref_slice %arg2[%dma_wait3A_23, %dma_wait3A_24] : memref<100000x1024xf32, #tpu.memory_space<hbm>> -> memref<32x1024xf32, #tpu.memory_space<hbm>>
    %dma_wait3A_26 = arith.constant 0 : i32
    %dma_wait3A_27 = arith.constant 0 : i32
    %dma_wait3A_28 = tpu.memref_slice %arg2[%dma_wait3A_26, %dma_wait3A_27] : memref<100000x1024xf32, #tpu.memory_space<hbm>> -> memref<32x1024xf32, #tpu.memory_space<hbm>>
    tpu.wait_dma2 semaphore(%arg9 : memref<!tpu.dma_semaphore, #tpu.memory_space<semaphore_mem>>) src(%dma_wait3A_28 : memref<32x1024xf32, #tpu.memory_space<hbm>>) dst(%arg7 : memref<32x1024xf32, #tpu.memory_space<vmem>>)
    %add3A_29 = arith.constant 32 : i32
    %add3A_30 = arith.addi %mul3A_2, %add3A_29 : i32
    %dma_start3A_31 = arith.constant 0 : i32
    %dma_start3A_32 = tpu.memref_slice %arg4[%add3A_30, %dma_start3A_31] : memref<2048x1024xf32, #tpu.memory_space<hbm>> -> memref<32x1024xf32, #tpu.memory_space<hbm>>
    %dma_start3A_33 = arith.constant 0 : i32
    %dma_start3A_34 = tpu.memref_slice %arg4[%add3A_30, %dma_start3A_33] : memref<2048x1024xf32, #tpu.memory_space<hbm>> -> memref<32x1024xf32, #tpu.memory_space<hbm>>
    tpu.enqueue_dma source(%arg7 : memref<32x1024xf32, #tpu.memory_space<vmem>>) target(%dma_start3A_34 : memref<32x1024xf32, #tpu.memory_space<hbm>>) target_semaphore(%arg11 : memref<!tpu.dma_semaphore, #tpu.memory_space<semaphore_mem>>)
    %dma_wait3A_35 = arith.constant 0 : i32
    %dma_wait3A_36 = arith.constant 0 : i32
    %dma_wait3A_37 = tpu.memref_slice %arg2[%dma_wait3A_35, %dma_wait3A_36] : memref<100000x1024xf32, #tpu.memory_space<hbm>> -> memref<32x1024xf32, #tpu.memory_space<hbm>>
    %dma_wait3A_38 = arith.constant 0 : i32
    %dma_wait3A_39 = arith.constant 0 : i32
    %dma_wait3A_40 = tpu.memref_slice %arg2[%dma_wait3A_38, %dma_wait3A_39] : memref<100000x1024xf32, #tpu.memory_space<hbm>> -> memref<32x1024xf32, #tpu.memory_space<hbm>>
    tpu.wait_dma2 semaphore(%arg10 : memref<!tpu.dma_semaphore, #tpu.memory_space<semaphore_mem>>) src(%dma_wait3A_40 : memref<32x1024xf32, #tpu.memory_space<hbm>>) dst(%arg6 : memref<32x1024xf32, #tpu.memory_space<vmem>>)
    %dma_wait3A_41 = arith.constant 0 : i32
    %dma_wait3A_42 = arith.constant 0 : i32
    %dma_wait3A_43 = tpu.memref_slice %arg2[%dma_wait3A_41, %dma_wait3A_42] : memref<100000x1024xf32, #tpu.memory_space<hbm>> -> memref<32x1024xf32, #tpu.memory_space<hbm>>
    %dma_wait3A_44 = arith.constant 0 : i32
    %dma_wait3A_45 = arith.constant 0 : i32
    %dma_wait3A_46 = tpu.memref_slice %arg2[%dma_wait3A_44, %dma_wait3A_45] : memref<100000x1024xf32, #tpu.memory_space<hbm>> -> memref<32x1024xf32, #tpu.memory_space<hbm>>
    tpu.wait_dma2 semaphore(%arg11 : memref<!tpu.dma_semaphore, #tpu.memory_space<semaphore_mem>>) src(%dma_wait3A_46 : memref<32x1024xf32, #tpu.memory_space<hbm>>) dst(%arg7 : memref<32x1024xf32, #tpu.memory_space<vmem>>)
    return
  }
}

#map = affine_map<(d0, d1) -> (0, 0)>
#map1 = affine_map<(d0, d1) -> (0)>
module attributes {stable_mosaic.version = 14 : i64} {
  func.func @_lambda_(%arg0: i32, %arg1: i32, %arg2: memref<100000x1024xf32, #tpu.memory_space<hbm>>, %arg3: memref<6144xi32, #tpu.memory_space<hbm>>, %arg4: memref<6144x1024xf32, #tpu.memory_space<hbm>>, %arg5: memref<192xi32, #tpu.memory_space<vmem>>, %arg6: memref<32x1024xf32, #tpu.memory_space<vmem>>, %arg7: memref<32x1024xf32, #tpu.memory_space<vmem>>, %arg8: memref<!tpu.dma_semaphore, #tpu.memory_space<semaphore_mem>>, %arg9: memref<!tpu.dma_semaphore, #tpu.memory_space<semaphore_mem>>, %arg10: memref<!tpu.dma_semaphore, #tpu.memory_space<semaphore_mem>>, %arg11: memref<!tpu.dma_semaphore, #tpu.memory_space<semaphore_mem>>) attributes {dimension_semantics = [#tpu.dimension_semantics<core_parallel>, #tpu.dimension_semantics<subcore_parallel>], iteration_bounds = array<i64: 2, 16>, scalar_prefetch = 0 : i64, scratch_operands = 7 : i64, tpu.core_type = #tpu.core_type<sc_vector_subcore>, window_params = [{transform_indices = #map}, {transform_indices = #map1}, {transform_indices = #map}]} {
    %mul3A = arith.constant 2 : i32
    %mul3A_0 = arith.muli %arg1, %mul3A : i32
    %add3A = arith.addi %mul3A_0, %arg0 : i32
    %mul3A_1 = arith.constant 192 : i32
    %mul3A_2 = arith.muli %add3A, %mul3A_1 : i32
    "tpu.region"() ({
      %run_scoped3A = tpu.sem_alloc : memref<!tpu.dma_semaphore, #tpu.memory_space<semaphore_mem>>
      %dma_start3A_139 = tpu.memref_slice %arg3[%mul3A_2] : memref<6144xi32, #tpu.memory_space<hbm>> -> memref<192xi32, #tpu.memory_space<hbm>>
      %dma_start3A_140 = tpu.memref_slice %arg3[%mul3A_2] : memref<6144xi32, #tpu.memory_space<hbm>> -> memref<192xi32, #tpu.memory_space<hbm>>
      tpu.enqueue_dma source(%dma_start3A_140 : memref<192xi32, #tpu.memory_space<hbm>>) target(%arg5 : memref<192xi32, #tpu.memory_space<vmem>>) target_semaphore(%run_scoped3A : memref<!tpu.dma_semaphore, #tpu.memory_space<semaphore_mem>>)
      %dma_wait3A_141 = tpu.memref_slice %arg3[%mul3A_2] : memref<6144xi32, #tpu.memory_space<hbm>> -> memref<192xi32, #tpu.memory_space<hbm>>
      %dma_wait3A_142 = tpu.memref_slice %arg3[%mul3A_2] : memref<6144xi32, #tpu.memory_space<hbm>> -> memref<192xi32, #tpu.memory_space<hbm>>
      tpu.wait_dma2 semaphore(%run_scoped3A : memref<!tpu.dma_semaphore, #tpu.memory_space<semaphore_mem>>) src(%dma_wait3A_142 : memref<192xi32, #tpu.memory_space<hbm>>) dst(%arg5 : memref<192xi32, #tpu.memory_space<vmem>>)
      tpu.yield
    }) : () -> ()
    %dma_start3A = arith.constant 0 : i32
    %dma_start3A_3 = tpu.memref_slice %arg5[%dma_start3A] : memref<192xi32, #tpu.memory_space<vmem>> -> memref<32xi32, #tpu.memory_space<vmem>>
    %dma_start3A_4 = arith.constant 0 : i32
    %dma_start3A_5 = arith.constant 0 : i32
    %dma_start3A_6 = tpu.memref_slice %arg2[%dma_start3A_4, %dma_start3A_5] : memref<100000x1024xf32, #tpu.memory_space<hbm>> -> memref<100000x1024xf32, #tpu.memory_space<hbm>>
    tpu.enqueue_indirect_dma source(%dma_start3A_6 : memref<100000x1024xf32, #tpu.memory_space<hbm>>) target(%arg6 : memref<32x1024xf32, #tpu.memory_space<vmem>>) offsets(%dma_start3A_3 : memref<32xi32, #tpu.memory_space<vmem>>) semaphore(%arg8 : memref<!tpu.dma_semaphore, #tpu.memory_space<semaphore_mem>>)
    %dma_wait3A = arith.constant 0 : i32
    %dma_wait3A_7 = arith.constant 0 : i32
    %dma_wait3A_8 = tpu.memref_slice %arg2[%dma_wait3A, %dma_wait3A_7] : memref<100000x1024xf32, #tpu.memory_space<hbm>> -> memref<32x1024xf32, #tpu.memory_space<hbm>>
    %dma_wait3A_9 = arith.constant 0 : i32
    %dma_wait3A_10 = arith.constant 0 : i32
    %dma_wait3A_11 = tpu.memref_slice %arg2[%dma_wait3A_9, %dma_wait3A_10] : memref<100000x1024xf32, #tpu.memory_space<hbm>> -> memref<32x1024xf32, #tpu.memory_space<hbm>>
    tpu.wait_dma2 semaphore(%arg8 : memref<!tpu.dma_semaphore, #tpu.memory_space<semaphore_mem>>) src(%dma_wait3A_11 : memref<32x1024xf32, #tpu.memory_space<hbm>>) dst(%arg6 : memref<32x1024xf32, #tpu.memory_space<vmem>>)
    %dma_start3A_12 = arith.constant 32 : i32
    %dma_start3A_13 = tpu.memref_slice %arg5[%dma_start3A_12] : memref<192xi32, #tpu.memory_space<vmem>> -> memref<32xi32, #tpu.memory_space<vmem>>
    %dma_start3A_14 = arith.constant 0 : i32
    %dma_start3A_15 = arith.constant 0 : i32
    %dma_start3A_16 = tpu.memref_slice %arg2[%dma_start3A_14, %dma_start3A_15] : memref<100000x1024xf32, #tpu.memory_space<hbm>> -> memref<100000x1024xf32, #tpu.memory_space<hbm>>
    tpu.enqueue_indirect_dma source(%dma_start3A_16 : memref<100000x1024xf32, #tpu.memory_space<hbm>>) target(%arg7 : memref<32x1024xf32, #tpu.memory_space<vmem>>) offsets(%dma_start3A_13 : memref<32xi32, #tpu.memory_space<vmem>>) semaphore(%arg9 : memref<!tpu.dma_semaphore, #tpu.memory_space<semaphore_mem>>)
    %add3A_17 = arith.constant 0 : i32
    %add3A_18 = arith.addi %mul3A_2, %add3A_17 : i32
    %dma_start3A_19 = arith.constant 0 : i32
    %dma_start3A_20 = tpu.memref_slice %arg4[%add3A_18, %dma_start3A_19] : memref<6144x1024xf32, #tpu.memory_space<hbm>> -> memref<32x1024xf32, #tpu.memory_space<hbm>>
    %dma_start3A_21 = arith.constant 0 : i32
    %dma_start3A_22 = tpu.memref_slice %arg4[%add3A_18, %dma_start3A_21] : memref<6144x1024xf32, #tpu.memory_space<hbm>> -> memref<32x1024xf32, #tpu.memory_space<hbm>>
    tpu.enqueue_dma source(%arg6 : memref<32x1024xf32, #tpu.memory_space<vmem>>) target(%dma_start3A_22 : memref<32x1024xf32, #tpu.memory_space<hbm>>) target_semaphore(%arg10 : memref<!tpu.dma_semaphore, #tpu.memory_space<semaphore_mem>>)
    %dma_wait3A_23 = arith.constant 0 : i32
    %dma_wait3A_24 = arith.constant 0 : i32
    %dma_wait3A_25 = tpu.memref_slice %arg2[%dma_wait3A_23, %dma_wait3A_24] : memref<100000x1024xf32, #tpu.memory_space<hbm>> -> memref<32x1024xf32, #tpu.memory_space<hbm>>
    %dma_wait3A_26 = arith.constant 0 : i32
    %dma_wait3A_27 = arith.constant 0 : i32
    %dma_wait3A_28 = tpu.memref_slice %arg2[%dma_wait3A_26, %dma_wait3A_27] : memref<100000x1024xf32, #tpu.memory_space<hbm>> -> memref<32x1024xf32, #tpu.memory_space<hbm>>
    tpu.wait_dma2 semaphore(%arg9 : memref<!tpu.dma_semaphore, #tpu.memory_space<semaphore_mem>>) src(%dma_wait3A_28 : memref<32x1024xf32, #tpu.memory_space<hbm>>) dst(%arg7 : memref<32x1024xf32, #tpu.memory_space<vmem>>)
    %dma_wait3A_29 = arith.constant 0 : i32
    %dma_wait3A_30 = arith.constant 0 : i32
    %dma_wait3A_31 = tpu.memref_slice %arg2[%dma_wait3A_29, %dma_wait3A_30] : memref<100000x1024xf32, #tpu.memory_space<hbm>> -> memref<32x1024xf32, #tpu.memory_space<hbm>>
    %dma_wait3A_32 = arith.constant 0 : i32
    %dma_wait3A_33 = arith.constant 0 : i32
    %dma_wait3A_34 = tpu.memref_slice %arg2[%dma_wait3A_32, %dma_wait3A_33] : memref<100000x1024xf32, #tpu.memory_space<hbm>> -> memref<32x1024xf32, #tpu.memory_space<hbm>>
    tpu.wait_dma2 semaphore(%arg10 : memref<!tpu.dma_semaphore, #tpu.memory_space<semaphore_mem>>) src(%dma_wait3A_34 : memref<32x1024xf32, #tpu.memory_space<hbm>>) dst(%arg6 : memref<32x1024xf32, #tpu.memory_space<vmem>>)
    %dma_start3A_35 = arith.constant 64 : i32
    %dma_start3A_36 = tpu.memref_slice %arg5[%dma_start3A_35] : memref<192xi32, #tpu.memory_space<vmem>> -> memref<32xi32, #tpu.memory_space<vmem>>
    %dma_start3A_37 = arith.constant 0 : i32
    %dma_start3A_38 = arith.constant 0 : i32
    %dma_start3A_39 = tpu.memref_slice %arg2[%dma_start3A_37, %dma_start3A_38] : memref<100000x1024xf32, #tpu.memory_space<hbm>> -> memref<100000x1024xf32, #tpu.memory_space<hbm>>
    tpu.enqueue_indirect_dma source(%dma_start3A_39 : memref<100000x1024xf32, #tpu.memory_space<hbm>>) target(%arg6 : memref<32x1024xf32, #tpu.memory_space<vmem>>) offsets(%dma_start3A_36 : memref<32xi32, #tpu.memory_space<vmem>>) semaphore(%arg8 : memref<!tpu.dma_semaphore, #tpu.memory_space<semaphore_mem>>)
    %add3A_40 = arith.constant 32 : i32
    %add3A_41 = arith.addi %mul3A_2, %add3A_40 : i32
    %dma_start3A_42 = arith.constant 0 : i32
    %dma_start3A_43 = tpu.memref_slice %arg4[%add3A_41, %dma_start3A_42] : memref<6144x1024xf32, #tpu.memory_space<hbm>> -> memref<32x1024xf32, #tpu.memory_space<hbm>>
    %dma_start3A_44 = arith.constant 0 : i32
    %dma_start3A_45 = tpu.memref_slice %arg4[%add3A_41, %dma_start3A_44] : memref<6144x1024xf32, #tpu.memory_space<hbm>> -> memref<32x1024xf32, #tpu.memory_space<hbm>>
    tpu.enqueue_dma source(%arg7 : memref<32x1024xf32, #tpu.memory_space<vmem>>) target(%dma_start3A_45 : memref<32x1024xf32, #tpu.memory_space<hbm>>) target_semaphore(%arg11 : memref<!tpu.dma_semaphore, #tpu.memory_space<semaphore_mem>>)
    %dma_wait3A_46 = arith.constant 0 : i32
    %dma_wait3A_47 = arith.constant 0 : i32
    %dma_wait3A_48 = tpu.memref_slice %arg2[%dma_wait3A_46, %dma_wait3A_47] : memref<100000x1024xf32, #tpu.memory_space<hbm>> -> memref<32x1024xf32, #tpu.memory_space<hbm>>
    %dma_wait3A_49 = arith.constant 0 : i32
    %dma_wait3A_50 = arith.constant 0 : i32
    %dma_wait3A_51 = tpu.memref_slice %arg2[%dma_wait3A_49, %dma_wait3A_50] : memref<100000x1024xf32, #tpu.memory_space<hbm>> -> memref<32x1024xf32, #tpu.memory_space<hbm>>
    tpu.wait_dma2 semaphore(%arg8 : memref<!tpu.dma_semaphore, #tpu.memory_space<semaphore_mem>>) src(%dma_wait3A_51 : memref<32x1024xf32, #tpu.memory_space<hbm>>) dst(%arg6 : memref<32x1024xf32, #tpu.memory_space<vmem>>)
    %dma_wait3A_52 = arith.constant 0 : i32
    %dma_wait3A_53 = arith.constant 0 : i32
    %dma_wait3A_54 = tpu.memref_slice %arg2[%dma_wait3A_52, %dma_wait3A_53] : memref<100000x1024xf32, #tpu.memory_space<hbm>> -> memref<32x1024xf32, #tpu.memory_space<hbm>>
    %dma_wait3A_55 = arith.constant 0 : i32
    %dma_wait3A_56 = arith.constant 0 : i32
    %dma_wait3A_57 = tpu.memref_slice %arg2[%dma_wait3A_55, %dma_wait3A_56] : memref<100000x1024xf32, #tpu.memory_space<hbm>> -> memref<32x1024xf32, #tpu.memory_space<hbm>>
    tpu.wait_dma2 semaphore(%arg11 : memref<!tpu.dma_semaphore, #tpu.memory_space<semaphore_mem>>) src(%dma_wait3A_57 : memref<32x1024xf32, #tpu.memory_space<hbm>>) dst(%arg7 : memref<32x1024xf32, #tpu.memory_space<vmem>>)
    %dma_start3A_58 = arith.constant 96 : i32
    %dma_start3A_59 = tpu.memref_slice %arg5[%dma_start3A_58] : memref<192xi32, #tpu.memory_space<vmem>> -> memref<32xi32, #tpu.memory_space<vmem>>
    %dma_start3A_60 = arith.constant 0 : i32
    %dma_start3A_61 = arith.constant 0 : i32
    %dma_start3A_62 = tpu.memref_slice %arg2[%dma_start3A_60, %dma_start3A_61] : memref<100000x1024xf32, #tpu.memory_space<hbm>> -> memref<100000x1024xf32, #tpu.memory_space<hbm>>
    tpu.enqueue_indirect_dma source(%dma_start3A_62 : memref<100000x1024xf32, #tpu.memory_space<hbm>>) target(%arg7 : memref<32x1024xf32, #tpu.memory_space<vmem>>) offsets(%dma_start3A_59 : memref<32xi32, #tpu.memory_space<vmem>>) semaphore(%arg9 : memref<!tpu.dma_semaphore, #tpu.memory_space<semaphore_mem>>)
    %add3A_63 = arith.constant 64 : i32
    %add3A_64 = arith.addi %mul3A_2, %add3A_63 : i32
    %dma_start3A_65 = arith.constant 0 : i32
    %dma_start3A_66 = tpu.memref_slice %arg4[%add3A_64, %dma_start3A_65] : memref<6144x1024xf32, #tpu.memory_space<hbm>> -> memref<32x1024xf32, #tpu.memory_space<hbm>>
    %dma_start3A_67 = arith.constant 0 : i32
    %dma_start3A_68 = tpu.memref_slice %arg4[%add3A_64, %dma_start3A_67] : memref<6144x1024xf32, #tpu.memory_space<hbm>> -> memref<32x1024xf32, #tpu.memory_space<hbm>>
    tpu.enqueue_dma source(%arg6 : memref<32x1024xf32, #tpu.memory_space<vmem>>) target(%dma_start3A_68 : memref<32x1024xf32, #tpu.memory_space<hbm>>) target_semaphore(%arg10 : memref<!tpu.dma_semaphore, #tpu.memory_space<semaphore_mem>>)
    %dma_wait3A_69 = arith.constant 0 : i32
    %dma_wait3A_70 = arith.constant 0 : i32
    %dma_wait3A_71 = tpu.memref_slice %arg2[%dma_wait3A_69, %dma_wait3A_70] : memref<100000x1024xf32, #tpu.memory_space<hbm>> -> memref<32x1024xf32, #tpu.memory_space<hbm>>
    %dma_wait3A_72 = arith.constant 0 : i32
    %dma_wait3A_73 = arith.constant 0 : i32
    %dma_wait3A_74 = tpu.memref_slice %arg2[%dma_wait3A_72, %dma_wait3A_73] : memref<100000x1024xf32, #tpu.memory_space<hbm>> -> memref<32x1024xf32, #tpu.memory_space<hbm>>
    tpu.wait_dma2 semaphore(%arg9 : memref<!tpu.dma_semaphore, #tpu.memory_space<semaphore_mem>>) src(%dma_wait3A_74 : memref<32x1024xf32, #tpu.memory_space<hbm>>) dst(%arg7 : memref<32x1024xf32, #tpu.memory_space<vmem>>)
    %dma_wait3A_75 = arith.constant 0 : i32
    %dma_wait3A_76 = arith.constant 0 : i32
    %dma_wait3A_77 = tpu.memref_slice %arg2[%dma_wait3A_75, %dma_wait3A_76] : memref<100000x1024xf32, #tpu.memory_space<hbm>> -> memref<32x1024xf32, #tpu.memory_space<hbm>>
    %dma_wait3A_78 = arith.constant 0 : i32
    %dma_wait3A_79 = arith.constant 0 : i32
    %dma_wait3A_80 = tpu.memref_slice %arg2[%dma_wait3A_78, %dma_wait3A_79] : memref<100000x1024xf32, #tpu.memory_space<hbm>> -> memref<32x1024xf32, #tpu.memory_space<hbm>>
    tpu.wait_dma2 semaphore(%arg10 : memref<!tpu.dma_semaphore, #tpu.memory_space<semaphore_mem>>) src(%dma_wait3A_80 : memref<32x1024xf32, #tpu.memory_space<hbm>>) dst(%arg6 : memref<32x1024xf32, #tpu.memory_space<vmem>>)
    %dma_start3A_81 = arith.constant 128 : i32
    %dma_start3A_82 = tpu.memref_slice %arg5[%dma_start3A_81] : memref<192xi32, #tpu.memory_space<vmem>> -> memref<32xi32, #tpu.memory_space<vmem>>
    %dma_start3A_83 = arith.constant 0 : i32
    %dma_start3A_84 = arith.constant 0 : i32
    %dma_start3A_85 = tpu.memref_slice %arg2[%dma_start3A_83, %dma_start3A_84] : memref<100000x1024xf32, #tpu.memory_space<hbm>> -> memref<100000x1024xf32, #tpu.memory_space<hbm>>
    tpu.enqueue_indirect_dma source(%dma_start3A_85 : memref<100000x1024xf32, #tpu.memory_space<hbm>>) target(%arg6 : memref<32x1024xf32, #tpu.memory_space<vmem>>) offsets(%dma_start3A_82 : memref<32xi32, #tpu.memory_space<vmem>>) semaphore(%arg8 : memref<!tpu.dma_semaphore, #tpu.memory_space<semaphore_mem>>)
    %add3A_86 = arith.constant 96 : i32
    %add3A_87 = arith.addi %mul3A_2, %add3A_86 : i32
    %dma_start3A_88 = arith.constant 0 : i32
    %dma_start3A_89 = tpu.memref_slice %arg4[%add3A_87, %dma_start3A_88] : memref<6144x1024xf32, #tpu.memory_space<hbm>> -> memref<32x1024xf32, #tpu.memory_space<hbm>>
    %dma_start3A_90 = arith.constant 0 : i32
    %dma_start3A_91 = tpu.memref_slice %arg4[%add3A_87, %dma_start3A_90] : memref<6144x1024xf32, #tpu.memory_space<hbm>> -> memref<32x1024xf32, #tpu.memory_space<hbm>>
    tpu.enqueue_dma source(%arg7 : memref<32x1024xf32, #tpu.memory_space<vmem>>) target(%dma_start3A_91 : memref<32x1024xf32, #tpu.memory_space<hbm>>) target_semaphore(%arg11 : memref<!tpu.dma_semaphore, #tpu.memory_space<semaphore_mem>>)
    %dma_wait3A_92 = arith.constant 0 : i32
    %dma_wait3A_93 = arith.constant 0 : i32
    %dma_wait3A_94 = tpu.memref_slice %arg2[%dma_wait3A_92, %dma_wait3A_93] : memref<100000x1024xf32, #tpu.memory_space<hbm>> -> memref<32x1024xf32, #tpu.memory_space<hbm>>
    %dma_wait3A_95 = arith.constant 0 : i32
    %dma_wait3A_96 = arith.constant 0 : i32
    %dma_wait3A_97 = tpu.memref_slice %arg2[%dma_wait3A_95, %dma_wait3A_96] : memref<100000x1024xf32, #tpu.memory_space<hbm>> -> memref<32x1024xf32, #tpu.memory_space<hbm>>
    tpu.wait_dma2 semaphore(%arg8 : memref<!tpu.dma_semaphore, #tpu.memory_space<semaphore_mem>>) src(%dma_wait3A_97 : memref<32x1024xf32, #tpu.memory_space<hbm>>) dst(%arg6 : memref<32x1024xf32, #tpu.memory_space<vmem>>)
    %dma_wait3A_98 = arith.constant 0 : i32
    %dma_wait3A_99 = arith.constant 0 : i32
    %dma_wait3A_100 = tpu.memref_slice %arg2[%dma_wait3A_98, %dma_wait3A_99] : memref<100000x1024xf32, #tpu.memory_space<hbm>> -> memref<32x1024xf32, #tpu.memory_space<hbm>>
    %dma_wait3A_101 = arith.constant 0 : i32
    %dma_wait3A_102 = arith.constant 0 : i32
    %dma_wait3A_103 = tpu.memref_slice %arg2[%dma_wait3A_101, %dma_wait3A_102] : memref<100000x1024xf32, #tpu.memory_space<hbm>> -> memref<32x1024xf32, #tpu.memory_space<hbm>>
    tpu.wait_dma2 semaphore(%arg11 : memref<!tpu.dma_semaphore, #tpu.memory_space<semaphore_mem>>) src(%dma_wait3A_103 : memref<32x1024xf32, #tpu.memory_space<hbm>>) dst(%arg7 : memref<32x1024xf32, #tpu.memory_space<vmem>>)
    %dma_start3A_104 = arith.constant 160 : i32
    %dma_start3A_105 = tpu.memref_slice %arg5[%dma_start3A_104] : memref<192xi32, #tpu.memory_space<vmem>> -> memref<32xi32, #tpu.memory_space<vmem>>
    %dma_start3A_106 = arith.constant 0 : i32
    %dma_start3A_107 = arith.constant 0 : i32
    %dma_start3A_108 = tpu.memref_slice %arg2[%dma_start3A_106, %dma_start3A_107] : memref<100000x1024xf32, #tpu.memory_space<hbm>> -> memref<100000x1024xf32, #tpu.memory_space<hbm>>
    tpu.enqueue_indirect_dma source(%dma_start3A_108 : memref<100000x1024xf32, #tpu.memory_space<hbm>>) target(%arg7 : memref<32x1024xf32, #tpu.memory_space<vmem>>) offsets(%dma_start3A_105 : memref<32xi32, #tpu.memory_space<vmem>>) semaphore(%arg9 : memref<!tpu.dma_semaphore, #tpu.memory_space<semaphore_mem>>)
    %add3A_109 = arith.constant 128 : i32
    %add3A_110 = arith.addi %mul3A_2, %add3A_109 : i32
    %dma_start3A_111 = arith.constant 0 : i32
    %dma_start3A_112 = tpu.memref_slice %arg4[%add3A_110, %dma_start3A_111] : memref<6144x1024xf32, #tpu.memory_space<hbm>> -> memref<32x1024xf32, #tpu.memory_space<hbm>>
    %dma_start3A_113 = arith.constant 0 : i32
    %dma_start3A_114 = tpu.memref_slice %arg4[%add3A_110, %dma_start3A_113] : memref<6144x1024xf32, #tpu.memory_space<hbm>> -> memref<32x1024xf32, #tpu.memory_space<hbm>>
    tpu.enqueue_dma source(%arg6 : memref<32x1024xf32, #tpu.memory_space<vmem>>) target(%dma_start3A_114 : memref<32x1024xf32, #tpu.memory_space<hbm>>) target_semaphore(%arg10 : memref<!tpu.dma_semaphore, #tpu.memory_space<semaphore_mem>>)
    %dma_wait3A_115 = arith.constant 0 : i32
    %dma_wait3A_116 = arith.constant 0 : i32
    %dma_wait3A_117 = tpu.memref_slice %arg2[%dma_wait3A_115, %dma_wait3A_116] : memref<100000x1024xf32, #tpu.memory_space<hbm>> -> memref<32x1024xf32, #tpu.memory_space<hbm>>
    %dma_wait3A_118 = arith.constant 0 : i32
    %dma_wait3A_119 = arith.constant 0 : i32
    %dma_wait3A_120 = tpu.memref_slice %arg2[%dma_wait3A_118, %dma_wait3A_119] : memref<100000x1024xf32, #tpu.memory_space<hbm>> -> memref<32x1024xf32, #tpu.memory_space<hbm>>
    tpu.wait_dma2 semaphore(%arg9 : memref<!tpu.dma_semaphore, #tpu.memory_space<semaphore_mem>>) src(%dma_wait3A_120 : memref<32x1024xf32, #tpu.memory_space<hbm>>) dst(%arg7 : memref<32x1024xf32, #tpu.memory_space<vmem>>)
    %add3A_121 = arith.constant 160 : i32
    %add3A_122 = arith.addi %mul3A_2, %add3A_121 : i32
    %dma_start3A_123 = arith.constant 0 : i32
    %dma_start3A_124 = tpu.memref_slice %arg4[%add3A_122, %dma_start3A_123] : memref<6144x1024xf32, #tpu.memory_space<hbm>> -> memref<32x1024xf32, #tpu.memory_space<hbm>>
    %dma_start3A_125 = arith.constant 0 : i32
    %dma_start3A_126 = tpu.memref_slice %arg4[%add3A_122, %dma_start3A_125] : memref<6144x1024xf32, #tpu.memory_space<hbm>> -> memref<32x1024xf32, #tpu.memory_space<hbm>>
    tpu.enqueue_dma source(%arg7 : memref<32x1024xf32, #tpu.memory_space<vmem>>) target(%dma_start3A_126 : memref<32x1024xf32, #tpu.memory_space<hbm>>) target_semaphore(%arg11 : memref<!tpu.dma_semaphore, #tpu.memory_space<semaphore_mem>>)
    %dma_wait3A_127 = arith.constant 0 : i32
    %dma_wait3A_128 = arith.constant 0 : i32
    %dma_wait3A_129 = tpu.memref_slice %arg2[%dma_wait3A_127, %dma_wait3A_128] : memref<100000x1024xf32, #tpu.memory_space<hbm>> -> memref<32x1024xf32, #tpu.memory_space<hbm>>
    %dma_wait3A_130 = arith.constant 0 : i32
    %dma_wait3A_131 = arith.constant 0 : i32
    %dma_wait3A_132 = tpu.memref_slice %arg2[%dma_wait3A_130, %dma_wait3A_131] : memref<100000x1024xf32, #tpu.memory_space<hbm>> -> memref<32x1024xf32, #tpu.memory_space<hbm>>
    tpu.wait_dma2 semaphore(%arg10 : memref<!tpu.dma_semaphore, #tpu.memory_space<semaphore_mem>>) src(%dma_wait3A_132 : memref<32x1024xf32, #tpu.memory_space<hbm>>) dst(%arg6 : memref<32x1024xf32, #tpu.memory_space<vmem>>)
    %dma_wait3A_133 = arith.constant 0 : i32
    %dma_wait3A_134 = arith.constant 0 : i32
    %dma_wait3A_135 = tpu.memref_slice %arg2[%dma_wait3A_133, %dma_wait3A_134] : memref<100000x1024xf32, #tpu.memory_space<hbm>> -> memref<32x1024xf32, #tpu.memory_space<hbm>>
    %dma_wait3A_136 = arith.constant 0 : i32
    %dma_wait3A_137 = arith.constant 0 : i32
    %dma_wait3A_138 = tpu.memref_slice %arg2[%dma_wait3A_136, %dma_wait3A_137] : memref<100000x1024xf32, #tpu.memory_space<hbm>> -> memref<32x1024xf32, #tpu.memory_space<hbm>>
    tpu.wait_dma2 semaphore(%arg11 : memref<!tpu.dma_semaphore, #tpu.memory_space<semaphore_mem>>) src(%dma_wait3A_138 : memref<32x1024xf32, #tpu.memory_space<hbm>>) dst(%arg7 : memref<32x1024xf32, #tpu.memory_space<vmem>>)
    return
  }
}

#map = affine_map<(d0, d1) -> (0, 0)>
#map1 = affine_map<(d0, d1) -> (0)>
module attributes {stable_mosaic.version = 14 : i64} {
  func.func @_lambda_(%arg0: i32, %arg1: i32, %arg2: memref<100000x1024xf32, #tpu.memory_space<hbm>>, %arg3: memref<2048xi32, #tpu.memory_space<hbm>>, %arg4: memref<2048x1024xf32, #tpu.memory_space<hbm>>, %arg5: memref<64xi32, #tpu.memory_space<vmem>>, %arg6: memref<32x1024xf32, #tpu.memory_space<vmem>>, %arg7: memref<32x1024xf32, #tpu.memory_space<vmem>>, %arg8: memref<!tpu.dma_semaphore, #tpu.memory_space<semaphore_mem>>, %arg9: memref<!tpu.dma_semaphore, #tpu.memory_space<semaphore_mem>>, %arg10: memref<!tpu.dma_semaphore, #tpu.memory_space<semaphore_mem>>, %arg11: memref<!tpu.dma_semaphore, #tpu.memory_space<semaphore_mem>>) attributes {dimension_semantics = [#tpu.dimension_semantics<core_parallel>, #tpu.dimension_semantics<subcore_parallel>], iteration_bounds = array<i64: 2, 16>, scalar_prefetch = 0 : i64, scratch_operands = 7 : i64, tpu.core_type = #tpu.core_type<sc_vector_subcore>, window_params = [{transform_indices = #map}, {transform_indices = #map1}, {transform_indices = #map}]} {
    %mul3A = arith.constant 2 : i32
    %mul3A_0 = arith.muli %arg1, %mul3A : i32
    %add3A = arith.addi %mul3A_0, %arg0 : i32
    %mul3A_1 = arith.constant 64 : i32
    %mul3A_2 = arith.muli %add3A, %mul3A_1 : i32
    "tpu.region"() ({
      %run_scoped3A = tpu.sem_alloc : memref<!tpu.dma_semaphore, #tpu.memory_space<semaphore_mem>>
      %dma_start3A_47 = tpu.memref_slice %arg3[%mul3A_2] : memref<2048xi32, #tpu.memory_space<hbm>> -> memref<64xi32, #tpu.memory_space<hbm>>
      %dma_start3A_48 = tpu.memref_slice %arg3[%mul3A_2] : memref<2048xi32, #tpu.memory_space<hbm>> -> memref<64xi32, #tpu.memory_space<hbm>>
      tpu.enqueue_dma source(%dma_start3A_48 : memref<64xi32, #tpu.memory_space<hbm>>) target(%arg5 : memref<64xi32, #tpu.memory_space<vmem>>) target_semaphore(%run_scoped3A : memref<!tpu.dma_semaphore, #tpu.memory_space<semaphore_mem>>)
      %dma_wait3A_49 = tpu.memref_slice %arg3[%mul3A_2] : memref<2048xi32, #tpu.memory_space<hbm>> -> memref<64xi32, #tpu.memory_space<hbm>>
      %dma_wait3A_50 = tpu.memref_slice %arg3[%mul3A_2] : memref<2048xi32, #tpu.memory_space<hbm>> -> memref<64xi32, #tpu.memory_space<hbm>>
      tpu.wait_dma2 semaphore(%run_scoped3A : memref<!tpu.dma_semaphore, #tpu.memory_space<semaphore_mem>>) src(%dma_wait3A_50 : memref<64xi32, #tpu.memory_space<hbm>>) dst(%arg5 : memref<64xi32, #tpu.memory_space<vmem>>)
      tpu.yield
    }) : () -> ()
    %dma_start3A = arith.constant 0 : i32
    %dma_start3A_3 = tpu.memref_slice %arg5[%dma_start3A] : memref<64xi32, #tpu.memory_space<vmem>> -> memref<32xi32, #tpu.memory_space<vmem>>
    %dma_start3A_4 = arith.constant 0 : i32
    %dma_start3A_5 = arith.constant 0 : i32
    %dma_start3A_6 = tpu.memref_slice %arg2[%dma_start3A_4, %dma_start3A_5] : memref<100000x1024xf32, #tpu.memory_space<hbm>> -> memref<100000x1024xf32, #tpu.memory_space<hbm>>
    tpu.enqueue_indirect_dma source(%dma_start3A_6 : memref<100000x1024xf32, #tpu.memory_space<hbm>>) target(%arg6 : memref<32x1024xf32, #tpu.memory_space<vmem>>) offsets(%dma_start3A_3 : memref<32xi32, #tpu.memory_space<vmem>>) semaphore(%arg8 : memref<!tpu.dma_semaphore, #tpu.memory_space<semaphore_mem>>)
    %dma_wait3A = arith.constant 0 : i32
    %dma_wait3A_7 = arith.constant 0 : i32
    %dma_wait3A_8 = tpu.memref_slice %arg2[%dma_wait3A, %dma_wait3A_7] : memref<100000x1024xf32, #tpu.memory_space<hbm>> -> memref<32x1024xf32, #tpu.memory_space<hbm>>
    %dma_wait3A_9 = arith.constant 0 : i32
    %dma_wait3A_10 = arith.constant 0 : i32
    %dma_wait3A_11 = tpu.memref_slice %arg2[%dma_wait3A_9, %dma_wait3A_10] : memref<100000x1024xf32, #tpu.memory_space<hbm>> -> memref<32x1024xf32, #tpu.memory_space<hbm>>
    tpu.wait_dma2 semaphore(%arg8 : memref<!tpu.dma_semaphore, #tpu.memory_space<semaphore_mem>>) src(%dma_wait3A_11 : memref<32x1024xf32, #tpu.memory_space<hbm>>) dst(%arg6 : memref<32x1024xf32, #tpu.memory_space<vmem>>)
    %dma_start3A_12 = arith.constant 32 : i32
    %dma_start3A_13 = tpu.memref_slice %arg5[%dma_start3A_12] : memref<64xi32, #tpu.memory_space<vmem>> -> memref<32xi32, #tpu.memory_space<vmem>>
    %dma_start3A_14 = arith.constant 0 : i32
    %dma_start3A_15 = arith.constant 0 : i32
    %dma_start3A_16 = tpu.memref_slice %arg2[%dma_start3A_14, %dma_start3A_15] : memref<100000x1024xf32, #tpu.memory_space<hbm>> -> memref<100000x1024xf32, #tpu.memory_space<hbm>>
    tpu.enqueue_indirect_dma source(%dma_start3A_16 : memref<100000x1024xf32, #tpu.memory_space<hbm>>) target(%arg7 : memref<32x1024xf32, #tpu.memory_space<vmem>>) offsets(%dma_start3A_13 : memref<32xi32, #tpu.memory_space<vmem>>) semaphore(%arg9 : memref<!tpu.dma_semaphore, #tpu.memory_space<semaphore_mem>>)
    %add3A_17 = arith.constant 0 : i32
    %add3A_18 = arith.addi %mul3A_2, %add3A_17 : i32
    %dma_start3A_19 = arith.constant 0 : i32
    %dma_start3A_20 = tpu.memref_slice %arg4[%add3A_18, %dma_start3A_19] : memref<2048x1024xf32, #tpu.memory_space<hbm>> -> memref<32x1024xf32, #tpu.memory_space<hbm>>
    %dma_start3A_21 = arith.constant 0 : i32
    %dma_start3A_22 = tpu.memref_slice %arg4[%add3A_18, %dma_start3A_21] : memref<2048x1024xf32, #tpu.memory_space<hbm>> -> memref<32x1024xf32, #tpu.memory_space<hbm>>
    tpu.enqueue_dma source(%arg6 : memref<32x1024xf32, #tpu.memory_space<vmem>>) target(%dma_start3A_22 : memref<32x1024xf32, #tpu.memory_space<hbm>>) target_semaphore(%arg10 : memref<!tpu.dma_semaphore, #tpu.memory_space<semaphore_mem>>)
    %dma_wait3A_23 = arith.constant 0 : i32
    %dma_wait3A_24 = arith.constant 0 : i32
    %dma_wait3A_25 = tpu.memref_slice %arg2[%dma_wait3A_23, %dma_wait3A_24] : memref<100000x1024xf32, #tpu.memory_space<hbm>> -> memref<32x1024xf32, #tpu.memory_space<hbm>>
    %dma_wait3A_26 = arith.constant 0 : i32
    %dma_wait3A_27 = arith.constant 0 : i32
    %dma_wait3A_28 = tpu.memref_slice %arg2[%dma_wait3A_26, %dma_wait3A_27] : memref<100000x1024xf32, #tpu.memory_space<hbm>> -> memref<32x1024xf32, #tpu.memory_space<hbm>>
    tpu.wait_dma2 semaphore(%arg9 : memref<!tpu.dma_semaphore, #tpu.memory_space<semaphore_mem>>) src(%dma_wait3A_28 : memref<32x1024xf32, #tpu.memory_space<hbm>>) dst(%arg7 : memref<32x1024xf32, #tpu.memory_space<vmem>>)
    %add3A_29 = arith.constant 32 : i32
    %add3A_30 = arith.addi %mul3A_2, %add3A_29 : i32
    %dma_start3A_31 = arith.constant 0 : i32
    %dma_start3A_32 = tpu.memref_slice %arg4[%add3A_30, %dma_start3A_31] : memref<2048x1024xf32, #tpu.memory_space<hbm>> -> memref<32x1024xf32, #tpu.memory_space<hbm>>
    %dma_start3A_33 = arith.constant 0 : i32
    %dma_start3A_34 = tpu.memref_slice %arg4[%add3A_30, %dma_start3A_33] : memref<2048x1024xf32, #tpu.memory_space<hbm>> -> memref<32x1024xf32, #tpu.memory_space<hbm>>
    tpu.enqueue_dma source(%arg7 : memref<32x1024xf32, #tpu.memory_space<vmem>>) target(%dma_start3A_34 : memref<32x1024xf32, #tpu.memory_space<hbm>>) target_semaphore(%arg11 : memref<!tpu.dma_semaphore, #tpu.memory_space<semaphore_mem>>)
    %dma_wait3A_35 = arith.constant 0 : i32
    %dma_wait3A_36 = arith.constant 0 : i32
    %dma_wait3A_37 = tpu.memref_slice %arg2[%dma_wait3A_35, %dma_wait3A_36] : memref<100000x1024xf32, #tpu.memory_space<hbm>> -> memref<32x1024xf32, #tpu.memory_space<hbm>>
    %dma_wait3A_38 = arith.constant 0 : i32
    %dma_wait3A_39 = arith.constant 0 : i32
    %dma_wait3A_40 = tpu.memref_slice %arg2[%dma_wait3A_38, %dma_wait3A_39] : memref<100000x1024xf32, #tpu.memory_space<hbm>> -> memref<32x1024xf32, #tpu.memory_space<hbm>>
    tpu.wait_dma2 semaphore(%arg10 : memref<!tpu.dma_semaphore, #tpu.memory_space<semaphore_mem>>) src(%dma_wait3A_40 : memref<32x1024xf32, #tpu.memory_space<hbm>>) dst(%arg6 : memref<32x1024xf32, #tpu.memory_space<vmem>>)
    %dma_wait3A_41 = arith.constant 0 : i32
    %dma_wait3A_42 = arith.constant 0 : i32
    %dma_wait3A_43 = tpu.memref_slice %arg2[%dma_wait3A_41, %dma_wait3A_42] : memref<100000x1024xf32, #tpu.memory_space<hbm>> -> memref<32x1024xf32, #tpu.memory_space<hbm>>
    %dma_wait3A_44 = arith.constant 0 : i32
    %dma_wait3A_45 = arith.constant 0 : i32
    %dma_wait3A_46 = tpu.memref_slice %arg2[%dma_wait3A_44, %dma_wait3A_45] : memref<100000x1024xf32, #tpu.memory_space<hbm>> -> memref<32x1024xf32, #tpu.memory_space<hbm>>
    tpu.wait_dma2 semaphore(%arg11 : memref<!tpu.dma_semaphore, #tpu.memory_space<semaphore_mem>>) src(%dma_wait3A_46 : memref<32x1024xf32, #tpu.memory_space<hbm>>) dst(%arg7 : memref<32x1024xf32, #tpu.memory_space<vmem>>)
    return
  }
}

#map = affine_map<(d0, d1) -> (0, 0)>
#map1 = affine_map<(d0, d1) -> (0)>
module attributes {stable_mosaic.version = 14 : i64} {
  func.func @_lambda_(%arg0: i32, %arg1: i32, %arg2: memref<100000x1024xf32, #tpu.memory_space<hbm>>, %arg3: memref<6144xi32, #tpu.memory_space<hbm>>, %arg4: memref<6144x1024xf32, #tpu.memory_space<hbm>>, %arg5: memref<192xi32, #tpu.memory_space<vmem>>, %arg6: memref<32x1024xf32, #tpu.memory_space<vmem>>, %arg7: memref<32x1024xf32, #tpu.memory_space<vmem>>, %arg8: memref<!tpu.dma_semaphore, #tpu.memory_space<semaphore_mem>>, %arg9: memref<!tpu.dma_semaphore, #tpu.memory_space<semaphore_mem>>, %arg10: memref<!tpu.dma_semaphore, #tpu.memory_space<semaphore_mem>>, %arg11: memref<!tpu.dma_semaphore, #tpu.memory_space<semaphore_mem>>) attributes {dimension_semantics = [#tpu.dimension_semantics<core_parallel>, #tpu.dimension_semantics<subcore_parallel>], iteration_bounds = array<i64: 2, 16>, scalar_prefetch = 0 : i64, scratch_operands = 7 : i64, tpu.core_type = #tpu.core_type<sc_vector_subcore>, window_params = [{transform_indices = #map}, {transform_indices = #map1}, {transform_indices = #map}]} {
    %mul3A = arith.constant 2 : i32
    %mul3A_0 = arith.muli %arg1, %mul3A : i32
    %add3A = arith.addi %mul3A_0, %arg0 : i32
    %mul3A_1 = arith.constant 192 : i32
    %mul3A_2 = arith.muli %add3A, %mul3A_1 : i32
    "tpu.region"() ({
      %run_scoped3A = tpu.sem_alloc : memref<!tpu.dma_semaphore, #tpu.memory_space<semaphore_mem>>
      %dma_start3A_139 = tpu.memref_slice %arg3[%mul3A_2] : memref<6144xi32, #tpu.memory_space<hbm>> -> memref<192xi32, #tpu.memory_space<hbm>>
      %dma_start3A_140 = tpu.memref_slice %arg3[%mul3A_2] : memref<6144xi32, #tpu.memory_space<hbm>> -> memref<192xi32, #tpu.memory_space<hbm>>
      tpu.enqueue_dma source(%dma_start3A_140 : memref<192xi32, #tpu.memory_space<hbm>>) target(%arg5 : memref<192xi32, #tpu.memory_space<vmem>>) target_semaphore(%run_scoped3A : memref<!tpu.dma_semaphore, #tpu.memory_space<semaphore_mem>>)
      %dma_wait3A_141 = tpu.memref_slice %arg3[%mul3A_2] : memref<6144xi32, #tpu.memory_space<hbm>> -> memref<192xi32, #tpu.memory_space<hbm>>
      %dma_wait3A_142 = tpu.memref_slice %arg3[%mul3A_2] : memref<6144xi32, #tpu.memory_space<hbm>> -> memref<192xi32, #tpu.memory_space<hbm>>
      tpu.wait_dma2 semaphore(%run_scoped3A : memref<!tpu.dma_semaphore, #tpu.memory_space<semaphore_mem>>) src(%dma_wait3A_142 : memref<192xi32, #tpu.memory_space<hbm>>) dst(%arg5 : memref<192xi32, #tpu.memory_space<vmem>>)
      tpu.yield
    }) : () -> ()
    %dma_start3A = arith.constant 0 : i32
    %dma_start3A_3 = tpu.memref_slice %arg5[%dma_start3A] : memref<192xi32, #tpu.memory_space<vmem>> -> memref<32xi32, #tpu.memory_space<vmem>>
    %dma_start3A_4 = arith.constant 0 : i32
    %dma_start3A_5 = arith.constant 0 : i32
    %dma_start3A_6 = tpu.memref_slice %arg2[%dma_start3A_4, %dma_start3A_5] : memref<100000x1024xf32, #tpu.memory_space<hbm>> -> memref<100000x1024xf32, #tpu.memory_space<hbm>>
    tpu.enqueue_indirect_dma source(%dma_start3A_6 : memref<100000x1024xf32, #tpu.memory_space<hbm>>) target(%arg6 : memref<32x1024xf32, #tpu.memory_space<vmem>>) offsets(%dma_start3A_3 : memref<32xi32, #tpu.memory_space<vmem>>) semaphore(%arg8 : memref<!tpu.dma_semaphore, #tpu.memory_space<semaphore_mem>>)
    %dma_wait3A = arith.constant 0 : i32
    %dma_wait3A_7 = arith.constant 0 : i32
    %dma_wait3A_8 = tpu.memref_slice %arg2[%dma_wait3A, %dma_wait3A_7] : memref<100000x1024xf32, #tpu.memory_space<hbm>> -> memref<32x1024xf32, #tpu.memory_space<hbm>>
    %dma_wait3A_9 = arith.constant 0 : i32
    %dma_wait3A_10 = arith.constant 0 : i32
    %dma_wait3A_11 = tpu.memref_slice %arg2[%dma_wait3A_9, %dma_wait3A_10] : memref<100000x1024xf32, #tpu.memory_space<hbm>> -> memref<32x1024xf32, #tpu.memory_space<hbm>>
    tpu.wait_dma2 semaphore(%arg8 : memref<!tpu.dma_semaphore, #tpu.memory_space<semaphore_mem>>) src(%dma_wait3A_11 : memref<32x1024xf32, #tpu.memory_space<hbm>>) dst(%arg6 : memref<32x1024xf32, #tpu.memory_space<vmem>>)
    %dma_start3A_12 = arith.constant 32 : i32
    %dma_start3A_13 = tpu.memref_slice %arg5[%dma_start3A_12] : memref<192xi32, #tpu.memory_space<vmem>> -> memref<32xi32, #tpu.memory_space<vmem>>
    %dma_start3A_14 = arith.constant 0 : i32
    %dma_start3A_15 = arith.constant 0 : i32
    %dma_start3A_16 = tpu.memref_slice %arg2[%dma_start3A_14, %dma_start3A_15] : memref<100000x1024xf32, #tpu.memory_space<hbm>> -> memref<100000x1024xf32, #tpu.memory_space<hbm>>
    tpu.enqueue_indirect_dma source(%dma_start3A_16 : memref<100000x1024xf32, #tpu.memory_space<hbm>>) target(%arg7 : memref<32x1024xf32, #tpu.memory_space<vmem>>) offsets(%dma_start3A_13 : memref<32xi32, #tpu.memory_space<vmem>>) semaphore(%arg9 : memref<!tpu.dma_semaphore, #tpu.memory_space<semaphore_mem>>)
    %add3A_17 = arith.constant 0 : i32
    %add3A_18 = arith.addi %mul3A_2, %add3A_17 : i32
    %dma_start3A_19 = arith.constant 0 : i32
    %dma_start3A_20 = tpu.memref_slice %arg4[%add3A_18, %dma_start3A_19] : memref<6144x1024xf32, #tpu.memory_space<hbm>> -> memref<32x1024xf32, #tpu.memory_space<hbm>>
    %dma_start3A_21 = arith.constant 0 : i32
    %dma_start3A_22 = tpu.memref_slice %arg4[%add3A_18, %dma_start3A_21] : memref<6144x1024xf32, #tpu.memory_space<hbm>> -> memref<32x1024xf32, #tpu.memory_space<hbm>>
    tpu.enqueue_dma source(%arg6 : memref<32x1024xf32, #tpu.memory_space<vmem>>) target(%dma_start3A_22 : memref<32x1024xf32, #tpu.memory_space<hbm>>) target_semaphore(%arg10 : memref<!tpu.dma_semaphore, #tpu.memory_space<semaphore_mem>>)
    %dma_wait3A_23 = arith.constant 0 : i32
    %dma_wait3A_24 = arith.constant 0 : i32
    %dma_wait3A_25 = tpu.memref_slice %arg2[%dma_wait3A_23, %dma_wait3A_24] : memref<100000x1024xf32, #tpu.memory_space<hbm>> -> memref<32x1024xf32, #tpu.memory_space<hbm>>
    %dma_wait3A_26 = arith.constant 0 : i32
    %dma_wait3A_27 = arith.constant 0 : i32
    %dma_wait3A_28 = tpu.memref_slice %arg2[%dma_wait3A_26, %dma_wait3A_27] : memref<100000x1024xf32, #tpu.memory_space<hbm>> -> memref<32x1024xf32, #tpu.memory_space<hbm>>
    tpu.wait_dma2 semaphore(%arg9 : memref<!tpu.dma_semaphore, #tpu.memory_space<semaphore_mem>>) src(%dma_wait3A_28 : memref<32x1024xf32, #tpu.memory_space<hbm>>) dst(%arg7 : memref<32x1024xf32, #tpu.memory_space<vmem>>)
    %dma_wait3A_29 = arith.constant 0 : i32
    %dma_wait3A_30 = arith.constant 0 : i32
    %dma_wait3A_31 = tpu.memref_slice %arg2[%dma_wait3A_29, %dma_wait3A_30] : memref<100000x1024xf32, #tpu.memory_space<hbm>> -> memref<32x1024xf32, #tpu.memory_space<hbm>>
    %dma_wait3A_32 = arith.constant 0 : i32
    %dma_wait3A_33 = arith.constant 0 : i32
    %dma_wait3A_34 = tpu.memref_slice %arg2[%dma_wait3A_32, %dma_wait3A_33] : memref<100000x1024xf32, #tpu.memory_space<hbm>> -> memref<32x1024xf32, #tpu.memory_space<hbm>>
    tpu.wait_dma2 semaphore(%arg10 : memref<!tpu.dma_semaphore, #tpu.memory_space<semaphore_mem>>) src(%dma_wait3A_34 : memref<32x1024xf32, #tpu.memory_space<hbm>>) dst(%arg6 : memref<32x1024xf32, #tpu.memory_space<vmem>>)
    %dma_start3A_35 = arith.constant 64 : i32
    %dma_start3A_36 = tpu.memref_slice %arg5[%dma_start3A_35] : memref<192xi32, #tpu.memory_space<vmem>> -> memref<32xi32, #tpu.memory_space<vmem>>
    %dma_start3A_37 = arith.constant 0 : i32
    %dma_start3A_38 = arith.constant 0 : i32
    %dma_start3A_39 = tpu.memref_slice %arg2[%dma_start3A_37, %dma_start3A_38] : memref<100000x1024xf32, #tpu.memory_space<hbm>> -> memref<100000x1024xf32, #tpu.memory_space<hbm>>
    tpu.enqueue_indirect_dma source(%dma_start3A_39 : memref<100000x1024xf32, #tpu.memory_space<hbm>>) target(%arg6 : memref<32x1024xf32, #tpu.memory_space<vmem>>) offsets(%dma_start3A_36 : memref<32xi32, #tpu.memory_space<vmem>>) semaphore(%arg8 : memref<!tpu.dma_semaphore, #tpu.memory_space<semaphore_mem>>)
    %add3A_40 = arith.constant 32 : i32
    %add3A_41 = arith.addi %mul3A_2, %add3A_40 : i32
    %dma_start3A_42 = arith.constant 0 : i32
    %dma_start3A_43 = tpu.memref_slice %arg4[%add3A_41, %dma_start3A_42] : memref<6144x1024xf32, #tpu.memory_space<hbm>> -> memref<32x1024xf32, #tpu.memory_space<hbm>>
    %dma_start3A_44 = arith.constant 0 : i32
    %dma_start3A_45 = tpu.memref_slice %arg4[%add3A_41, %dma_start3A_44] : memref<6144x1024xf32, #tpu.memory_space<hbm>> -> memref<32x1024xf32, #tpu.memory_space<hbm>>
    tpu.enqueue_dma source(%arg7 : memref<32x1024xf32, #tpu.memory_space<vmem>>) target(%dma_start3A_45 : memref<32x1024xf32, #tpu.memory_space<hbm>>) target_semaphore(%arg11 : memref<!tpu.dma_semaphore, #tpu.memory_space<semaphore_mem>>)
    %dma_wait3A_46 = arith.constant 0 : i32
    %dma_wait3A_47 = arith.constant 0 : i32
    %dma_wait3A_48 = tpu.memref_slice %arg2[%dma_wait3A_46, %dma_wait3A_47] : memref<100000x1024xf32, #tpu.memory_space<hbm>> -> memref<32x1024xf32, #tpu.memory_space<hbm>>
    %dma_wait3A_49 = arith.constant 0 : i32
    %dma_wait3A_50 = arith.constant 0 : i32
    %dma_wait3A_51 = tpu.memref_slice %arg2[%dma_wait3A_49, %dma_wait3A_50] : memref<100000x1024xf32, #tpu.memory_space<hbm>> -> memref<32x1024xf32, #tpu.memory_space<hbm>>
    tpu.wait_dma2 semaphore(%arg8 : memref<!tpu.dma_semaphore, #tpu.memory_space<semaphore_mem>>) src(%dma_wait3A_51 : memref<32x1024xf32, #tpu.memory_space<hbm>>) dst(%arg6 : memref<32x1024xf32, #tpu.memory_space<vmem>>)
    %dma_wait3A_52 = arith.constant 0 : i32
    %dma_wait3A_53 = arith.constant 0 : i32
    %dma_wait3A_54 = tpu.memref_slice %arg2[%dma_wait3A_52, %dma_wait3A_53] : memref<100000x1024xf32, #tpu.memory_space<hbm>> -> memref<32x1024xf32, #tpu.memory_space<hbm>>
    %dma_wait3A_55 = arith.constant 0 : i32
    %dma_wait3A_56 = arith.constant 0 : i32
    %dma_wait3A_57 = tpu.memref_slice %arg2[%dma_wait3A_55, %dma_wait3A_56] : memref<100000x1024xf32, #tpu.memory_space<hbm>> -> memref<32x1024xf32, #tpu.memory_space<hbm>>
    tpu.wait_dma2 semaphore(%arg11 : memref<!tpu.dma_semaphore, #tpu.memory_space<semaphore_mem>>) src(%dma_wait3A_57 : memref<32x1024xf32, #tpu.memory_space<hbm>>) dst(%arg7 : memref<32x1024xf32, #tpu.memory_space<vmem>>)
    %dma_start3A_58 = arith.constant 96 : i32
    %dma_start3A_59 = tpu.memref_slice %arg5[%dma_start3A_58] : memref<192xi32, #tpu.memory_space<vmem>> -> memref<32xi32, #tpu.memory_space<vmem>>
    %dma_start3A_60 = arith.constant 0 : i32
    %dma_start3A_61 = arith.constant 0 : i32
    %dma_start3A_62 = tpu.memref_slice %arg2[%dma_start3A_60, %dma_start3A_61] : memref<100000x1024xf32, #tpu.memory_space<hbm>> -> memref<100000x1024xf32, #tpu.memory_space<hbm>>
    tpu.enqueue_indirect_dma source(%dma_start3A_62 : memref<100000x1024xf32, #tpu.memory_space<hbm>>) target(%arg7 : memref<32x1024xf32, #tpu.memory_space<vmem>>) offsets(%dma_start3A_59 : memref<32xi32, #tpu.memory_space<vmem>>) semaphore(%arg9 : memref<!tpu.dma_semaphore, #tpu.memory_space<semaphore_mem>>)
    %add3A_63 = arith.constant 64 : i32
    %add3A_64 = arith.addi %mul3A_2, %add3A_63 : i32
    %dma_start3A_65 = arith.constant 0 : i32
    %dma_start3A_66 = tpu.memref_slice %arg4[%add3A_64, %dma_start3A_65] : memref<6144x1024xf32, #tpu.memory_space<hbm>> -> memref<32x1024xf32, #tpu.memory_space<hbm>>
    %dma_start3A_67 = arith.constant 0 : i32
    %dma_start3A_68 = tpu.memref_slice %arg4[%add3A_64, %dma_start3A_67] : memref<6144x1024xf32, #tpu.memory_space<hbm>> -> memref<32x1024xf32, #tpu.memory_space<hbm>>
    tpu.enqueue_dma source(%arg6 : memref<32x1024xf32, #tpu.memory_space<vmem>>) target(%dma_start3A_68 : memref<32x1024xf32, #tpu.memory_space<hbm>>) target_semaphore(%arg10 : memref<!tpu.dma_semaphore, #tpu.memory_space<semaphore_mem>>)
    %dma_wait3A_69 = arith.constant 0 : i32
    %dma_wait3A_70 = arith.constant 0 : i32
    %dma_wait3A_71 = tpu.memref_slice %arg2[%dma_wait3A_69, %dma_wait3A_70] : memref<100000x1024xf32, #tpu.memory_space<hbm>> -> memref<32x1024xf32, #tpu.memory_space<hbm>>
    %dma_wait3A_72 = arith.constant 0 : i32
    %dma_wait3A_73 = arith.constant 0 : i32
    %dma_wait3A_74 = tpu.memref_slice %arg2[%dma_wait3A_72, %dma_wait3A_73] : memref<100000x1024xf32, #tpu.memory_space<hbm>> -> memref<32x1024xf32, #tpu.memory_space<hbm>>
    tpu.wait_dma2 semaphore(%arg9 : memref<!tpu.dma_semaphore, #tpu.memory_space<semaphore_mem>>) src(%dma_wait3A_74 : memref<32x1024xf32, #tpu.memory_space<hbm>>) dst(%arg7 : memref<32x1024xf32, #tpu.memory_space<vmem>>)
    %dma_wait3A_75 = arith.constant 0 : i32
    %dma_wait3A_76 = arith.constant 0 : i32
    %dma_wait3A_77 = tpu.memref_slice %arg2[%dma_wait3A_75, %dma_wait3A_76] : memref<100000x1024xf32, #tpu.memory_space<hbm>> -> memref<32x1024xf32, #tpu.memory_space<hbm>>
    %dma_wait3A_78 = arith.constant 0 : i32
    %dma_wait3A_79 = arith.constant 0 : i32
    %dma_wait3A_80 = tpu.memref_slice %arg2[%dma_wait3A_78, %dma_wait3A_79] : memref<100000x1024xf32, #tpu.memory_space<hbm>> -> memref<32x1024xf32, #tpu.memory_space<hbm>>
    tpu.wait_dma2 semaphore(%arg10 : memref<!tpu.dma_semaphore, #tpu.memory_space<semaphore_mem>>) src(%dma_wait3A_80 : memref<32x1024xf32, #tpu.memory_space<hbm>>) dst(%arg6 : memref<32x1024xf32, #tpu.memory_space<vmem>>)
    %dma_start3A_81 = arith.constant 128 : i32
    %dma_start3A_82 = tpu.memref_slice %arg5[%dma_start3A_81] : memref<192xi32, #tpu.memory_space<vmem>> -> memref<32xi32, #tpu.memory_space<vmem>>
    %dma_start3A_83 = arith.constant 0 : i32
    %dma_start3A_84 = arith.constant 0 : i32
    %dma_start3A_85 = tpu.memref_slice %arg2[%dma_start3A_83, %dma_start3A_84] : memref<100000x1024xf32, #tpu.memory_space<hbm>> -> memref<100000x1024xf32, #tpu.memory_space<hbm>>
    tpu.enqueue_indirect_dma source(%dma_start3A_85 : memref<100000x1024xf32, #tpu.memory_space<hbm>>) target(%arg6 : memref<32x1024xf32, #tpu.memory_space<vmem>>) offsets(%dma_start3A_82 : memref<32xi32, #tpu.memory_space<vmem>>) semaphore(%arg8 : memref<!tpu.dma_semaphore, #tpu.memory_space<semaphore_mem>>)
    %add3A_86 = arith.constant 96 : i32
    %add3A_87 = arith.addi %mul3A_2, %add3A_86 : i32
    %dma_start3A_88 = arith.constant 0 : i32
    %dma_start3A_89 = tpu.memref_slice %arg4[%add3A_87, %dma_start3A_88] : memref<6144x1024xf32, #tpu.memory_space<hbm>> -> memref<32x1024xf32, #tpu.memory_space<hbm>>
    %dma_start3A_90 = arith.constant 0 : i32
    %dma_start3A_91 = tpu.memref_slice %arg4[%add3A_87, %dma_start3A_90] : memref<6144x1024xf32, #tpu.memory_space<hbm>> -> memref<32x1024xf32, #tpu.memory_space<hbm>>
    tpu.enqueue_dma source(%arg7 : memref<32x1024xf32, #tpu.memory_space<vmem>>) target(%dma_start3A_91 : memref<32x1024xf32, #tpu.memory_space<hbm>>) target_semaphore(%arg11 : memref<!tpu.dma_semaphore, #tpu.memory_space<semaphore_mem>>)
    %dma_wait3A_92 = arith.constant 0 : i32
    %dma_wait3A_93 = arith.constant 0 : i32
    %dma_wait3A_94 = tpu.memref_slice %arg2[%dma_wait3A_92, %dma_wait3A_93] : memref<100000x1024xf32, #tpu.memory_space<hbm>> -> memref<32x1024xf32, #tpu.memory_space<hbm>>
    %dma_wait3A_95 = arith.constant 0 : i32
    %dma_wait3A_96 = arith.constant 0 : i32
    %dma_wait3A_97 = tpu.memref_slice %arg2[%dma_wait3A_95, %dma_wait3A_96] : memref<100000x1024xf32, #tpu.memory_space<hbm>> -> memref<32x1024xf32, #tpu.memory_space<hbm>>
    tpu.wait_dma2 semaphore(%arg8 : memref<!tpu.dma_semaphore, #tpu.memory_space<semaphore_mem>>) src(%dma_wait3A_97 : memref<32x1024xf32, #tpu.memory_space<hbm>>) dst(%arg6 : memref<32x1024xf32, #tpu.memory_space<vmem>>)
    %dma_wait3A_98 = arith.constant 0 : i32
    %dma_wait3A_99 = arith.constant 0 : i32
    %dma_wait3A_100 = tpu.memref_slice %arg2[%dma_wait3A_98, %dma_wait3A_99] : memref<100000x1024xf32, #tpu.memory_space<hbm>> -> memref<32x1024xf32, #tpu.memory_space<hbm>>
    %dma_wait3A_101 = arith.constant 0 : i32
    %dma_wait3A_102 = arith.constant 0 : i32
    %dma_wait3A_103 = tpu.memref_slice %arg2[%dma_wait3A_101, %dma_wait3A_102] : memref<100000x1024xf32, #tpu.memory_space<hbm>> -> memref<32x1024xf32, #tpu.memory_space<hbm>>
    tpu.wait_dma2 semaphore(%arg11 : memref<!tpu.dma_semaphore, #tpu.memory_space<semaphore_mem>>) src(%dma_wait3A_103 : memref<32x1024xf32, #tpu.memory_space<hbm>>) dst(%arg7 : memref<32x1024xf32, #tpu.memory_space<vmem>>)
    %dma_start3A_104 = arith.constant 160 : i32
    %dma_start3A_105 = tpu.memref_slice %arg5[%dma_start3A_104] : memref<192xi32, #tpu.memory_space<vmem>> -> memref<32xi32, #tpu.memory_space<vmem>>
    %dma_start3A_106 = arith.constant 0 : i32
    %dma_start3A_107 = arith.constant 0 : i32
    %dma_start3A_108 = tpu.memref_slice %arg2[%dma_start3A_106, %dma_start3A_107] : memref<100000x1024xf32, #tpu.memory_space<hbm>> -> memref<100000x1024xf32, #tpu.memory_space<hbm>>
    tpu.enqueue_indirect_dma source(%dma_start3A_108 : memref<100000x1024xf32, #tpu.memory_space<hbm>>) target(%arg7 : memref<32x1024xf32, #tpu.memory_space<vmem>>) offsets(%dma_start3A_105 : memref<32xi32, #tpu.memory_space<vmem>>) semaphore(%arg9 : memref<!tpu.dma_semaphore, #tpu.memory_space<semaphore_mem>>)
    %add3A_109 = arith.constant 128 : i32
    %add3A_110 = arith.addi %mul3A_2, %add3A_109 : i32
    %dma_start3A_111 = arith.constant 0 : i32
    %dma_start3A_112 = tpu.memref_slice %arg4[%add3A_110, %dma_start3A_111] : memref<6144x1024xf32, #tpu.memory_space<hbm>> -> memref<32x1024xf32, #tpu.memory_space<hbm>>
    %dma_start3A_113 = arith.constant 0 : i32
    %dma_start3A_114 = tpu.memref_slice %arg4[%add3A_110, %dma_start3A_113] : memref<6144x1024xf32, #tpu.memory_space<hbm>> -> memref<32x1024xf32, #tpu.memory_space<hbm>>
    tpu.enqueue_dma source(%arg6 : memref<32x1024xf32, #tpu.memory_space<vmem>>) target(%dma_start3A_114 : memref<32x1024xf32, #tpu.memory_space<hbm>>) target_semaphore(%arg10 : memref<!tpu.dma_semaphore, #tpu.memory_space<semaphore_mem>>)
    %dma_wait3A_115 = arith.constant 0 : i32
    %dma_wait3A_116 = arith.constant 0 : i32
    %dma_wait3A_117 = tpu.memref_slice %arg2[%dma_wait3A_115, %dma_wait3A_116] : memref<100000x1024xf32, #tpu.memory_space<hbm>> -> memref<32x1024xf32, #tpu.memory_space<hbm>>
    %dma_wait3A_118 = arith.constant 0 : i32
    %dma_wait3A_119 = arith.constant 0 : i32
    %dma_wait3A_120 = tpu.memref_slice %arg2[%dma_wait3A_118, %dma_wait3A_119] : memref<100000x1024xf32, #tpu.memory_space<hbm>> -> memref<32x1024xf32, #tpu.memory_space<hbm>>
    tpu.wait_dma2 semaphore(%arg9 : memref<!tpu.dma_semaphore, #tpu.memory_space<semaphore_mem>>) src(%dma_wait3A_120 : memref<32x1024xf32, #tpu.memory_space<hbm>>) dst(%arg7 : memref<32x1024xf32, #tpu.memory_space<vmem>>)
    %add3A_121 = arith.constant 160 : i32
    %add3A_122 = arith.addi %mul3A_2, %add3A_121 : i32
    %dma_start3A_123 = arith.constant 0 : i32
    %dma_start3A_124 = tpu.memref_slice %arg4[%add3A_122, %dma_start3A_123] : memref<6144x1024xf32, #tpu.memory_space<hbm>> -> memref<32x1024xf32, #tpu.memory_space<hbm>>
    %dma_start3A_125 = arith.constant 0 : i32
    %dma_start3A_126 = tpu.memref_slice %arg4[%add3A_122, %dma_start3A_125] : memref<6144x1024xf32, #tpu.memory_space<hbm>> -> memref<32x1024xf32, #tpu.memory_space<hbm>>
    tpu.enqueue_dma source(%arg7 : memref<32x1024xf32, #tpu.memory_space<vmem>>) target(%dma_start3A_126 : memref<32x1024xf32, #tpu.memory_space<hbm>>) target_semaphore(%arg11 : memref<!tpu.dma_semaphore, #tpu.memory_space<semaphore_mem>>)
    %dma_wait3A_127 = arith.constant 0 : i32
    %dma_wait3A_128 = arith.constant 0 : i32
    %dma_wait3A_129 = tpu.memref_slice %arg2[%dma_wait3A_127, %dma_wait3A_128] : memref<100000x1024xf32, #tpu.memory_space<hbm>> -> memref<32x1024xf32, #tpu.memory_space<hbm>>
    %dma_wait3A_130 = arith.constant 0 : i32
    %dma_wait3A_131 = arith.constant 0 : i32
    %dma_wait3A_132 = tpu.memref_slice %arg2[%dma_wait3A_130, %dma_wait3A_131] : memref<100000x1024xf32, #tpu.memory_space<hbm>> -> memref<32x1024xf32, #tpu.memory_space<hbm>>
    tpu.wait_dma2 semaphore(%arg10 : memref<!tpu.dma_semaphore, #tpu.memory_space<semaphore_mem>>) src(%dma_wait3A_132 : memref<32x1024xf32, #tpu.memory_space<hbm>>) dst(%arg6 : memref<32x1024xf32, #tpu.memory_space<vmem>>)
    %dma_wait3A_133 = arith.constant 0 : i32
    %dma_wait3A_134 = arith.constant 0 : i32
    %dma_wait3A_135 = tpu.memref_slice %arg2[%dma_wait3A_133, %dma_wait3A_134] : memref<100000x1024xf32, #tpu.memory_space<hbm>> -> memref<32x1024xf32, #tpu.memory_space<hbm>>
    %dma_wait3A_136 = arith.constant 0 : i32
    %dma_wait3A_137 = arith.constant 0 : i32
    %dma_wait3A_138 = tpu.memref_slice %arg2[%dma_wait3A_136, %dma_wait3A_137] : memref<100000x1024xf32, #tpu.memory_space<hbm>> -> memref<32x1024xf32, #tpu.memory_space<hbm>>
    tpu.wait_dma2 semaphore(%arg11 : memref<!tpu.dma_semaphore, #tpu.memory_space<semaphore_mem>>) src(%dma_wait3A_138 : memref<32x1024xf32, #tpu.memory_space<hbm>>) dst(%arg7 : memref<32x1024xf32, #tpu.memory_space<vmem>>)
    return
  }
}

module attributes {stable_mosaic.version = 14 : i64} {
  func.func @_t_body(%arg0: i32, %arg1: memref<2048x1024xf32, #tpu.memory_space<any>>, %arg2: memref<1024x1024xf32, #tpu.memory_space<vmem>>, %arg3: memref<2x1024x1024xf32, #tpu.memory_space<vmem>>, %arg4: memref<2x!tpu.dma_semaphore, #tpu.memory_space<semaphore_mem>>) attributes {dimension_semantics = [#tpu.dimension_semantics<arbitrary>], iteration_bounds = array<i64: 2>, scalar_prefetch = 0 : i64, scratch_operands = 2 : i64, tpu.core_type = #tpu.core_type<tc>, window_params = [{}, {transform_indices = @transform_1, window_bounds = array<i64: 1024, 1024>}]} {
    %eq3A = arith.constant 0 : i32
    %eq3A_0 = arith.cmpi eq, %arg0, %eq3A : i32
    %convert_element_type3A = arith.extui %eq3A_0 : i1 to i32
    %cond3A = arith.constant 0 : i32
    %cond3A_1 = arith.cmpi ne, %convert_element_type3A, %cond3A : i32
    scf.if %cond3A_1 {
      %dma_start3A = arith.constant 0 : i32
      %dma_start3A_64 = arith.constant 0 : i32
      %dma_start3A_65 = tpu.memref_slice %arg4[%dma_start3A_64] : memref<2x!tpu.dma_semaphore, #tpu.memory_space<semaphore_mem>> -> memref<1x!tpu.dma_semaphore, #tpu.memory_space<semaphore_mem>>
      %dma_start3A_66 = tpu.memref_squeeze %dma_start3A_65 : memref<1x!tpu.dma_semaphore, #tpu.memory_space<semaphore_mem>> -> memref<!tpu.dma_semaphore, #tpu.memory_space<semaphore_mem>>
      %dma_start3A_67 = arith.constant 0 : i32
      %dma_start3A_68 = arith.constant 0 : i32
      %dma_start3A_69 = tpu.memref_slice %arg3[%dma_start3A, %dma_start3A_67, %dma_start3A_68] : memref<2x1024x1024xf32, #tpu.memory_space<vmem>> -> memref<1x1024x1024xf32, #tpu.memory_space<vmem>>
      %dma_start3A_70 = tpu.memref_squeeze %dma_start3A_69 : memref<1x1024x1024xf32, #tpu.memory_space<vmem>> -> memref<1024x1024xf32, #tpu.memory_space<vmem>>
      %dma_start3A_71 = arith.constant 0 : i32
      %dma_start3A_72 = arith.constant 0 : i32
      %dma_start3A_73 = tpu.memref_slice %arg1[%dma_start3A_71, %dma_start3A_72] : memref<2048x1024xf32, #tpu.memory_space<any>> -> memref<1024x1024xf32, #tpu.memory_space<any>>
      tpu.enqueue_dma source(%dma_start3A_73 : memref<1024x1024xf32, #tpu.memory_space<any>>) target(%dma_start3A_70 : memref<1024x1024xf32, #tpu.memory_space<vmem>>) target_semaphore(%dma_start3A_66 : memref<!tpu.dma_semaphore, #tpu.memory_space<semaphore_mem>>)
    } else {
    }
    %add3A = arith.constant 1 : i32
    %add3A_2 = arith.addi %arg0, %add3A : i32
    %lt3A = arith.constant 2 : i32
    %lt3A_3 = arith.cmpi slt, %add3A_2, %lt3A : i32
    %convert_element_type3A_4 = arith.extui %lt3A_3 : i1 to i32
    %cond3A_5 = arith.constant 0 : i32
    %cond3A_6 = arith.cmpi ne, %convert_element_type3A_4, %cond3A_5 : i32
    scf.if %cond3A_6 {
      %add3A_64 = arith.constant 1 : i32
      %add3A_65 = arith.addi %arg0, %add3A_64 : i32
      %mul3A = arith.constant 1024 : i32
      %mul3A_66 = arith.muli %add3A_65, %mul3A : i32
      %add3A_67 = arith.constant 1 : i32
      %add3A_68 = arith.addi %arg0, %add3A_67 : i32
      %jit3A_69 = arith.constant 2 : i32
      %eq3A_70 = arith.constant 0 : i32
      %eq3A_71 = arith.cmpi eq, %jit3A_69, %eq3A_70 : i32
      %jit3A_72 = arith.constant 1 : i32
      %select_n3A_73 = arith.select %eq3A_71, %jit3A_72, %jit3A_69 : i32
      %rem3A_74 = arith.remsi %add3A_68, %select_n3A_73 : i32
      %ne3A_75 = arith.constant 0 : i32
      %ne3A_76 = arith.cmpi ne, %rem3A_74, %ne3A_75 : i32
      %lt3A_77 = arith.constant 0 : i32
      %lt3A_78 = arith.cmpi slt, %rem3A_74, %lt3A_77 : i32
      %lt3A_79 = arith.constant 0 : i32
      %lt3A_80 = arith.cmpi slt, %select_n3A_73, %lt3A_79 : i32
      %ne3A_81 = arith.xori %lt3A_78, %lt3A_80 : i1
      %and3A_82 = arith.andi %ne3A_81, %ne3A_76 : i1
      %add3A_83 = arith.addi %rem3A_74, %select_n3A_73 : i32
      %select_n3A_84 = arith.select %and3A_82, %add3A_83, %rem3A_74 : i32
      %add3A_85 = arith.constant 1 : i32
      %add3A_86 = arith.addi %arg0, %add3A_85 : i32
      %jit3A_87 = arith.constant 2 : i32
      %eq3A_88 = arith.constant 0 : i32
      %eq3A_89 = arith.cmpi eq, %jit3A_87, %eq3A_88 : i32
      %jit3A_90 = arith.constant 1 : i32
      %select_n3A_91 = arith.select %eq3A_89, %jit3A_90, %jit3A_87 : i32
      %rem3A_92 = arith.remsi %add3A_86, %select_n3A_91 : i32
      %ne3A_93 = arith.constant 0 : i32
      %ne3A_94 = arith.cmpi ne, %rem3A_92, %ne3A_93 : i32
      %lt3A_95 = arith.constant 0 : i32
      %lt3A_96 = arith.cmpi slt, %rem3A_92, %lt3A_95 : i32
      %lt3A_97 = arith.constant 0 : i32
      %lt3A_98 = arith.cmpi slt, %select_n3A_91, %lt3A_97 : i32
      %ne3A_99 = arith.xori %lt3A_96, %lt3A_98 : i1
      %and3A_100 = arith.andi %ne3A_99, %ne3A_94 : i1
      %add3A_101 = arith.addi %rem3A_92, %select_n3A_91 : i32
      %select_n3A_102 = arith.select %and3A_100, %add3A_101, %rem3A_92 : i32
      %dma_start3A = tpu.memref_slice %arg4[%select_n3A_102] : memref<2x!tpu.dma_semaphore, #tpu.memory_space<semaphore_mem>> -> memref<1x!tpu.dma_semaphore, #tpu.memory_space<semaphore_mem>>
      %dma_start3A_103 = tpu.memref_squeeze %dma_start3A : memref<1x!tpu.dma_semaphore, #tpu.memory_space<semaphore_mem>> -> memref<!tpu.dma_semaphore, #tpu.memory_space<semaphore_mem>>
      %dma_start3A_104 = arith.constant 0 : i32
      %dma_start3A_105 = arith.constant 0 : i32
      %dma_start3A_106 = tpu.memref_slice %arg3[%select_n3A_84, %dma_start3A_104, %dma_start3A_105] : memref<2x1024x1024xf32, #tpu.memory_space<vmem>> -> memref<1x1024x1024xf32, #tpu.memory_space<vmem>>
      %dma_start3A_107 = tpu.memref_squeeze %dma_start3A_106 : memref<1x1024x1024xf32, #tpu.memory_space<vmem>> -> memref<1024x1024xf32, #tpu.memory_space<vmem>>
      %dma_start3A_108 = arith.constant 0 : i32
      %dma_start3A_109 = tpu.memref_slice %arg1[%mul3A_66, %dma_start3A_108] : memref<2048x1024xf32, #tpu.memory_space<any>> -> memref<1024x1024xf32, #tpu.memory_space<any>>
      tpu.enqueue_dma source(%dma_start3A_109 : memref<1024x1024xf32, #tpu.memory_space<any>>) target(%dma_start3A_107 : memref<1024x1024xf32, #tpu.memory_space<vmem>>) target_semaphore(%dma_start3A_103 : memref<!tpu.dma_semaphore, #tpu.memory_space<semaphore_mem>>)
    } else {
    }
    %jit3A = arith.constant 2 : i32
    %eq3A_7 = arith.constant 0 : i32
    %eq3A_8 = arith.cmpi eq, %jit3A, %eq3A_7 : i32
    %jit3A_9 = arith.constant 1 : i32
    %select_n3A = arith.select %eq3A_8, %jit3A_9, %jit3A : i32
    %rem3A = arith.remsi %arg0, %select_n3A : i32
    %ne3A = arith.constant 0 : i32
    %ne3A_10 = arith.cmpi ne, %rem3A, %ne3A : i32
    %lt3A_11 = arith.constant 0 : i32
    %lt3A_12 = arith.cmpi slt, %rem3A, %lt3A_11 : i32
    %lt3A_13 = arith.constant 0 : i32
    %lt3A_14 = arith.cmpi slt, %select_n3A, %lt3A_13 : i32
    %ne3A_15 = arith.xori %lt3A_12, %lt3A_14 : i1
    %and3A = arith.andi %ne3A_15, %ne3A_10 : i1
    %add3A_16 = arith.addi %rem3A, %select_n3A : i32
    %select_n3A_17 = arith.select %and3A, %add3A_16, %rem3A : i32
    %jit3A_18 = arith.constant 2 : i32
    %eq3A_19 = arith.constant 0 : i32
    %eq3A_20 = arith.cmpi eq, %jit3A_18, %eq3A_19 : i32
    %jit3A_21 = arith.constant 1 : i32
    %select_n3A_22 = arith.select %eq3A_20, %jit3A_21, %jit3A_18 : i32
    %rem3A_23 = arith.remsi %arg0, %select_n3A_22 : i32
    %ne3A_24 = arith.constant 0 : i32
    %ne3A_25 = arith.cmpi ne, %rem3A_23, %ne3A_24 : i32
    %lt3A_26 = arith.constant 0 : i32
    %lt3A_27 = arith.cmpi slt, %rem3A_23, %lt3A_26 : i32
    %lt3A_28 = arith.constant 0 : i32
    %lt3A_29 = arith.cmpi slt, %select_n3A_22, %lt3A_28 : i32
    %ne3A_30 = arith.xori %lt3A_27, %lt3A_29 : i1
    %and3A_31 = arith.andi %ne3A_30, %ne3A_25 : i1
    %add3A_32 = arith.addi %rem3A_23, %select_n3A_22 : i32
    %select_n3A_33 = arith.select %and3A_31, %add3A_32, %rem3A_23 : i32
    %dma_wait3A = tpu.memref_slice %arg4[%select_n3A_33] : memref<2x!tpu.dma_semaphore, #tpu.memory_space<semaphore_mem>> -> memref<1x!tpu.dma_semaphore, #tpu.memory_space<semaphore_mem>>
    %dma_wait3A_34 = tpu.memref_squeeze %dma_wait3A : memref<1x!tpu.dma_semaphore, #tpu.memory_space<semaphore_mem>> -> memref<!tpu.dma_semaphore, #tpu.memory_space<semaphore_mem>>
    %dma_wait3A_35 = arith.constant 0 : i32
    %dma_wait3A_36 = arith.constant 0 : i32
    %dma_wait3A_37 = tpu.memref_slice %arg3[%select_n3A_17, %dma_wait3A_35, %dma_wait3A_36] : memref<2x1024x1024xf32, #tpu.memory_space<vmem>> -> memref<1x1024x1024xf32, #tpu.memory_space<vmem>>
    %dma_wait3A_38 = tpu.memref_squeeze %dma_wait3A_37 : memref<1x1024x1024xf32, #tpu.memory_space<vmem>> -> memref<1024x1024xf32, #tpu.memory_space<vmem>>
    %dma_wait3A_39 = arith.constant 0 : i32
    %dma_wait3A_40 = arith.constant 0 : i32
    %dma_wait3A_41 = tpu.memref_slice %arg1[%dma_wait3A_39, %dma_wait3A_40] : memref<2048x1024xf32, #tpu.memory_space<any>> -> memref<1024x1024xf32, #tpu.memory_space<any>>
    tpu.wait_dma2 semaphore(%dma_wait3A_34 : memref<!tpu.dma_semaphore, #tpu.memory_space<semaphore_mem>>) src(%dma_wait3A_41 : memref<1024x1024xf32, #tpu.memory_space<any>>) dst(%dma_wait3A_38 : memref<1024x1024xf32, #tpu.memory_space<vmem>>)
    %jit3A_42 = arith.constant 2 : i32
    %eq3A_43 = arith.constant 0 : i32
    %eq3A_44 = arith.cmpi eq, %jit3A_42, %eq3A_43 : i32
    %jit3A_45 = arith.constant 1 : i32
    %select_n3A_46 = arith.select %eq3A_44, %jit3A_45, %jit3A_42 : i32
    %rem3A_47 = arith.remsi %arg0, %select_n3A_46 : i32
    %ne3A_48 = arith.constant 0 : i32
    %ne3A_49 = arith.cmpi ne, %rem3A_47, %ne3A_48 : i32
    %lt3A_50 = arith.constant 0 : i32
    %lt3A_51 = arith.cmpi slt, %rem3A_47, %lt3A_50 : i32
    %lt3A_52 = arith.constant 0 : i32
    %lt3A_53 = arith.cmpi slt, %select_n3A_46, %lt3A_52 : i32
    %ne3A_54 = arith.xori %lt3A_51, %lt3A_53 : i1
    %and3A_55 = arith.andi %ne3A_54, %ne3A_49 : i1
    %add3A_56 = arith.addi %rem3A_47, %select_n3A_46 : i32
    %select_n3A_57 = arith.select %and3A_55, %add3A_56, %rem3A_47 : i32
    %get3A = arith.index_cast %select_n3A_57 : i32 to index
    %get3A_58 = arith.constant 0 : index
    %get3A_59 = arith.constant 0 : index
    %get3A_60 = vector.load %arg3[%get3A, %get3A_58, %get3A_59] : memref<2x1024x1024xf32, #tpu.memory_space<vmem>>, vector<1x1024x1024xf32>
    %get3A_61 = vector.shape_cast %get3A_60 : vector<1x1024x1024xf32> to vector<1024x1024xf32>
    %transpose3A = tpu.transpose %get3A_61, [1, 0] : vector<1024x1024xf32> -> vector<1024x1024xf32>
    %swap3A = arith.constant 0 : index
    %swap3A_62 = arith.constant 0 : index
    %swap3A_63 = vector.load %arg2[%swap3A, %swap3A_62] : memref<1024x1024xf32, #tpu.memory_space<vmem>>, vector<1024x1024xf32>
    tpu.vector_store %arg2[%swap3A, %swap3A_62], %transpose3A {strides = array<i32>} : memref<1024x1024xf32, #tpu.memory_space<vmem>>, vector<1024x1024xf32>,
    return
  }
  func.func @transform_1(%arg0: i32) -> (i32, i32) {
    %c0_i32 = arith.constant 0 : i32
    %c0_i32_0 = arith.constant 0 : i32
    return %c0_i32, %arg0 : i32, i32
  }
}

module attributes {stable_mosaic.version = 14 : i64} {
  func.func @_t_update_body(%arg0: i32, %arg1: memref<1024x16384xf32, #tpu.memory_space<any>>, %arg2: memref<6144x1024xf32, #tpu.memory_space<any>>, %arg3: memref<1024x1024xf32, #tpu.memory_space<vmem>>, %arg4: memref<2x1024x1024xf32, #tpu.memory_space<vmem>>, %arg5: memref<2x!tpu.dma_semaphore, #tpu.memory_space<semaphore_mem>>) attributes {dimension_semantics = [#tpu.dimension_semantics<arbitrary>], iteration_bounds = array<i64: 6>, scalar_prefetch = 0 : i64, scratch_operands = 2 : i64, tpu.core_type = #tpu.core_type<tc>, window_params = [{}, {}, {transform_indices = @transform_2, window_bounds = array<i64: 1024, 1024>}]} {
    %eq3A = arith.constant 0 : i32
    %eq3A_0 = arith.cmpi eq, %arg0, %eq3A : i32
    %convert_element_type3A = arith.extui %eq3A_0 : i1 to i32
    %cond3A = arith.constant 0 : i32
    %cond3A_1 = arith.cmpi ne, %convert_element_type3A, %cond3A : i32
    scf.if %cond3A_1 {
      %dma_start3A = arith.constant 0 : i32
      %dma_start3A_64 = arith.constant 0 : i32
      %dma_start3A_65 = tpu.memref_slice %arg5[%dma_start3A_64] : memref<2x!tpu.dma_semaphore, #tpu.memory_space<semaphore_mem>> -> memref<1x!tpu.dma_semaphore, #tpu.memory_space<semaphore_mem>>
      %dma_start3A_66 = tpu.memref_squeeze %dma_start3A_65 : memref<1x!tpu.dma_semaphore, #tpu.memory_space<semaphore_mem>> -> memref<!tpu.dma_semaphore, #tpu.memory_space<semaphore_mem>>
      %dma_start3A_67 = arith.constant 0 : i32
      %dma_start3A_68 = arith.constant 0 : i32
      %dma_start3A_69 = tpu.memref_slice %arg4[%dma_start3A, %dma_start3A_67, %dma_start3A_68] : memref<2x1024x1024xf32, #tpu.memory_space<vmem>> -> memref<1x1024x1024xf32, #tpu.memory_space<vmem>>
      %dma_start3A_70 = tpu.memref_squeeze %dma_start3A_69 : memref<1x1024x1024xf32, #tpu.memory_space<vmem>> -> memref<1024x1024xf32, #tpu.memory_space<vmem>>
      %dma_start3A_71 = arith.constant 0 : i32
      %dma_start3A_72 = arith.constant 0 : i32
      %dma_start3A_73 = tpu.memref_slice %arg2[%dma_start3A_71, %dma_start3A_72] : memref<6144x1024xf32, #tpu.memory_space<any>> -> memref<1024x1024xf32, #tpu.memory_space<any>>
      tpu.enqueue_dma source(%dma_start3A_73 : memref<1024x1024xf32, #tpu.memory_space<any>>) target(%dma_start3A_70 : memref<1024x1024xf32, #tpu.memory_space<vmem>>) target_semaphore(%dma_start3A_66 : memref<!tpu.dma_semaphore, #tpu.memory_space<semaphore_mem>>)
    } else {
    }
    %add3A = arith.constant 1 : i32
    %add3A_2 = arith.addi %arg0, %add3A : i32
    %lt3A = arith.constant 6 : i32
    %lt3A_3 = arith.cmpi slt, %add3A_2, %lt3A : i32
    %convert_element_type3A_4 = arith.extui %lt3A_3 : i1 to i32
    %cond3A_5 = arith.constant 0 : i32
    %cond3A_6 = arith.cmpi ne, %convert_element_type3A_4, %cond3A_5 : i32
    scf.if %cond3A_6 {
      %add3A_64 = arith.constant 1 : i32
      %add3A_65 = arith.addi %arg0, %add3A_64 : i32
      %mul3A = arith.constant 1024 : i32
      %mul3A_66 = arith.muli %add3A_65, %mul3A : i32
      %add3A_67 = arith.constant 1 : i32
      %add3A_68 = arith.addi %arg0, %add3A_67 : i32
      %jit3A_69 = arith.constant 2 : i32
      %eq3A_70 = arith.constant 0 : i32
      %eq3A_71 = arith.cmpi eq, %jit3A_69, %eq3A_70 : i32
      %jit3A_72 = arith.constant 1 : i32
      %select_n3A_73 = arith.select %eq3A_71, %jit3A_72, %jit3A_69 : i32
      %rem3A_74 = arith.remsi %add3A_68, %select_n3A_73 : i32
      %ne3A_75 = arith.constant 0 : i32
      %ne3A_76 = arith.cmpi ne, %rem3A_74, %ne3A_75 : i32
      %lt3A_77 = arith.constant 0 : i32
      %lt3A_78 = arith.cmpi slt, %rem3A_74, %lt3A_77 : i32
      %lt3A_79 = arith.constant 0 : i32
      %lt3A_80 = arith.cmpi slt, %select_n3A_73, %lt3A_79 : i32
      %ne3A_81 = arith.xori %lt3A_78, %lt3A_80 : i1
      %and3A_82 = arith.andi %ne3A_81, %ne3A_76 : i1
      %add3A_83 = arith.addi %rem3A_74, %select_n3A_73 : i32
      %select_n3A_84 = arith.select %and3A_82, %add3A_83, %rem3A_74 : i32
      %add3A_85 = arith.constant 1 : i32
      %add3A_86 = arith.addi %arg0, %add3A_85 : i32
      %jit3A_87 = arith.constant 2 : i32
      %eq3A_88 = arith.constant 0 : i32
      %eq3A_89 = arith.cmpi eq, %jit3A_87, %eq3A_88 : i32
      %jit3A_90 = arith.constant 1 : i32
      %select_n3A_91 = arith.select %eq3A_89, %jit3A_90, %jit3A_87 : i32
      %rem3A_92 = arith.remsi %add3A_86, %select_n3A_91 : i32
      %ne3A_93 = arith.constant 0 : i32
      %ne3A_94 = arith.cmpi ne, %rem3A_92, %ne3A_93 : i32
      %lt3A_95 = arith.constant 0 : i32
      %lt3A_96 = arith.cmpi slt, %rem3A_92, %lt3A_95 : i32
      %lt3A_97 = arith.constant 0 : i32
      %lt3A_98 = arith.cmpi slt, %select_n3A_91, %lt3A_97 : i32
      %ne3A_99 = arith.xori %lt3A_96, %lt3A_98 : i1
      %and3A_100 = arith.andi %ne3A_99, %ne3A_94 : i1
      %add3A_101 = arith.addi %rem3A_92, %select_n3A_91 : i32
      %select_n3A_102 = arith.select %and3A_100, %add3A_101, %rem3A_92 : i32
      %dma_start3A = tpu.memref_slice %arg5[%select_n3A_102] : memref<2x!tpu.dma_semaphore, #tpu.memory_space<semaphore_mem>> -> memref<1x!tpu.dma_semaphore, #tpu.memory_space<semaphore_mem>>
      %dma_start3A_103 = tpu.memref_squeeze %dma_start3A : memref<1x!tpu.dma_semaphore, #tpu.memory_space<semaphore_mem>> -> memref<!tpu.dma_semaphore, #tpu.memory_space<semaphore_mem>>
      %dma_start3A_104 = arith.constant 0 : i32
      %dma_start3A_105 = arith.constant 0 : i32
      %dma_start3A_106 = tpu.memref_slice %arg4[%select_n3A_84, %dma_start3A_104, %dma_start3A_105] : memref<2x1024x1024xf32, #tpu.memory_space<vmem>> -> memref<1x1024x1024xf32, #tpu.memory_space<vmem>>
      %dma_start3A_107 = tpu.memref_squeeze %dma_start3A_106 : memref<1x1024x1024xf32, #tpu.memory_space<vmem>> -> memref<1024x1024xf32, #tpu.memory_space<vmem>>
      %dma_start3A_108 = arith.constant 0 : i32
      %dma_start3A_109 = tpu.memref_slice %arg2[%mul3A_66, %dma_start3A_108] : memref<6144x1024xf32, #tpu.memory_space<any>> -> memref<1024x1024xf32, #tpu.memory_space<any>>
      tpu.enqueue_dma source(%dma_start3A_109 : memref<1024x1024xf32, #tpu.memory_space<any>>) target(%dma_start3A_107 : memref<1024x1024xf32, #tpu.memory_space<vmem>>) target_semaphore(%dma_start3A_103 : memref<!tpu.dma_semaphore, #tpu.memory_space<semaphore_mem>>)
    } else {
    }
    %jit3A = arith.constant 2 : i32
    %eq3A_7 = arith.constant 0 : i32
    %eq3A_8 = arith.cmpi eq, %jit3A, %eq3A_7 : i32
    %jit3A_9 = arith.constant 1 : i32
    %select_n3A = arith.select %eq3A_8, %jit3A_9, %jit3A : i32
    %rem3A = arith.remsi %arg0, %select_n3A : i32
    %ne3A = arith.constant 0 : i32
    %ne3A_10 = arith.cmpi ne, %rem3A, %ne3A : i32
    %lt3A_11 = arith.constant 0 : i32
    %lt3A_12 = arith.cmpi slt, %rem3A, %lt3A_11 : i32
    %lt3A_13 = arith.constant 0 : i32
    %lt3A_14 = arith.cmpi slt, %select_n3A, %lt3A_13 : i32
    %ne3A_15 = arith.xori %lt3A_12, %lt3A_14 : i1
    %and3A = arith.andi %ne3A_15, %ne3A_10 : i1
    %add3A_16 = arith.addi %rem3A, %select_n3A : i32
    %select_n3A_17 = arith.select %and3A, %add3A_16, %rem3A : i32
    %jit3A_18 = arith.constant 2 : i32
    %eq3A_19 = arith.constant 0 : i32
    %eq3A_20 = arith.cmpi eq, %jit3A_18, %eq3A_19 : i32
    %jit3A_21 = arith.constant 1 : i32
    %select_n3A_22 = arith.select %eq3A_20, %jit3A_21, %jit3A_18 : i32
    %rem3A_23 = arith.remsi %arg0, %select_n3A_22 : i32
    %ne3A_24 = arith.constant 0 : i32
    %ne3A_25 = arith.cmpi ne, %rem3A_23, %ne3A_24 : i32
    %lt3A_26 = arith.constant 0 : i32
    %lt3A_27 = arith.cmpi slt, %rem3A_23, %lt3A_26 : i32
    %lt3A_28 = arith.constant 0 : i32
    %lt3A_29 = arith.cmpi slt, %select_n3A_22, %lt3A_28 : i32
    %ne3A_30 = arith.xori %lt3A_27, %lt3A_29 : i1
    %and3A_31 = arith.andi %ne3A_30, %ne3A_25 : i1
    %add3A_32 = arith.addi %rem3A_23, %select_n3A_22 : i32
    %select_n3A_33 = arith.select %and3A_31, %add3A_32, %rem3A_23 : i32
    %dma_wait3A = tpu.memref_slice %arg5[%select_n3A_33] : memref<2x!tpu.dma_semaphore, #tpu.memory_space<semaphore_mem>> -> memref<1x!tpu.dma_semaphore, #tpu.memory_space<semaphore_mem>>
    %dma_wait3A_34 = tpu.memref_squeeze %dma_wait3A : memref<1x!tpu.dma_semaphore, #tpu.memory_space<semaphore_mem>> -> memref<!tpu.dma_semaphore, #tpu.memory_space<semaphore_mem>>
    %dma_wait3A_35 = arith.constant 0 : i32
    %dma_wait3A_36 = arith.constant 0 : i32
    %dma_wait3A_37 = tpu.memref_slice %arg4[%select_n3A_17, %dma_wait3A_35, %dma_wait3A_36] : memref<2x1024x1024xf32, #tpu.memory_space<vmem>> -> memref<1x1024x1024xf32, #tpu.memory_space<vmem>>
    %dma_wait3A_38 = tpu.memref_squeeze %dma_wait3A_37 : memref<1x1024x1024xf32, #tpu.memory_space<vmem>> -> memref<1024x1024xf32, #tpu.memory_space<vmem>>
    %dma_wait3A_39 = arith.constant 0 : i32
    %dma_wait3A_40 = arith.constant 0 : i32
    %dma_wait3A_41 = tpu.memref_slice %arg2[%dma_wait3A_39, %dma_wait3A_40] : memref<6144x1024xf32, #tpu.memory_space<any>> -> memref<1024x1024xf32, #tpu.memory_space<any>>
    tpu.wait_dma2 semaphore(%dma_wait3A_34 : memref<!tpu.dma_semaphore, #tpu.memory_space<semaphore_mem>>) src(%dma_wait3A_41 : memref<1024x1024xf32, #tpu.memory_space<any>>) dst(%dma_wait3A_38 : memref<1024x1024xf32, #tpu.memory_space<vmem>>)
    %jit3A_42 = arith.constant 2 : i32
    %eq3A_43 = arith.constant 0 : i32
    %eq3A_44 = arith.cmpi eq, %jit3A_42, %eq3A_43 : i32
    %jit3A_45 = arith.constant 1 : i32
    %select_n3A_46 = arith.select %eq3A_44, %jit3A_45, %jit3A_42 : i32
    %rem3A_47 = arith.remsi %arg0, %select_n3A_46 : i32
    %ne3A_48 = arith.constant 0 : i32
    %ne3A_49 = arith.cmpi ne, %rem3A_47, %ne3A_48 : i32
    %lt3A_50 = arith.constant 0 : i32
    %lt3A_51 = arith.cmpi slt, %rem3A_47, %lt3A_50 : i32
    %lt3A_52 = arith.constant 0 : i32
    %lt3A_53 = arith.cmpi slt, %select_n3A_46, %lt3A_52 : i32
    %ne3A_54 = arith.xori %lt3A_51, %lt3A_53 : i1
    %and3A_55 = arith.andi %ne3A_54, %ne3A_49 : i1
    %add3A_56 = arith.addi %rem3A_47, %select_n3A_46 : i32
    %select_n3A_57 = arith.select %and3A_55, %add3A_56, %rem3A_47 : i32
    %get3A = arith.index_cast %select_n3A_57 : i32 to index
    %get3A_58 = arith.constant 0 : index
    %get3A_59 = arith.constant 0 : index
    %get3A_60 = vector.load %arg4[%get3A, %get3A_58, %get3A_59] : memref<2x1024x1024xf32, #tpu.memory_space<vmem>>, vector<1x1024x1024xf32>
    %get3A_61 = vector.shape_cast %get3A_60 : vector<1x1024x1024xf32> to vector<1024x1024xf32>
    %transpose3A = tpu.transpose %get3A_61, [1, 0] : vector<1024x1024xf32> -> vector<1024x1024xf32>
    %swap3A = arith.constant 0 : index
    %swap3A_62 = arith.constant 0 : index
    %swap3A_63 = vector.load %arg3[%swap3A, %swap3A_62] : memref<1024x1024xf32, #tpu.memory_space<vmem>>, vector<1024x1024xf32>
    tpu.vector_store %arg3[%swap3A, %swap3A_62], %transpose3A {strides = array<i32>} : memref<1024x1024xf32, #tpu.memory_space<vmem>>, vector<1024x1024xf32>,
    return
  }
  func.func @transform_2(%arg0: i32) -> (i32, i32) {
    %add3A = arith.constant 2 : i32
    %add3A_0 = arith.addi %add3A, %arg0 : i32
    %c0_i32 = arith.constant 0 : i32
    %c0_i32_1 = arith.constant 0 : i32
    return %c0_i32, %add3A_0 : i32, i32
  }
}

module attributes {stable_mosaic.version = 14 : i64} {
  func.func @_t_update_body(%arg0: i32, %arg1: memref<1024x16384xf32, #tpu.memory_space<any>>, %arg2: memref<6144x1024xf32, #tpu.memory_space<any>>, %arg3: memref<1024x1024xf32, #tpu.memory_space<vmem>>, %arg4: memref<2x1024x1024xf32, #tpu.memory_space<vmem>>, %arg5: memref<2x!tpu.dma_semaphore, #tpu.memory_space<semaphore_mem>>) attributes {dimension_semantics = [#tpu.dimension_semantics<arbitrary>], iteration_bounds = array<i64: 6>, scalar_prefetch = 0 : i64, scratch_operands = 2 : i64, tpu.core_type = #tpu.core_type<tc>, window_params = [{}, {}, {transform_indices = @transform_2, window_bounds = array<i64: 1024, 1024>}]} {
    %eq3A = arith.constant 0 : i32
    %eq3A_0 = arith.cmpi eq, %arg0, %eq3A : i32
    %convert_element_type3A = arith.extui %eq3A_0 : i1 to i32
    %cond3A = arith.constant 0 : i32
    %cond3A_1 = arith.cmpi ne, %convert_element_type3A, %cond3A : i32
    scf.if %cond3A_1 {
      %dma_start3A = arith.constant 0 : i32
      %dma_start3A_64 = arith.constant 0 : i32
      %dma_start3A_65 = tpu.memref_slice %arg5[%dma_start3A_64] : memref<2x!tpu.dma_semaphore, #tpu.memory_space<semaphore_mem>> -> memref<1x!tpu.dma_semaphore, #tpu.memory_space<semaphore_mem>>
      %dma_start3A_66 = tpu.memref_squeeze %dma_start3A_65 : memref<1x!tpu.dma_semaphore, #tpu.memory_space<semaphore_mem>> -> memref<!tpu.dma_semaphore, #tpu.memory_space<semaphore_mem>>
      %dma_start3A_67 = arith.constant 0 : i32
      %dma_start3A_68 = arith.constant 0 : i32
      %dma_start3A_69 = tpu.memref_slice %arg4[%dma_start3A, %dma_start3A_67, %dma_start3A_68] : memref<2x1024x1024xf32, #tpu.memory_space<vmem>> -> memref<1x1024x1024xf32, #tpu.memory_space<vmem>>
      %dma_start3A_70 = tpu.memref_squeeze %dma_start3A_69 : memref<1x1024x1024xf32, #tpu.memory_space<vmem>> -> memref<1024x1024xf32, #tpu.memory_space<vmem>>
      %dma_start3A_71 = arith.constant 0 : i32
      %dma_start3A_72 = arith.constant 0 : i32
      %dma_start3A_73 = tpu.memref_slice %arg2[%dma_start3A_71, %dma_start3A_72] : memref<6144x1024xf32, #tpu.memory_space<any>> -> memref<1024x1024xf32, #tpu.memory_space<any>>
      tpu.enqueue_dma source(%dma_start3A_73 : memref<1024x1024xf32, #tpu.memory_space<any>>) target(%dma_start3A_70 : memref<1024x1024xf32, #tpu.memory_space<vmem>>) target_semaphore(%dma_start3A_66 : memref<!tpu.dma_semaphore, #tpu.memory_space<semaphore_mem>>)
    } else {
    }
    %add3A = arith.constant 1 : i32
    %add3A_2 = arith.addi %arg0, %add3A : i32
    %lt3A = arith.constant 6 : i32
    %lt3A_3 = arith.cmpi slt, %add3A_2, %lt3A : i32
    %convert_element_type3A_4 = arith.extui %lt3A_3 : i1 to i32
    %cond3A_5 = arith.constant 0 : i32
    %cond3A_6 = arith.cmpi ne, %convert_element_type3A_4, %cond3A_5 : i32
    scf.if %cond3A_6 {
      %add3A_64 = arith.constant 1 : i32
      %add3A_65 = arith.addi %arg0, %add3A_64 : i32
      %mul3A = arith.constant 1024 : i32
      %mul3A_66 = arith.muli %add3A_65, %mul3A : i32
      %add3A_67 = arith.constant 1 : i32
      %add3A_68 = arith.addi %arg0, %add3A_67 : i32
      %jit3A_69 = arith.constant 2 : i32
      %eq3A_70 = arith.constant 0 : i32
      %eq3A_71 = arith.cmpi eq, %jit3A_69, %eq3A_70 : i32
      %jit3A_72 = arith.constant 1 : i32
      %select_n3A_73 = arith.select %eq3A_71, %jit3A_72, %jit3A_69 : i32
      %rem3A_74 = arith.remsi %add3A_68, %select_n3A_73 : i32
      %ne3A_75 = arith.constant 0 : i32
      %ne3A_76 = arith.cmpi ne, %rem3A_74, %ne3A_75 : i32
      %lt3A_77 = arith.constant 0 : i32
      %lt3A_78 = arith.cmpi slt, %rem3A_74, %lt3A_77 : i32
      %lt3A_79 = arith.constant 0 : i32
      %lt3A_80 = arith.cmpi slt, %select_n3A_73, %lt3A_79 : i32
      %ne3A_81 = arith.xori %lt3A_78, %lt3A_80 : i1
      %and3A_82 = arith.andi %ne3A_81, %ne3A_76 : i1
      %add3A_83 = arith.addi %rem3A_74, %select_n3A_73 : i32
      %select_n3A_84 = arith.select %and3A_82, %add3A_83, %rem3A_74 : i32
      %add3A_85 = arith.constant 1 : i32
      %add3A_86 = arith.addi %arg0, %add3A_85 : i32
      %jit3A_87 = arith.constant 2 : i32
      %eq3A_88 = arith.constant 0 : i32
      %eq3A_89 = arith.cmpi eq, %jit3A_87, %eq3A_88 : i32
      %jit3A_90 = arith.constant 1 : i32
      %select_n3A_91 = arith.select %eq3A_89, %jit3A_90, %jit3A_87 : i32
      %rem3A_92 = arith.remsi %add3A_86, %select_n3A_91 : i32
      %ne3A_93 = arith.constant 0 : i32
      %ne3A_94 = arith.cmpi ne, %rem3A_92, %ne3A_93 : i32
      %lt3A_95 = arith.constant 0 : i32
      %lt3A_96 = arith.cmpi slt, %rem3A_92, %lt3A_95 : i32
      %lt3A_97 = arith.constant 0 : i32
      %lt3A_98 = arith.cmpi slt, %select_n3A_91, %lt3A_97 : i32
      %ne3A_99 = arith.xori %lt3A_96, %lt3A_98 : i1
      %and3A_100 = arith.andi %ne3A_99, %ne3A_94 : i1
      %add3A_101 = arith.addi %rem3A_92, %select_n3A_91 : i32
      %select_n3A_102 = arith.select %and3A_100, %add3A_101, %rem3A_92 : i32
      %dma_start3A = tpu.memref_slice %arg5[%select_n3A_102] : memref<2x!tpu.dma_semaphore, #tpu.memory_space<semaphore_mem>> -> memref<1x!tpu.dma_semaphore, #tpu.memory_space<semaphore_mem>>
      %dma_start3A_103 = tpu.memref_squeeze %dma_start3A : memref<1x!tpu.dma_semaphore, #tpu.memory_space<semaphore_mem>> -> memref<!tpu.dma_semaphore, #tpu.memory_space<semaphore_mem>>
      %dma_start3A_104 = arith.constant 0 : i32
      %dma_start3A_105 = arith.constant 0 : i32
      %dma_start3A_106 = tpu.memref_slice %arg4[%select_n3A_84, %dma_start3A_104, %dma_start3A_105] : memref<2x1024x1024xf32, #tpu.memory_space<vmem>> -> memref<1x1024x1024xf32, #tpu.memory_space<vmem>>
      %dma_start3A_107 = tpu.memref_squeeze %dma_start3A_106 : memref<1x1024x1024xf32, #tpu.memory_space<vmem>> -> memref<1024x1024xf32, #tpu.memory_space<vmem>>
      %dma_start3A_108 = arith.constant 0 : i32
      %dma_start3A_109 = tpu.memref_slice %arg2[%mul3A_66, %dma_start3A_108] : memref<6144x1024xf32, #tpu.memory_space<any>> -> memref<1024x1024xf32, #tpu.memory_space<any>>
      tpu.enqueue_dma source(%dma_start3A_109 : memref<1024x1024xf32, #tpu.memory_space<any>>) target(%dma_start3A_107 : memref<1024x1024xf32, #tpu.memory_space<vmem>>) target_semaphore(%dma_start3A_103 : memref<!tpu.dma_semaphore, #tpu.memory_space<semaphore_mem>>)
    } else {
    }
    %jit3A = arith.constant 2 : i32
    %eq3A_7 = arith.constant 0 : i32
    %eq3A_8 = arith.cmpi eq, %jit3A, %eq3A_7 : i32
    %jit3A_9 = arith.constant 1 : i32
    %select_n3A = arith.select %eq3A_8, %jit3A_9, %jit3A : i32
    %rem3A = arith.remsi %arg0, %select_n3A : i32
    %ne3A = arith.constant 0 : i32
    %ne3A_10 = arith.cmpi ne, %rem3A, %ne3A : i32
    %lt3A_11 = arith.constant 0 : i32
    %lt3A_12 = arith.cmpi slt, %rem3A, %lt3A_11 : i32
    %lt3A_13 = arith.constant 0 : i32
    %lt3A_14 = arith.cmpi slt, %select_n3A, %lt3A_13 : i32
    %ne3A_15 = arith.xori %lt3A_12, %lt3A_14 : i1
    %and3A = arith.andi %ne3A_15, %ne3A_10 : i1
    %add3A_16 = arith.addi %rem3A, %select_n3A : i32
    %select_n3A_17 = arith.select %and3A, %add3A_16, %rem3A : i32
    %jit3A_18 = arith.constant 2 : i32
    %eq3A_19 = arith.constant 0 : i32
    %eq3A_20 = arith.cmpi eq, %jit3A_18, %eq3A_19 : i32
    %jit3A_21 = arith.constant 1 : i32
    %select_n3A_22 = arith.select %eq3A_20, %jit3A_21, %jit3A_18 : i32
    %rem3A_23 = arith.remsi %arg0, %select_n3A_22 : i32
    %ne3A_24 = arith.constant 0 : i32
    %ne3A_25 = arith.cmpi ne, %rem3A_23, %ne3A_24 : i32
    %lt3A_26 = arith.constant 0 : i32
    %lt3A_27 = arith.cmpi slt, %rem3A_23, %lt3A_26 : i32
    %lt3A_28 = arith.constant 0 : i32
    %lt3A_29 = arith.cmpi slt, %select_n3A_22, %lt3A_28 : i32
    %ne3A_30 = arith.xori %lt3A_27, %lt3A_29 : i1
    %and3A_31 = arith.andi %ne3A_30, %ne3A_25 : i1
    %add3A_32 = arith.addi %rem3A_23, %select_n3A_22 : i32
    %select_n3A_33 = arith.select %and3A_31, %add3A_32, %rem3A_23 : i32
    %dma_wait3A = tpu.memref_slice %arg5[%select_n3A_33] : memref<2x!tpu.dma_semaphore, #tpu.memory_space<semaphore_mem>> -> memref<1x!tpu.dma_semaphore, #tpu.memory_space<semaphore_mem>>
    %dma_wait3A_34 = tpu.memref_squeeze %dma_wait3A : memref<1x!tpu.dma_semaphore, #tpu.memory_space<semaphore_mem>> -> memref<!tpu.dma_semaphore, #tpu.memory_space<semaphore_mem>>
    %dma_wait3A_35 = arith.constant 0 : i32
    %dma_wait3A_36 = arith.constant 0 : i32
    %dma_wait3A_37 = tpu.memref_slice %arg4[%select_n3A_17, %dma_wait3A_35, %dma_wait3A_36] : memref<2x1024x1024xf32, #tpu.memory_space<vmem>> -> memref<1x1024x1024xf32, #tpu.memory_space<vmem>>
    %dma_wait3A_38 = tpu.memref_squeeze %dma_wait3A_37 : memref<1x1024x1024xf32, #tpu.memory_space<vmem>> -> memref<1024x1024xf32, #tpu.memory_space<vmem>>
    %dma_wait3A_39 = arith.constant 0 : i32
    %dma_wait3A_40 = arith.constant 0 : i32
    %dma_wait3A_41 = tpu.memref_slice %arg2[%dma_wait3A_39, %dma_wait3A_40] : memref<6144x1024xf32, #tpu.memory_space<any>> -> memref<1024x1024xf32, #tpu.memory_space<any>>
    tpu.wait_dma2 semaphore(%dma_wait3A_34 : memref<!tpu.dma_semaphore, #tpu.memory_space<semaphore_mem>>) src(%dma_wait3A_41 : memref<1024x1024xf32, #tpu.memory_space<any>>) dst(%dma_wait3A_38 : memref<1024x1024xf32, #tpu.memory_space<vmem>>)
    %jit3A_42 = arith.constant 2 : i32
    %eq3A_43 = arith.constant 0 : i32
    %eq3A_44 = arith.cmpi eq, %jit3A_42, %eq3A_43 : i32
    %jit3A_45 = arith.constant 1 : i32
    %select_n3A_46 = arith.select %eq3A_44, %jit3A_45, %jit3A_42 : i32
    %rem3A_47 = arith.remsi %arg0, %select_n3A_46 : i32
    %ne3A_48 = arith.constant 0 : i32
    %ne3A_49 = arith.cmpi ne, %rem3A_47, %ne3A_48 : i32
    %lt3A_50 = arith.constant 0 : i32
    %lt3A_51 = arith.cmpi slt, %rem3A_47, %lt3A_50 : i32
    %lt3A_52 = arith.constant 0 : i32
    %lt3A_53 = arith.cmpi slt, %select_n3A_46, %lt3A_52 : i32
    %ne3A_54 = arith.xori %lt3A_51, %lt3A_53 : i1
    %and3A_55 = arith.andi %ne3A_54, %ne3A_49 : i1
    %add3A_56 = arith.addi %rem3A_47, %select_n3A_46 : i32
    %select_n3A_57 = arith.select %and3A_55, %add3A_56, %rem3A_47 : i32
    %get3A = arith.index_cast %select_n3A_57 : i32 to index
    %get3A_58 = arith.constant 0 : index
    %get3A_59 = arith.constant 0 : index
    %get3A_60 = vector.load %arg4[%get3A, %get3A_58, %get3A_59] : memref<2x1024x1024xf32, #tpu.memory_space<vmem>>, vector<1x1024x1024xf32>
    %get3A_61 = vector.shape_cast %get3A_60 : vector<1x1024x1024xf32> to vector<1024x1024xf32>
    %transpose3A = tpu.transpose %get3A_61, [1, 0] : vector<1024x1024xf32> -> vector<1024x1024xf32>
    %swap3A = arith.constant 0 : index
    %swap3A_62 = arith.constant 0 : index
    %swap3A_63 = vector.load %arg3[%swap3A, %swap3A_62] : memref<1024x1024xf32, #tpu.memory_space<vmem>>, vector<1024x1024xf32>
    tpu.vector_store %arg3[%swap3A, %swap3A_62], %transpose3A {strides = array<i32>} : memref<1024x1024xf32, #tpu.memory_space<vmem>>, vector<1024x1024xf32>,
    return
  }
  func.func @transform_2(%arg0: i32) -> (i32, i32) {
    %add3A = arith.constant 8 : i32
    %add3A_0 = arith.addi %add3A, %arg0 : i32
    %c0_i32 = arith.constant 0 : i32
    %c0_i32_1 = arith.constant 0 : i32
    return %c0_i32, %add3A_0 : i32, i32
  }
}

module attributes {stable_mosaic.version = 14 : i64} {
  func.func @_t_update_body(%arg0: i32, %arg1: memref<1024x16384xf32, #tpu.memory_space<any>>, %arg2: memref<2048x1024xf32, #tpu.memory_space<any>>, %arg3: memref<1024x1024xf32, #tpu.memory_space<vmem>>, %arg4: memref<2x1024x1024xf32, #tpu.memory_space<vmem>>, %arg5: memref<2x!tpu.dma_semaphore, #tpu.memory_space<semaphore_mem>>) attributes {dimension_semantics = [#tpu.dimension_semantics<arbitrary>], iteration_bounds = array<i64: 2>, scalar_prefetch = 0 : i64, scratch_operands = 2 : i64, tpu.core_type = #tpu.core_type<tc>, window_params = [{}, {}, {transform_indices = @transform_2, window_bounds = array<i64: 1024, 1024>}]} {
    %eq3A = arith.constant 0 : i32
    %eq3A_0 = arith.cmpi eq, %arg0, %eq3A : i32
    %convert_element_type3A = arith.extui %eq3A_0 : i1 to i32
    %cond3A = arith.constant 0 : i32
    %cond3A_1 = arith.cmpi ne, %convert_element_type3A, %cond3A : i32
    scf.if %cond3A_1 {
      %dma_start3A = arith.constant 0 : i32
      %dma_start3A_64 = arith.constant 0 : i32
      %dma_start3A_65 = tpu.memref_slice %arg5[%dma_start3A_64] : memref<2x!tpu.dma_semaphore, #tpu.memory_space<semaphore_mem>> -> memref<1x!tpu.dma_semaphore, #tpu.memory_space<semaphore_mem>>
      %dma_start3A_66 = tpu.memref_squeeze %dma_start3A_65 : memref<1x!tpu.dma_semaphore, #tpu.memory_space<semaphore_mem>> -> memref<!tpu.dma_semaphore, #tpu.memory_space<semaphore_mem>>
      %dma_start3A_67 = arith.constant 0 : i32
      %dma_start3A_68 = arith.constant 0 : i32
      %dma_start3A_69 = tpu.memref_slice %arg4[%dma_start3A, %dma_start3A_67, %dma_start3A_68] : memref<2x1024x1024xf32, #tpu.memory_space<vmem>> -> memref<1x1024x1024xf32, #tpu.memory_space<vmem>>
      %dma_start3A_70 = tpu.memref_squeeze %dma_start3A_69 : memref<1x1024x1024xf32, #tpu.memory_space<vmem>> -> memref<1024x1024xf32, #tpu.memory_space<vmem>>
      %dma_start3A_71 = arith.constant 0 : i32
      %dma_start3A_72 = arith.constant 0 : i32
      %dma_start3A_73 = tpu.memref_slice %arg2[%dma_start3A_71, %dma_start3A_72] : memref<2048x1024xf32, #tpu.memory_space<any>> -> memref<1024x1024xf32, #tpu.memory_space<any>>
      tpu.enqueue_dma source(%dma_start3A_73 : memref<1024x1024xf32, #tpu.memory_space<any>>) target(%dma_start3A_70 : memref<1024x1024xf32, #tpu.memory_space<vmem>>) target_semaphore(%dma_start3A_66 : memref<!tpu.dma_semaphore, #tpu.memory_space<semaphore_mem>>)
    } else {
    }
    %add3A = arith.constant 1 : i32
    %add3A_2 = arith.addi %arg0, %add3A : i32
    %lt3A = arith.constant 2 : i32
    %lt3A_3 = arith.cmpi slt, %add3A_2, %lt3A : i32
    %convert_element_type3A_4 = arith.extui %lt3A_3 : i1 to i32
    %cond3A_5 = arith.constant 0 : i32
    %cond3A_6 = arith.cmpi ne, %convert_element_type3A_4, %cond3A_5 : i32
    scf.if %cond3A_6 {
      %add3A_64 = arith.constant 1 : i32
      %add3A_65 = arith.addi %arg0, %add3A_64 : i32
      %mul3A = arith.constant 1024 : i32
      %mul3A_66 = arith.muli %add3A_65, %mul3A : i32
      %add3A_67 = arith.constant 1 : i32
      %add3A_68 = arith.addi %arg0, %add3A_67 : i32
      %jit3A_69 = arith.constant 2 : i32
      %eq3A_70 = arith.constant 0 : i32
      %eq3A_71 = arith.cmpi eq, %jit3A_69, %eq3A_70 : i32
      %jit3A_72 = arith.constant 1 : i32
      %select_n3A_73 = arith.select %eq3A_71, %jit3A_72, %jit3A_69 : i32
      %rem3A_74 = arith.remsi %add3A_68, %select_n3A_73 : i32
      %ne3A_75 = arith.constant 0 : i32
      %ne3A_76 = arith.cmpi ne, %rem3A_74, %ne3A_75 : i32
      %lt3A_77 = arith.constant 0 : i32
      %lt3A_78 = arith.cmpi slt, %rem3A_74, %lt3A_77 : i32
      %lt3A_79 = arith.constant 0 : i32
      %lt3A_80 = arith.cmpi slt, %select_n3A_73, %lt3A_79 : i32
      %ne3A_81 = arith.xori %lt3A_78, %lt3A_80 : i1
      %and3A_82 = arith.andi %ne3A_81, %ne3A_76 : i1
      %add3A_83 = arith.addi %rem3A_74, %select_n3A_73 : i32
      %select_n3A_84 = arith.select %and3A_82, %add3A_83, %rem3A_74 : i32
      %add3A_85 = arith.constant 1 : i32
      %add3A_86 = arith.addi %arg0, %add3A_85 : i32
      %jit3A_87 = arith.constant 2 : i32
      %eq3A_88 = arith.constant 0 : i32
      %eq3A_89 = arith.cmpi eq, %jit3A_87, %eq3A_88 : i32
      %jit3A_90 = arith.constant 1 : i32
      %select_n3A_91 = arith.select %eq3A_89, %jit3A_90, %jit3A_87 : i32
      %rem3A_92 = arith.remsi %add3A_86, %select_n3A_91 : i32
      %ne3A_93 = arith.constant 0 : i32
      %ne3A_94 = arith.cmpi ne, %rem3A_92, %ne3A_93 : i32
      %lt3A_95 = arith.constant 0 : i32
      %lt3A_96 = arith.cmpi slt, %rem3A_92, %lt3A_95 : i32
      %lt3A_97 = arith.constant 0 : i32
      %lt3A_98 = arith.cmpi slt, %select_n3A_91, %lt3A_97 : i32
      %ne3A_99 = arith.xori %lt3A_96, %lt3A_98 : i1
      %and3A_100 = arith.andi %ne3A_99, %ne3A_94 : i1
      %add3A_101 = arith.addi %rem3A_92, %select_n3A_91 : i32
      %select_n3A_102 = arith.select %and3A_100, %add3A_101, %rem3A_92 : i32
      %dma_start3A = tpu.memref_slice %arg5[%select_n3A_102] : memref<2x!tpu.dma_semaphore, #tpu.memory_space<semaphore_mem>> -> memref<1x!tpu.dma_semaphore, #tpu.memory_space<semaphore_mem>>
      %dma_start3A_103 = tpu.memref_squeeze %dma_start3A : memref<1x!tpu.dma_semaphore, #tpu.memory_space<semaphore_mem>> -> memref<!tpu.dma_semaphore, #tpu.memory_space<semaphore_mem>>
      %dma_start3A_104 = arith.constant 0 : i32
      %dma_start3A_105 = arith.constant 0 : i32
      %dma_start3A_106 = tpu.memref_slice %arg4[%select_n3A_84, %dma_start3A_104, %dma_start3A_105] : memref<2x1024x1024xf32, #tpu.memory_space<vmem>> -> memref<1x1024x1024xf32, #tpu.memory_space<vmem>>
      %dma_start3A_107 = tpu.memref_squeeze %dma_start3A_106 : memref<1x1024x1024xf32, #tpu.memory_space<vmem>> -> memref<1024x1024xf32, #tpu.memory_space<vmem>>
      %dma_start3A_108 = arith.constant 0 : i32
      %dma_start3A_109 = tpu.memref_slice %arg2[%mul3A_66, %dma_start3A_108] : memref<2048x1024xf32, #tpu.memory_space<any>> -> memref<1024x1024xf32, #tpu.memory_space<any>>
      tpu.enqueue_dma source(%dma_start3A_109 : memref<1024x1024xf32, #tpu.memory_space<any>>) target(%dma_start3A_107 : memref<1024x1024xf32, #tpu.memory_space<vmem>>) target_semaphore(%dma_start3A_103 : memref<!tpu.dma_semaphore, #tpu.memory_space<semaphore_mem>>)
    } else {
    }
    %jit3A = arith.constant 2 : i32
    %eq3A_7 = arith.constant 0 : i32
    %eq3A_8 = arith.cmpi eq, %jit3A, %eq3A_7 : i32
    %jit3A_9 = arith.constant 1 : i32
    %select_n3A = arith.select %eq3A_8, %jit3A_9, %jit3A : i32
    %rem3A = arith.remsi %arg0, %select_n3A : i32
    %ne3A = arith.constant 0 : i32
    %ne3A_10 = arith.cmpi ne, %rem3A, %ne3A : i32
    %lt3A_11 = arith.constant 0 : i32
    %lt3A_12 = arith.cmpi slt, %rem3A, %lt3A_11 : i32
    %lt3A_13 = arith.constant 0 : i32
    %lt3A_14 = arith.cmpi slt, %select_n3A, %lt3A_13 : i32
    %ne3A_15 = arith.xori %lt3A_12, %lt3A_14 : i1
    %and3A = arith.andi %ne3A_15, %ne3A_10 : i1
    %add3A_16 = arith.addi %rem3A, %select_n3A : i32
    %select_n3A_17 = arith.select %and3A, %add3A_16, %rem3A : i32
    %jit3A_18 = arith.constant 2 : i32
    %eq3A_19 = arith.constant 0 : i32
    %eq3A_20 = arith.cmpi eq, %jit3A_18, %eq3A_19 : i32
    %jit3A_21 = arith.constant 1 : i32
    %select_n3A_22 = arith.select %eq3A_20, %jit3A_21, %jit3A_18 : i32
    %rem3A_23 = arith.remsi %arg0, %select_n3A_22 : i32
    %ne3A_24 = arith.constant 0 : i32
    %ne3A_25 = arith.cmpi ne, %rem3A_23, %ne3A_24 : i32
    %lt3A_26 = arith.constant 0 : i32
    %lt3A_27 = arith.cmpi slt, %rem3A_23, %lt3A_26 : i32
    %lt3A_28 = arith.constant 0 : i32
    %lt3A_29 = arith.cmpi slt, %select_n3A_22, %lt3A_28 : i32
    %ne3A_30 = arith.xori %lt3A_27, %lt3A_29 : i1
    %and3A_31 = arith.andi %ne3A_30, %ne3A_25 : i1
    %add3A_32 = arith.addi %rem3A_23, %select_n3A_22 : i32
    %select_n3A_33 = arith.select %and3A_31, %add3A_32, %rem3A_23 : i32
    %dma_wait3A = tpu.memref_slice %arg5[%select_n3A_33] : memref<2x!tpu.dma_semaphore, #tpu.memory_space<semaphore_mem>> -> memref<1x!tpu.dma_semaphore, #tpu.memory_space<semaphore_mem>>
    %dma_wait3A_34 = tpu.memref_squeeze %dma_wait3A : memref<1x!tpu.dma_semaphore, #tpu.memory_space<semaphore_mem>> -> memref<!tpu.dma_semaphore, #tpu.memory_space<semaphore_mem>>
    %dma_wait3A_35 = arith.constant 0 : i32
    %dma_wait3A_36 = arith.constant 0 : i32
    %dma_wait3A_37 = tpu.memref_slice %arg4[%select_n3A_17, %dma_wait3A_35, %dma_wait3A_36] : memref<2x1024x1024xf32, #tpu.memory_space<vmem>> -> memref<1x1024x1024xf32, #tpu.memory_space<vmem>>
    %dma_wait3A_38 = tpu.memref_squeeze %dma_wait3A_37 : memref<1x1024x1024xf32, #tpu.memory_space<vmem>> -> memref<1024x1024xf32, #tpu.memory_space<vmem>>
    %dma_wait3A_39 = arith.constant 0 : i32
    %dma_wait3A_40 = arith.constant 0 : i32
    %dma_wait3A_41 = tpu.memref_slice %arg2[%dma_wait3A_39, %dma_wait3A_40] : memref<2048x1024xf32, #tpu.memory_space<any>> -> memref<1024x1024xf32, #tpu.memory_space<any>>
    tpu.wait_dma2 semaphore(%dma_wait3A_34 : memref<!tpu.dma_semaphore, #tpu.memory_space<semaphore_mem>>) src(%dma_wait3A_41 : memref<1024x1024xf32, #tpu.memory_space<any>>) dst(%dma_wait3A_38 : memref<1024x1024xf32, #tpu.memory_space<vmem>>)
    %jit3A_42 = arith.constant 2 : i32
    %eq3A_43 = arith.constant 0 : i32
    %eq3A_44 = arith.cmpi eq, %jit3A_42, %eq3A_43 : i32
    %jit3A_45 = arith.constant 1 : i32
    %select_n3A_46 = arith.select %eq3A_44, %jit3A_45, %jit3A_42 : i32
    %rem3A_47 = arith.remsi %arg0, %select_n3A_46 : i32
    %ne3A_48 = arith.constant 0 : i32
    %ne3A_49 = arith.cmpi ne, %rem3A_47, %ne3A_48 : i32
    %lt3A_50 = arith.constant 0 : i32
    %lt3A_51 = arith.cmpi slt, %rem3A_47, %lt3A_50 : i32
    %lt3A_52 = arith.constant 0 : i32
    %lt3A_53 = arith.cmpi slt, %select_n3A_46, %lt3A_52 : i32
    %ne3A_54 = arith.xori %lt3A_51, %lt3A_53 : i1
    %and3A_55 = arith.andi %ne3A_54, %ne3A_49 : i1
    %add3A_56 = arith.addi %rem3A_47, %select_n3A_46 : i32
    %select_n3A_57 = arith.select %and3A_55, %add3A_56, %rem3A_47 : i32
    %get3A = arith.index_cast %select_n3A_57 : i32 to index
    %get3A_58 = arith.constant 0 : index
    %get3A_59 = arith.constant 0 : index
    %get3A_60 = vector.load %arg4[%get3A, %get3A_58, %get3A_59] : memref<2x1024x1024xf32, #tpu.memory_space<vmem>>, vector<1x1024x1024xf32>
    %get3A_61 = vector.shape_cast %get3A_60 : vector<1x1024x1024xf32> to vector<1024x1024xf32>
    %transpose3A = tpu.transpose %get3A_61, [1, 0] : vector<1024x1024xf32> -> vector<1024x1024xf32>
    %swap3A = arith.constant 0 : index
    %swap3A_62 = arith.constant 0 : index
    %swap3A_63 = vector.load %arg3[%swap3A, %swap3A_62] : memref<1024x1024xf32, #tpu.memory_space<vmem>>, vector<1024x1024xf32>
    tpu.vector_store %arg3[%swap3A, %swap3A_62], %transpose3A {strides = array<i32>} : memref<1024x1024xf32, #tpu.memory_space<vmem>>, vector<1024x1024xf32>,
    return
  }
  func.func @transform_2(%arg0: i32) -> (i32, i32) {
    %add3A = arith.constant 14 : i32
    %add3A_0 = arith.addi %add3A, %arg0 : i32
    %c0_i32 = arith.constant 0 : i32
    %c0_i32_1 = arith.constant 0 : i32
    return %c0_i32, %add3A_0 : i32, i32
  }
}

</mosaic_0001>

<sc_bundles>
// kernel: kernel.10.cloned.1.call-start
scs
__scs_entry_jumppad:
0x0: {  	(pc) =	sbr.rel $0x88, $3  }
0x1: {  	(tag) =	ssettag $0x0;
	lr =	simm.s32 $0x1  }
0x2: {  	[smem:$0x3F9F] =	sst lr;
	_ =	strace $0xD0000000  }
0x3: {  	_ = 	snop  }
0x4: {  	_ = 	snop  }
0x5: {  	_ = 	snop  }
0x6: {  	_ = 	snop  }
0x7: {  	_ = 	snop  }
__scs_overlays_trampoline_lowered:
0x8: {  	[smem:$0x3FAE] =	sst s0  }
0x9: {  	[smem:$0x3FAF] =	sst s1  }
0xa: {  	[smem:$0x3FB0] =	sst s2  }
0xb: {  	[smem:$0x3FB1] =	sst s3  }
0xc: {  	[smem:$0x3FB2] =	sst s4  }
0xd: {  	[smem:$0x3FB3] =	sst s5  }
0xe: {  	[smem:$0x3FB4] =	sst s6  }
0xf: {  	[smem:$0x3FB5] =	sst s7  }
0x10: {  	[smem:$0x3FB6] =	sst s8  }
0x11: {  	[smem:$0x3FB7] =	sst s9;
	s0 =	simm.s32 @!p0 $0x0  }
0x12: {  	s1 =	sld [smem:$0x3F9D];
	s0 =	simm.s32 @p0 $0x1  }
0x13: {  	[smem:$0x3FB8] =	sst s0;
	s0 =	simm.s32 @!p1 $0x0  }
0x14: {  	s2 =	sld [smem:$0x3F9C];
	s0 =	simm.s32 @p1 $0x1  }
0x15: {  	[smem:$0x3FB9] =	sst s0;
	s0 =	simm.s32 @!p2 $0x0  }
0x16: {  	s3 =	sld [smem:$0x3FDB];
	s0 =	simm.s32 @p2 $0x1  }
0x17: {  	s4 =	simm.s32 $0x1BF5;
	[smem:$0x3FBB] =	sst s0  }
0x18: {  	s0 =	sld [smem:$0x3F9E];
	_ =	swait.ge [sflag:s4], $0x0  }
0x19: {  	s7 =	sld [smem:$0x3F9F]  }
0x1a: {  	s8 =	sadd.s32 $0xFFFFE003, lr  }
0x1b: {  	s9 =	sadd.s32 $0xFFFFFEF7, lr;
	s5 =	simm.s32 $0xFFFFFFFF;
	p2 =	slt.u32 s8, $0xFFFFF086  }
0x1c: {  	p1 =	slt.u32 s9, $0xF7A;
	s5 =	simm.s32 @!p2 $0x0  }
0x1d: {  	s5 =	simm.s32 @p1 $0x1;
	p0 =	seq.s32 s7, s2  }
0x1e: {  	s7 =	smul.u32 @!p0 $0xF7A, s2;
	p2 =	seq.s32 @!p0 s5, $0x0  }
0x1f: {  	s9 =	smul.u32 $0xF7A, s1;
	s8 =	simm.s32 @!p0 $0x1BF5;
	p2 =	por !p2, p0  }
0x20: {  	[sflag:s8] =	ssyncset.s32 @!p0 $0xFFFFF086;
	s6 =	sadd.s32 @!p0 s3, s7;
	s7 =	simm.s32 @!p0 $0x108  }
0x21: {  	s3 =	sadd.s32 s3, s9;
	s6 =	sadd.s32 @!p0 $0x88, s6;
	s7 =	simm.s32 @p2 $0x1082  }
0x22: {  	[simem:s7], [sflag:s8] =	dma.local @!p0 [hbm:s6], $0xF7A  }
0x23: {  	s9 =	sor.u32 $0xD0000000, s2;
	s6 =	simm.s32 $0x108;
	_ =	swait.ge @!p0 [sflag:s8], $0x0  }
0x24: {  	s3 =	sadd.s32 $0x88, s3;
	s6 =	simm.s32 @!p1 $0x1082;
	[sflag:s4] =	ssyncset.s32 $0xFFFFF086  }
0x25: {  	[simem:s6], [sflag:s4] =	dma.local [hbm:s3], $0xF7A  }
0x26: {  	[smem:$0x3F9F] =	sst s1;
	(tag) =	ssettag s2;
	_ =	strace s9  }
0x27: {  	s1 =	sld [smem:$0x3FAF]  }
0x28: {  	s2 =	sld [smem:$0x3FB0]  }
0x29: {  	s4 =	sld [smem:$0x3FB2]  }
0x2a: {  	p0 =	seq.s32 s5, $0x0;
	s5 =	sld [smem:$0x3FB3]  }
0x2b: {  	s6 =	sld [smem:$0x3FB4]  }
0x2c: {  	s7 =	sld [smem:$0x3FB5]  }
0x2d: {  	s3 =	simm.s32 $0x108;
	s8 =	sld [smem:$0x3FB6]  }
0x2e: {  	s3 =	simm.s32 @!p0 $0x1082;
	s9 =	sld [smem:$0x3FB7]  }
0x2f: {  	lr =	sadd.s32 s0, s3;
	s0 =	sld [smem:$0x3FAE]  }
0x30: {  	s3 =	sld [smem:$0x3FB1]  }
0x31: {  	[smem:$0x3FBA] =	sst s10  }
0x32: {  	s10 =	sld [smem:$0x3FB8];
	_ =	sdelay $0x3  }
0x33: {  	p0 =	seq.s32 s10, $0x1;
	s10 =	sld [smem:$0x3FBA];
	_ =	sdelay $0x3  }
0x34: {  	[smem:$0x3FBA] =	sst s10  }
0x35: {  	s10 =	sld [smem:$0x3FB9];
	_ =	sdelay $0x3  }
0x36: {  	p1 =	seq.s32 s10, $0x1;
	s10 =	sld [smem:$0x3FBA];
	_ =	sdelay $0x3  }
0x37: {  	[smem:$0x3FBA] =	sst s10  }
0x38: {  	s10 =	sld [smem:$0x3FBB]  }
0x39: {  	_ = 	snop;
	(pc) =	sbr.ind lr, $3  }
0x3a: {  	_ = 	snop  }
0x3b: {  	_ = 	snop  }
0x3c: {  	p2 =	seq.s32 s10, $0x1;
	s10 =	sld [smem:$0x3FBA]  }
0x3d: {  	_ =	shalt  }
0x3e: {  	_ =	shalt  }
0x3f: {  	_ =	shalt  }
0x40: {  	_ =	shalt  }
0x41: {  	_ =	shalt  }
0x42: {  	_ =	shalt  }
0x43: {  	_ =	shalt  }
0x44: {  	_ =	shalt  }
0x45: {  	_ =	shalt  }
0x46: {  	_ =	shalt  }
0x47: {  	_ =	shalt  }
0x48: {  	_ =	shalt  }
0x49: {  	_ =	shalt  }
0x4a: {  	_ =	shalt  }
0x4b: {  	_ =	shalt  }
0x4c: {  	_ =	shalt  }
0x4d: {  	_ =	shalt  }
0x4e: {  	_ =	shalt  }
0x4f: {  	_ =	shalt  }
0x50: {  	_ =	shalt  }
0x51: {  	_ =	shalt  }
0x52: {  	_ =	shalt  }
0x53: {  	_ =	shalt  }
0x54: {  	_ =	shalt  }
0x55: {  	_ =	shalt  }
0x56: {  	_ =	shalt  }
0x57: {  	_ =	shalt  }
0x58: {  	_ =	shalt  }
0x59: {  	_ =	shalt  }
0x5a: {  	_ =	shalt  }
0x5b: {  	_ =	shalt  }
0x5c: {  	_ =	shalt  }
0x5d: {  	_ =	shalt  }
0x5e: {  	_ =	shalt  }
0x5f: {  	_ =	shalt  }
0x60: {  	_ =	shalt  }
0x61: {  	_ =	shalt  }
0x62: {  	_ =	shalt  }
0x63: {  	_ =	shalt  }
0x64: {  	_ =	shalt  }
0x65: {  	_ =	shalt  }
0x66: {  	_ =	shalt  }
0x67: {  	_ =	shalt  }
0x68: {  	_ =	shalt  }
0x69: {  	_ =	shalt  }
0x6a: {  	_ =	shalt  }
0x6b: {  	_ =	shalt  }
0x6c: {  	_ =	shalt  }
0x6d: {  	_ =	shalt  }
0x6e: {  	_ =	shalt  }
0x6f: {  	_ =	shalt  }
0x70: {  	_ =	shalt  }
0x71: {  	_ =	shalt  }
0x72: {  	_ =	shalt  }
0x73: {  	_ =	shalt  }
0x74: {  	_ =	shalt  }
0x75: {  	_ =	shalt  }
0x76: {  	_ =	shalt  }
0x77: {  	_ =	shalt  }
0x78: {  	_ =	shalt  }
0x79: {  	_ =	shalt  }
0x7a: {  	_ =	shalt  }
0x7b: {  	_ =	shalt  }
0x7c: {  	_ =	shalt  }
0x7d: {  	_ =	shalt  }
0x7e: {  	_ =	shalt  }
0x7f: {  	_ =	shalt  }
0x80: {  	_ =	shalt  }
0x81: {  	_ =	shalt  }
0x82: {  	_ =	shalt  }
0x83: {  	_ =	shalt  }
0x84: {  	_ =	shalt  }
0x85: {  	_ =	shalt  }
0x86: {  	_ =	shalt  }
0x87: {  	_ =	shalt  }
.Lfunc_end0:
.L_simem_size_0:
called_computation_lowered:
.L_overlay_start_0:
0x88: {  	s2 =	sld [smem:$0x3FD9]  }
0x89: {  	s3 =	sld [smem:$0x3FFE];
	_ =	sdelay $0x1  }
0x8a: {  	s1 =	srdreg.scid  }
0x8b: {  	s0 =	sand.u32 $0x1, s1  }
0x8c: {  	s17 =	sshll.u32 s0, $0xA;
	s2 =	sadd.s32 s3, s2  }
0x8d: {  	s2 =	sadd.s32 s2, s17  }
0x8e: {  	[smem:$0x3FC6] =	sst s2  }
0x8f: {  	_ = 	snop  }
0x90: {  	s2 =	sld [smem:$0x3FC9]  }
0x91: {  	s18 =	sld [smem:$0x3FD0];
	(tm) =	ssettm $0x1  }
0x92: {  	s4 =	sld [smem:$0x3FFB];
	_ =	sdelay $0x3  }
0x93: {  	_ =	strace s4  }
0x94: {  	s4 =	sld [smem:$0x3FFC];
	_ =	sdelay $0x3  }
0x95: {  	_ =	strace s4  }
0x96: {  	s4 =	sld [smem:$0x3FFD];
	_ =	sdelay $0x3  }
0x97: {  	_ =	strace s4  }
0x98: {  	_ =	strace $0x8FFFFFFF  }
0x99: {  	s19 =	sld [smem:$0x3FDB];
	_ =	sdelay $0x1  }
0x9a: {  	s5 =	simm.s32 $_scs_section_size  }
0x9b: {  	s6 =	simm.s32 $_size__tile_overlayer_lowered;
	s7 =	simm.s32 $_tile_overlayer_lowered  }
0x9c: {  	s22 =	simm.s32 $0x1BFF;
	s21 =	sshll.u32 s7, $0x1;
	s4 =	sadd.s32 s5, s19  }
0x9d: {  	s8 =	simm.s32 $0x0;
	s20 =	sshll.u32 s6, $0x1;
	s6 =	sadd.s32 s21, s4  }
0x9e: {  	[timem:s8], [sflag:s22] =	dma.local [hbm:s6], s20  }
0x9f: {  	_ =	swait.ge [sflag:s22], s20  }
0xa0: {  	s5 =	ssub.s32 $0x0, s20;
	[sflag:s22] =	ssyncset.done $0x0  }
0xa1: {  	[sflag:s22] =	ssyncadd.s32 s5;
	_ =	sdelay $0x1  }
0xa2: {  	s23 =	simm.s32 $0x1B8B  }
0xa3: {  	_ =	swait.ge [sflag:s23], $0x1  }
0xa4: {  	[sflag:s23] =	ssyncset.done $0x0  }
0xa5: {  	s25 =	simm.s32 $0x1B8E;
	s24 =	sld [smem:$0x3FFE];
	[sflag:s23] =	ssyncadd.s32 $0xFFFFFFFF  }
0xa6: {  	s26 =	simm.s32 $execute0_lowered;
	[smem:$0x3FD2] =	sst s25  }
0xa7: {  	s6 =	sshll.u32 s26, $0x1;
	_ =	strace $0x80000046;
	[dreg:$0x1] =	wrdreg $0xFFFFFFFF  }
0xa8: {  	s28 =	simm.s32 $_size_execute0_lowered;
	s4 =	sadd.s32 s4, s6;
	[dreg:$0x0] =	wrdreg $0x0  }
0xa9: {  	s6 =	sshll.u32 s28, $0x1;
	[dreg:$0x2] =	wrdreg s4  }
0xaa: {  	[dreg:$0x3] =	wrdreg s6  }
0xab: {  	[dreg:$0x4] =	wrdreg $0xC0  }
0xac: {  	_ =	task [dreg:s8], $0x5FFFF  }
0xad: {  	[dreg:$0x1] =	wrdreg $0xFFFFFFFF  }
0xae: {  	[dreg:$0x0] =	wrdreg $0x60  }
0xaf: {  	[dreg:$0x2] =	wrdreg s2  }
0xb0: {  	[dreg:$0x3] =	wrdreg s24  }
0xb1: {  	[dreg:$0x4] =	wrdreg s18  }
0xb2: {  	[dreg:$0x5] =	wrdreg $0x9  }
0xb3: {  	_ =	task.clear_ibuf [dreg:s8], $0x6FFFF;
	_ =	strace $0x90000046  }
0xb4: {  	s29 =	simm.s32 $0x9;
	_ =	strace $0x80000048  }
0xb5: {  	_ =	swait.ge [sflag:s29], $0x1  }
0xb6: {  	[sflag:s29] =	ssyncadd.s32 $0xFFFFFFFF  }
0xb7: {  	_ =	strace $0x90000048  }
0xb8: {  	_ =	sfence  }
0xb9: {  	s30 =	sld [smem:$0x0];
	_ =	sdelay $0x2  }
0xba: {  	s31 =	sshll.u32 s1, $0xD;
	s1 =	sshrl.u32 s1, $0x2  }
0xbb: {  	s3 =	sand.u32 $0x4000, s31;
	s1 =	sadd.s32 s1, s30  }
0xbc: {  	s0 =	sor.u32 s3, s0;
	s1 =	sshll.u32 s1, $0x11  }
0xbd: {  	s0 =	sor.u32 s1, s0  }
0xbe: {  	s0 =	sadd.s32 $0x8F2B, s0  }
0xbf: {  	[sflag:s0] =	ssyncadd.remote.s32 $0x1  }
0xc0: {  	_ =	sfence.sel $0xFFFF  }
0xc1: {  	[dreg:$0x0] =	wrdreg $0xFFFFFFFF;
	(pc) =	sbr.abs _section_cstart, $3  }
0xc2: {  	[dreg:$0x1] =	wrdreg $0xFFFFFFFF  }
0xc3: {  	_ =	task.clear_ibuf [dreg:s8], $0x2FFFF;
	_ =	strace $0x9FFFFFFF  }
0xc4: {  	(tm) =	ssettm $0x7FFFFFFF  }
0xc5: {  	_ =	shalt  }
tec
execute0_lowered:
.L_overlay_start_1:
0x0: {  	(tag) =	ssettag $0x1  }
0x1: {  	s2 =	srdreg.scid;
	s1 =	rddreg [dreg:$0x0]  }
0x2: {  	s0 =	stileid.u32;
	s4 =	rddreg [dreg:$0x1];
	s2 =	sand.u32 $0x1, s2  }
0x3: {  	s6 =	rddreg [dreg:$0x2];
	s3 =	sshll.u32 s0, $0x7;
	s5 =	sshll.u32 s2, $0x6  }
0x4: {  	s14 =	simm.s32 $0x880;
	s5 =	sor.u32 s5, s3;
	s3 =	simm.s32 $0x0  }
0x5: {  	s15 =	simm.s32 $0x1080;
	s16 =	simm.s32 $0x1880;
	[smem:$0x7FF] =	sst s3  }
0x6: {  	s17 =	simm.s32 $0x2080;
	_ =	strace $0x80000047;
	[dreg:$0x6] =	wrdreg s14  }
0x7: {  	s18 =	simm.s32 $0x2880;
	s19 =	simm.s32 $0x3080;
	[dreg:$0x7] =	wrdreg s15  }
0x8: {  	s20 =	simm.s32 $0x3880;
	s21 =	simm.s32 $0x4080;
	[dreg:$0x8] =	wrdreg s16  }
0x9: {  	s23 =	simm.s32 $0x4880;
	s24 =	simm.s32 $0x5080;
	[dreg:$0x9] =	wrdreg s17  }
0xa: {  	s25 =	simm.s32 $0x5880;
	s8 =	simm.s32 $0x6080;
	[dreg:$0xa] =	wrdreg s18  }
0xb: {  	s9 =	simm.s32 $0x6880;
	s26 =	simm.s32 $0x7080;
	[dreg:$0xb] =	wrdreg s19  }
0xc: {  	s10 =	simm.s32 $0x80;
	s12 =	simm.s32 $0x1;
	[dreg:$0xc] =	wrdreg s20  }
0xd: {  	s13 =	simm.s32 $0x8080;
	s28 =	simm.s32 $0xF080;
	[dreg:$0xd] =	wrdreg s21  }
0xe: {  	s29 =	simm.s32 $0xF880;
	s30 =	simm.s32 $0x2;
	[dreg:$0xe] =	wrdreg s23  }
0xf: {  	s31 =	simm.s32 $0x3;
	s2 =	ssub.s32 $0x2, s2;
	[dreg:$0xf] =	wrdreg s24  }
0x10: {  	s22 =	sshrl.u32 s2, $0x1;
	s7 =	sshrl.u32 s5, $0x3;
	[dreg:$0x10] =	wrdreg s25  }
0x11: {  	s5 =	sshll.u32 s5, $0x7;
	s2 =	ssub.s32 s2, s22;
	[dreg:$0x11] =	wrdreg s8  }
0x12: {  	s22 =	simm.s32 $0xC880;
	s4 =	sadd.s32 s7, s4;
	[dreg:$0x12] =	wrdreg s9  }
0x13: {  	s8 =	smax.u32 s2, $0x1;
	s9 =	simm.s32 $0x5;
	[dreg:$0x13] =	wrdreg s26  }
0x14: {  	s14 =	simm.s32 $0x8880;
	s15 =	simm.s32 $0x9080;
	s16 =	simm.s32 $0x9880  }
0x15: {  	s17 =	simm.s32 $0xA080;
	s18 =	simm.s32 $0xA880;
	s19 =	simm.s32 $0xB080  }
0x16: {  	s20 =	simm.s32 $0xB880;
	s21 =	simm.s32 $0xC080;
	s23 =	simm.s32 $0xD080  }
0x17: {  	s24 =	simm.s32 $0xD880;
	s25 =	simm.s32 $0xE080;
	s26 =	simm.s32 $0xE880  }
0x18: {  	v2 =	vlaneseq.u32;
	s2 =	simm.s32 $0x4;
	s7 =	sadd.s32 $0x1A00, s4;
	s4 =	sadd.s32 s6, s5  }
0x19: {  	vm0 =	vmmov $0xffff;
	v1 =	vshrl.u32 v2, $0x3;
	s6 =	sadd.s32 $0x200, s1;
	[dreg:$0x4] =	wrdreg s7;
	s5 =	sadd.s32 $0x1000, s4  }
0x1a: {  	v0 =	vand.u32 $0x7, v2;
	v2 =	vor.u32 $0x8, v2;
	v1 =	vmul.u32 $0x8, v1;
	s7 =	sadd.s32 $0x300, s1;
	[dreg:$0x5] =	wrdreg s5;
	s5 =	sadd.s32 $0x100, s1  }
.LBB2_1:
0x1b: {  	s0 =	rddreg [dreg:$0x4]  }
0x1c: {  	[tilespmem:s3], [sflag:$0x5] =	stream.linear.gather [hbm4b:s0+s3], $0x40, $0x38;
	[tilespmem:$0x10080] =	vst v63  }
0x1d: {  	_ =	swait.ge [sflag:s9], $0x40  }
0x1e: {  	[sflag:s9] =	ssyncset.done $0x0  }
0x1f: {  	[sflag:s9] =	ssyncadd.s32 $0xFFFFFFC0  }
0x20: {  	v3 =	vld [tilespmem:$0x0];
	_ =	sdelay $0x4  }
0x21: {  	v4 =	vshll.u32 v3, $0x3  }
0x22: {  	v3 =	vand.u32 $0x7, v3;
	v4 =	vand.u32 $0xFFFFFFC0, v4  }
0x23: {  	v3 =	vor.u32 v3, v4  }
0x24: {  	v4 =	vperm.xlane v3, v0;
	_ =	sdelay $0x1  }
0x25: {  	v4 =	vadd.s32 v1, v4;
	_ =	sdelay $0x4  }
0x26: {  	[tilespmem:s10], [sflag:$0x1] =	stream.indirect_vreg.gather [hbm4b:s1+s3], $0x80, v4, vm0, $0xb8;
	[tilespmem:$0x10080] =	vst v63  }
0x27: {  	s0 =	rddreg [dreg:$0x6];
	v3 =	vperm.xlane v3, v2  }
0x28: {  	[tilespmem:s0], [sflag:$0x1] =	stream.indirect_vreg.gather [hbm4b:s5+s3], $0x80, v4, vm0, $0xb8;
	[tilespmem:$0x10080] =	vst v63  }
0x29: {  	s11 =	rddreg [dreg:$0x7];
	v3 =	vadd.s32 v1, v3  }
0x2a: {  	[tilespmem:s11], [sflag:$0x1] =	stream.indirect_vreg.gather [hbm4b:s6+s3], $0x80, v4, vm0, $0xb8;
	[tilespmem:$0x10080] =	vst v63  }
0x2b: {  	s0 =	rddreg [dreg:$0x8]  }
0x2c: {  	[tilespmem:s0], [sflag:$0x1] =	stream.indirect_vreg.gather [hbm4b:s7+s3], $0x80, v4, vm0, $0xb8;
	[tilespmem:$0x10080] =	vst v63  }
0x2d: {  	s11 =	rddreg [dreg:$0x9]  }
0x2e: {  	[tilespmem:s11], [sflag:$0x1] =	stream.indirect_vreg.gather [hbm4b:s1+s3], $0x80, v3, vm0, $0xb8;
	[tilespmem:$0x10080] =	vst v63  }
0x2f: {  	s0 =	rddreg [dreg:$0xa]  }
0x30: {  	[tilespmem:s0], [sflag:$0x1] =	stream.indirect_vreg.gather [hbm4b:s5+s3], $0x80, v3, vm0, $0xb8;
	[tilespmem:$0x10080] =	vst v63  }
0x31: {  	s11 =	rddreg [dreg:$0xb]  }
0x32: {  	[tilespmem:s11], [sflag:$0x1] =	stream.indirect_vreg.gather [hbm4b:s6+s3], $0x80, v3, vm0, $0xb8;
	[tilespmem:$0x10080] =	vst v63  }
0x33: {  	s0 =	rddreg [dreg:$0xc]  }
0x34: {  	[tilespmem:s0], [sflag:$0x1] =	stream.indirect_vreg.gather [hbm4b:s7+s3], $0x80, v3, vm0, $0xb8;
	[tilespmem:$0x10080] =	vst v63  }
0x35: {  	v3 =	vld [tilespmem:$0x10];
	_ =	sdelay $0x4  }
0x36: {  	v61 =	vshll.u32 v3, $0x3  }
0x37: {  	v3 =	vand.u32 $0x7, v3;
	v4 =	vand.u32 $0xFFFFFFC0, v61  }
0x38: {  	v3 =	vor.u32 v3, v4  }
0x39: {  	v4 =	vperm.xlane v3, v0;
	_ =	sdelay $0x1  }
0x3a: {  	v4 =	vadd.s32 v1, v4;
	_ =	sdelay $0x3  }
0x3b: {  	s0 =	rddreg [dreg:$0xd]  }
0x3c: {  	[tilespmem:s0], [sflag:$0x1] =	stream.indirect_vreg.gather [hbm4b:s1+s3], $0x80, v4, vm0, $0xb8;
	[tilespmem:$0x10080] =	vst v63  }
0x3d: {  	s11 =	rddreg [dreg:$0xe];
	v3 =	vperm.xlane v3, v2  }
0x3e: {  	[tilespmem:s11], [sflag:$0x1] =	stream.indirect_vreg.gather [hbm4b:s5+s3], $0x80, v4, vm0, $0xb8;
	[tilespmem:$0x10080] =	vst v63  }
0x3f: {  	v3 =	vadd.s32 v1, v3;
	s0 =	rddreg [dreg:$0xf]  }
0x40: {  	[tilespmem:s0], [sflag:$0x1] =	stream.indirect_vreg.gather [hbm4b:s6+s3], $0x80, v4, vm0, $0xb8;
	[tilespmem:$0x10080] =	vst v63  }
0x41: {  	s11 =	rddreg [dreg:$0x10]  }
0x42: {  	[tilespmem:s11], [sflag:$0x1] =	stream.indirect_vreg.gather [hbm4b:s7+s3], $0x80, v4, vm0, $0xb8;
	[tilespmem:$0x10080] =	vst v63  }
0x43: {  	s0 =	rddreg [dreg:$0x11]  }
0x44: {  	[tilespmem:s0], [sflag:$0x1] =	stream.indirect_vreg.gather [hbm4b:s1+s3], $0x80, v3, vm0, $0xb8;
	[tilespmem:$0x10080] =	vst v63  }
0x45: {  	s11 =	rddreg [dreg:$0x12]  }
0x46: {  	[tilespmem:s11], [sflag:$0x1] =	stream.indirect_vreg.gather [hbm4b:s5+s3], $0x80, v3, vm0, $0xb8;
	[tilespmem:$0x10080] =	vst v63  }
0x47: {  	s0 =	rddreg [dreg:$0x13]  }
0x48: {  	[tilespmem:s0], [sflag:$0x1] =	stream.indirect_vreg.gather [hbm4b:s6+s3], $0x80, v3, vm0, $0xb8;
	[tilespmem:$0x10080] =	vst v63  }
0x49: {  	s11 =	simm.s32 $0x7880  }
0x4a: {  	[tilespmem:s11], [sflag:$0x1] =	stream.indirect_vreg.gather [hbm4b:s7+s3], $0x80, v3, vm0, $0xb8;
	[tilespmem:$0x10080] =	vst v63  }
0x4b: {  	_ =	swait.ge [sflag:s12], $0x8000  }
0x4c: {  	[sflag:s12] =	ssyncset.done $0x0  }
0x4d: {  	[sflag:s12] =	ssyncadd.s32 $0xFFFF8000  }
0x4e: {  	v3 =	vld [tilespmem:$0x20];
	_ =	sdelay $0x4  }
0x4f: {  	v62 =	vshll.u32 v3, $0x3  }
0x50: {  	v3 =	vand.u32 $0x7, v3;
	v4 =	vand.u32 $0xFFFFFFC0, v62  }
0x51: {  	v3 =	vor.u32 v3, v4  }
0x52: {  	v4 =	vperm.xlane v3, v0;
	_ =	sdelay $0x1  }
0x53: {  	v4 =	vadd.s32 v1, v4;
	_ =	sdelay $0x4  }
0x54: {  	[tilespmem:s13], [sflag:$0x2] =	stream.indirect_vreg.gather [hbm4b:s1+s3], $0x80, v4, vm0, $0xb8;
	[tilespmem:$0x10080] =	vst v63  }
0x55: {  	v3 =	vperm.xlane v3, v2  }
0x56: {  	[tilespmem:s14], [sflag:$0x2] =	stream.indirect_vreg.gather [hbm4b:s5+s3], $0x80, v4, vm0, $0xb8;
	[tilespmem:$0x10080] =	vst v63  }
0x57: {  	v3 =	vadd.s32 v1, v3  }
0x58: {  	[tilespmem:s15], [sflag:$0x2] =	stream.indirect_vreg.gather [hbm4b:s6+s3], $0x80, v4, vm0, $0xb8;
	[tilespmem:$0x10080] =	vst v63  }
0x59: {  	_ = 	snop  }
0x5a: {  	[tilespmem:s16], [sflag:$0x2] =	stream.indirect_vreg.gather [hbm4b:s7+s3], $0x80, v4, vm0, $0xb8;
	[tilespmem:$0x10080] =	vst v63  }
0x5b: {  	_ = 	snop  }
0x5c: {  	[tilespmem:s17], [sflag:$0x2] =	stream.indirect_vreg.gather [hbm4b:s1+s3], $0x80, v3, vm0, $0xb8;
	[tilespmem:$0x10080] =	vst v63  }
0x5d: {  	_ = 	snop  }
0x5e: {  	[tilespmem:s18], [sflag:$0x2] =	stream.indirect_vreg.gather [hbm4b:s5+s3], $0x80, v3, vm0, $0xb8;
	[tilespmem:$0x10080] =	vst v63  }
0x5f: {  	_ = 	snop  }
0x60: {  	[tilespmem:s19], [sflag:$0x2] =	stream.indirect_vreg.gather [hbm4b:s6+s3], $0x80, v3, vm0, $0xb8;
	[tilespmem:$0x10080] =	vst v63  }
0x61: {  	_ = 	snop  }
0x62: {  	[tilespmem:s20], [sflag:$0x2] =	stream.indirect_vreg.gather [hbm4b:s7+s3], $0x80, v3, vm0, $0xb8;
	[tilespmem:$0x10080] =	vst v63  }
0x63: {  	v3 =	vld [tilespmem:$0x30];
	_ =	sdelay $0x4  }
0x64: {  	v63 =	vshll.u32 v3, $0x3  }
0x65: {  	v3 =	vand.u32 $0x7, v3;
	v4 =	vand.u32 $0xFFFFFFC0, v63  }
0x66: {  	v3 =	vor.u32 v3, v4  }
0x67: {  	v4 =	vperm.xlane v3, v0;
	_ =	sdelay $0x1  }
0x68: {  	v4 =	vadd.s32 v1, v4;
	_ =	sdelay $0x4  }
0x69: {  	[tilespmem:s21], [sflag:$0x2] =	stream.indirect_vreg.gather [hbm4b:s1+s3], $0x80, v4, vm0, $0xb8;
	[tilespmem:$0x10080] =	vst v63  }
0x6a: {  	v3 =	vperm.xlane v3, v2  }
0x6b: {  	[tilespmem:s22], [sflag:$0x2] =	stream.indirect_vreg.gather [hbm4b:s5+s3], $0x80, v4, vm0, $0xb8;
	[tilespmem:$0x10080] =	vst v63  }
0x6c: {  	v3 =	vadd.s32 v1, v3  }
0x6d: {  	[tilespmem:s23], [sflag:$0x2] =	stream.indirect_vreg.gather [hbm4b:s6+s3], $0x80, v4, vm0, $0xb8;
	[tilespmem:$0x10080] =	vst v63  }
0x6e: {  	_ = 	snop  }
0x6f: {  	[tilespmem:s24], [sflag:$0x2] =	stream.indirect_vreg.gather [hbm4b:s7+s3], $0x80, v4, vm0, $0xb8;
	[tilespmem:$0x10080] =	vst v63  }
0x70: {  	_ = 	snop  }
0x71: {  	[tilespmem:s25], [sflag:$0x2] =	stream.indirect_vreg.gather [hbm4b:s1+s3], $0x80, v3, vm0, $0xb8;
	[tilespmem:$0x10080] =	vst v63  }
0x72: {  	_ = 	snop  }
0x73: {  	[tilespmem:s26], [sflag:$0x2] =	stream.indirect_vreg.gather [hbm4b:s5+s3], $0x80, v3, vm0, $0xb8;
	[tilespmem:$0x10080] =	vst v63  }
0x74: {  	_ = 	snop  }
0x75: {  	[tilespmem:s28], [sflag:$0x2] =	stream.indirect_vreg.gather [hbm4b:s6+s3], $0x80, v3, vm0, $0xb8;
	[tilespmem:$0x10080] =	vst v63  }
0x76: {  	_ = 	snop  }
0x77: {  	[tilespmem:s29], [sflag:$0x2] =	stream.indirect_vreg.gather [hbm4b:s7+s3], $0x80, v3, vm0, $0xb8;
	[tilespmem:$0x10080] =	vst v63  }
0x78: {  	_ = 	snop  }
0x79: {  	[hbm4b:s4+s3] =	stream.linear.scatter [tilespmem:s10], [sflag:$0x3], $0x8000, $0x38;
	[tilespmem:$0x10080] =	vst v63  }
0x7a: {  	_ =	swait.ge [sflag:s30], $0x8000  }
0x7b: {  	[sflag:s30] =	ssyncset.done $0x0  }
0x7c: {  	s11 =	rddreg [dreg:$0x5];
	[sflag:s30] =	ssyncadd.s32 $0xFFFF8000  }
0x7d: {  	[hbm4b:s11+s3] =	stream.linear.scatter [tilespmem:s13], [sflag:$0x4], $0x8000, $0x38;
	[tilespmem:$0x10080] =	vst v63  }
0x7e: {  	p0 =	sne.s32 s8, $0x1;
	_ =	swait.ge [sflag:s31], $0x8000  }
.Ltmp0:
0x7f: {  	[sflag:s31] =	ssyncset.done $0x0;
	(pc) =	sbr.rel @p0 .LBB2_1-.Ltmp0, $4  }
0x80: {  	[sflag:s31] =	ssyncadd.s32 $0xFFFF8000  }
0x81: {  	_ =	swait.ge [sflag:s2], $0x8000  }
0x82: {  	[sflag:s2] =	ssyncset.done $0x0  }
0x83: {  	s8 =	sadd.s32 $0xFFFFFFFF, s8;
	[sflag:s2] =	ssyncadd.s32 $0xFFFF8000  }
0x84: {  	_ =	sfence.sel $0x180000  }
0x85: {  	[bflag:$0x0] =	sbarrier.arrive $0xFFFF  }
0x86: {  	_ =	strace $0x90000047  }
0x87: {  	s0 =	stileid.u32;
	[bflag:$0x2] =	sbarrier.arrive $0xFFFF  }
0x88: {  	p0 =	sne.s32 s0, $0x0;
	s0 =	rddreg [dreg:$0x3]  }
0x89: {  	s0 =	sadd.s32 @!p0 $0x100000, s0  }
0x8a: {  	[sflag:s0] =	ssyncadd.tile.s32 @!p0 $0x1;
	_ =	shalt  }
.Lfunc_end2:
_tile_overlayer_lowered:
.L_overlay_start_2:
0x8b: {  	(tag) =	ssettag $0x2  }
0x8c: {  	s0 =	rddreg [dreg:$0x0];
	s2 =	stileid.u32  }
0x8d: {  	s1 =	rddreg [dreg:$0x1];
	p0 =	sne.s32 s2, $0x0  }
0x8e: {  	s3 =	rddreg [dreg:$0x2];
	[bflag:$0x3] =	sbarrier.arrive $0xFFFF;
	s2 =	simm.s32 @!p0 $0x1C05  }
0x8f: {  	[timem:s3], [sflag:s2] =	dma.local @!p0 [hbm:s0], s1  }
0x90: {  	s0 =	simm.s32 @!p0 $0x5  }
0x91: {  	_ =	swait.ge @!p0 [sflag:s0], s1  }
0x92: {  	s1 =	ssub.s32 @!p0 $0x0, s1;
	[sflag:s0] =	ssyncset.done @!p0 $0x0  }
0x93: {  	[sflag:s0] =	ssyncadd.s32 @!p0 s1  }
0x94: {  	[bflag:$0x3] =	sbarrier.arrive $0xFFFF  }
0x95: {  	_ =	shalt  }

// kernel: kernel.13.cloned.1.call-start
scs
__scs_entry_jumppad:
0x0: {  	(pc) =	sbr.rel $0x88, $3  }
0x1: {  	(tag) =	ssettag $0x0;
	lr =	simm.s32 $0x1  }
0x2: {  	[smem:$0x3F9F] =	sst lr;
	_ =	strace $0xD0000000  }
0x3: {  	_ = 	snop  }
0x4: {  	_ = 	snop  }
0x5: {  	_ = 	snop  }
0x6: {  	_ = 	snop  }
0x7: {  	_ = 	snop  }
__scs_overlays_trampoline_lowered:
0x8: {  	[smem:$0x3FAE] =	sst s0  }
0x9: {  	[smem:$0x3FAF] =	sst s1  }
0xa: {  	[smem:$0x3FB0] =	sst s2  }
0xb: {  	[smem:$0x3FB1] =	sst s3  }
0xc: {  	[smem:$0x3FB2] =	sst s4  }
0xd: {  	[smem:$0x3FB3] =	sst s5  }
0xe: {  	[smem:$0x3FB4] =	sst s6  }
0xf: {  	[smem:$0x3FB5] =	sst s7  }
0x10: {  	[smem:$0x3FB6] =	sst s8  }
0x11: {  	[smem:$0x3FB7] =	sst s9;
	s0 =	simm.s32 @!p0 $0x0  }
0x12: {  	s1 =	sld [smem:$0x3F9D];
	s0 =	simm.s32 @p0 $0x1  }
0x13: {  	[smem:$0x3FB8] =	sst s0;
	s0 =	simm.s32 @!p1 $0x0  }
0x14: {  	s2 =	sld [smem:$0x3F9C];
	s0 =	simm.s32 @p1 $0x1  }
0x15: {  	[smem:$0x3FB9] =	sst s0;
	s0 =	simm.s32 @!p2 $0x0  }
0x16: {  	s3 =	sld [smem:$0x3FDB];
	s0 =	simm.s32 @p2 $0x1  }
0x17: {  	s4 =	simm.s32 $0x1BF5;
	[smem:$0x3FBB] =	sst s0  }
0x18: {  	s0 =	sld [smem:$0x3F9E];
	_ =	swait.ge [sflag:s4], $0x0  }
0x19: {  	s7 =	sld [smem:$0x3F9F]  }
0x1a: {  	s8 =	sadd.s32 $0xFFFFE003, lr  }
0x1b: {  	s9 =	sadd.s32 $0xFFFFFEF7, lr;
	s5 =	simm.s32 $0xFFFFFFFF;
	p2 =	slt.u32 s8, $0xFFFFF086  }
0x1c: {  	p1 =	slt.u32 s9, $0xF7A;
	s5 =	simm.s32 @!p2 $0x0  }
0x1d: {  	s5 =	simm.s32 @p1 $0x1;
	p0 =	seq.s32 s7, s2  }
0x1e: {  	s7 =	smul.u32 @!p0 $0xF7A, s2;
	p2 =	seq.s32 @!p0 s5, $0x0  }
0x1f: {  	s9 =	smul.u32 $0xF7A, s1;
	s8 =	simm.s32 @!p0 $0x1BF5;
	p2 =	por !p2, p0  }
0x20: {  	[sflag:s8] =	ssyncset.s32 @!p0 $0xFFFFF086;
	s6 =	sadd.s32 @!p0 s3, s7;
	s7 =	simm.s32 @!p0 $0x108  }
0x21: {  	s3 =	sadd.s32 s3, s9;
	s6 =	sadd.s32 @!p0 $0x88, s6;
	s7 =	simm.s32 @p2 $0x1082  }
0x22: {  	[simem:s7], [sflag:s8] =	dma.local @!p0 [hbm:s6], $0xF7A  }
0x23: {  	s9 =	sor.u32 $0xD0000000, s2;
	s6 =	simm.s32 $0x108;
	_ =	swait.ge @!p0 [sflag:s8], $0x0  }
0x24: {  	s3 =	sadd.s32 $0x88, s3;
	s6 =	simm.s32 @!p1 $0x1082;
	[sflag:s4] =	ssyncset.s32 $0xFFFFF086  }
0x25: {  	[simem:s6], [sflag:s4] =	dma.local [hbm:s3], $0xF7A  }
0x26: {  	[smem:$0x3F9F] =	sst s1;
	(tag) =	ssettag s2;
	_ =	strace s9  }
0x27: {  	s1 =	sld [smem:$0x3FAF]  }
0x28: {  	s2 =	sld [smem:$0x3FB0]  }
0x29: {  	s4 =	sld [smem:$0x3FB2]  }
0x2a: {  	p0 =	seq.s32 s5, $0x0;
	s5 =	sld [smem:$0x3FB3]  }
0x2b: {  	s6 =	sld [smem:$0x3FB4]  }
0x2c: {  	s7 =	sld [smem:$0x3FB5]  }
0x2d: {  	s3 =	simm.s32 $0x108;
	s8 =	sld [smem:$0x3FB6]  }
0x2e: {  	s3 =	simm.s32 @!p0 $0x1082;
	s9 =	sld [smem:$0x3FB7]  }
0x2f: {  	lr =	sadd.s32 s0, s3;
	s0 =	sld [smem:$0x3FAE]  }
0x30: {  	s3 =	sld [smem:$0x3FB1]  }
0x31: {  	[smem:$0x3FBA] =	sst s10  }
0x32: {  	s10 =	sld [smem:$0x3FB8];
	_ =	sdelay $0x3  }
0x33: {  	p0 =	seq.s32 s10, $0x1;
	s10 =	sld [smem:$0x3FBA];
	_ =	sdelay $0x3  }
0x34: {  	[smem:$0x3FBA] =	sst s10  }
0x35: {  	s10 =	sld [smem:$0x3FB9];
	_ =	sdelay $0x3  }
0x36: {  	p1 =	seq.s32 s10, $0x1;
	s10 =	sld [smem:$0x3FBA];
	_ =	sdelay $0x3  }
0x37: {  	[smem:$0x3FBA] =	sst s10  }
0x38: {  	s10 =	sld [smem:$0x3FBB]  }
0x39: {  	_ = 	snop;
	(pc) =	sbr.ind lr, $3  }
0x3a: {  	_ = 	snop  }
0x3b: {  	_ = 	snop  }
0x3c: {  	p2 =	seq.s32 s10, $0x1;
	s10 =	sld [smem:$0x3FBA]  }
0x3d: {  	_ =	shalt  }
0x3e: {  	_ =	shalt  }
0x3f: {  	_ =	shalt  }
0x40: {  	_ =	shalt  }
0x41: {  	_ =	shalt  }
0x42: {  	_ =	shalt  }
0x43: {  	_ =	shalt  }
0x44: {  	_ =	shalt  }
0x45: {  	_ =	shalt  }
0x46: {  	_ =	shalt  }
0x47: {  	_ =	shalt  }
0x48: {  	_ =	shalt  }
0x49: {  	_ =	shalt  }
0x4a: {  	_ =	shalt  }
0x4b: {  	_ =	shalt  }
0x4c: {  	_ =	shalt  }
0x4d: {  	_ =	shalt  }
0x4e: {  	_ =	shalt  }
0x4f: {  	_ =	shalt  }
0x50: {  	_ =	shalt  }
0x51: {  	_ =	shalt  }
0x52: {  	_ =	shalt  }
0x53: {  	_ =	shalt  }
0x54: {  	_ =	shalt  }
0x55: {  	_ =	shalt  }
0x56: {  	_ =	shalt  }
0x57: {  	_ =	shalt  }
0x58: {  	_ =	shalt  }
0x59: {  	_ =	shalt  }
0x5a: {  	_ =	shalt  }
0x5b: {  	_ =	shalt  }
0x5c: {  	_ =	shalt  }
0x5d: {  	_ =	shalt  }
0x5e: {  	_ =	shalt  }
0x5f: {  	_ =	shalt  }
0x60: {  	_ =	shalt  }
0x61: {  	_ =	shalt  }
0x62: {  	_ =	shalt  }
0x63: {  	_ =	shalt  }
0x64: {  	_ =	shalt  }
0x65: {  	_ =	shalt  }
0x66: {  	_ =	shalt  }
0x67: {  	_ =	shalt  }
0x68: {  	_ =	shalt  }
0x69: {  	_ =	shalt  }
0x6a: {  	_ =	shalt  }
0x6b: {  	_ =	shalt  }
0x6c: {  	_ =	shalt  }
0x6d: {  	_ =	shalt  }
0x6e: {  	_ =	shalt  }
0x6f: {  	_ =	shalt  }
0x70: {  	_ =	shalt  }
0x71: {  	_ =	shalt  }
0x72: {  	_ =	shalt  }
0x73: {  	_ =	shalt  }
0x74: {  	_ =	shalt  }
0x75: {  	_ =	shalt  }
0x76: {  	_ =	shalt  }
0x77: {  	_ =	shalt  }
0x78: {  	_ =	shalt  }
0x79: {  	_ =	shalt  }
0x7a: {  	_ =	shalt  }
0x7b: {  	_ =	shalt  }
0x7c: {  	_ =	shalt  }
0x7d: {  	_ =	shalt  }
0x7e: {  	_ =	shalt  }
0x7f: {  	_ =	shalt  }
0x80: {  	_ =	shalt  }
0x81: {  	_ =	shalt  }
0x82: {  	_ =	shalt  }
0x83: {  	_ =	shalt  }
0x84: {  	_ =	shalt  }
0x85: {  	_ =	shalt  }
0x86: {  	_ =	shalt  }
0x87: {  	_ =	shalt  }
.Lfunc_end0:
.L_simem_size_0:
called_computation.1_lowered:
.L_overlay_start_0:
0x88: {  	s2 =	sld [smem:$0x3FD9]  }
0x89: {  	s3 =	sld [smem:$0x3FFE];
	_ =	sdelay $0x1  }
0x8a: {  	s1 =	srdreg.scid  }
0x8b: {  	s0 =	sand.u32 $0x1, s1  }
0x8c: {  	s17 =	sshll.u32 s0, $0xA;
	s2 =	sadd.s32 s3, s2  }
0x8d: {  	s2 =	sadd.s32 s2, s17  }
0x8e: {  	[smem:$0x3FC6] =	sst s2  }
0x8f: {  	_ = 	snop  }
0x90: {  	s18 =	sld [smem:$0x3FC9];
	(tm) =	ssettm $0x1  }
0x91: {  	s19 =	sld [smem:$0x3FFB];
	_ =	sdelay $0x3  }
0x92: {  	_ =	strace s19  }
0x93: {  	s2 =	sld [smem:$0x3FFC];
	_ =	sdelay $0x3  }
0x94: {  	_ =	strace s2  }
0x95: {  	s2 =	sld [smem:$0x3FFD];
	_ =	sdelay $0x3  }
0x96: {  	_ =	strace s2  }
0x97: {  	_ =	strace $0x8FFFFFFF  }
0x98: {  	s20 =	sld [smem:$0x3FDB];
	_ =	sdelay $0x1  }
0x99: {  	s4 =	simm.s32 $_scs_section_size  }
0x9a: {  	s5 =	simm.s32 $_size__tile_overlayer_lowered;
	s6 =	simm.s32 $_tile_overlayer_lowered  }
0x9b: {  	s7 =	simm.s32 $0x1BFF;
	s21 =	sshll.u32 s6, $0x1;
	s4 =	sadd.s32 s4, s20  }
0x9c: {  	s22 =	simm.s32 $0x0;
	s5 =	sshll.u32 s5, $0x1;
	s6 =	sadd.s32 s21, s4  }
0x9d: {  	[timem:s22], [sflag:s7] =	dma.local [hbm:s6], s5  }
0x9e: {  	_ =	swait.ge [sflag:s7], s5  }
0x9f: {  	s5 =	ssub.s32 $0x0, s5;
	[sflag:s7] =	ssyncset.done $0x0  }
0xa0: {  	[sflag:s7] =	ssyncadd.s32 s5;
	_ =	sdelay $0x1  }
0xa1: {  	s23 =	simm.s32 $0x1B8B  }
0xa2: {  	_ =	swait.ge [sflag:s23], $0x1  }
0xa3: {  	[sflag:s23] =	ssyncset.done $0x0  }
0xa4: {  	[sflag:s23] =	ssyncadd.s32 $0xFFFFFFFF  }
0xa5: {  	s5 =	sld [smem:$0x0]  }
0xa6: {  	s6 =	sand.u32 $0xFFFFFFFE, s1  }
0xa7: {  	p0 =	sne.s32 s1, s6  }
0xa8: {  	s6 =	sshll.u32 @p0 s6, $0xE  }
0xa9: {  	s6 =	sadd.s32 @p0 $0x11B8D, s6;
	s7 =	sshll.u32 @p0 s5, $0x11  }
0xaa: {  	s6 =	sor.u32 @p0 s7, s6  }
0xab: {  	[sflag:s6] =	ssyncadd.remote.s32 @p0 $0x1;
	_ =	sdelay $0x1  }
0xac: {  	s6 =	simm.s32 @p0 $0x1B8D  }
0xad: {  	_ =	swait.eq @p0 [sflag:s6], $0x1  }
0xae: {  	[sflag:s6] =	ssyncadd.s32 @p0 $0xFFFFFFFF  }
0xaf: {  	s7 =	sshll.u32 @!p0 s1, $0xE  }
0xb0: {  	s7 =	sor.u32 @!p0 $0x4000, s7;
	s6 =	simm.s32 @!p0 $0x1B8D  }
0xb1: {  	s5 =	sshll.u32 @!p0 s5, $0x11;
	s7 =	sadd.s32 @!p0 $0x11B8D, s7;
	_ =	swait.eq @!p0 [sflag:s6], $0x1  }
0xb2: {  	s5 =	sor.u32 @!p0 s5, s7;
	[sflag:s6] =	ssyncadd.s32 @!p0 $0xFFFFFFFF  }
0xb3: {  	s25 =	simm.s32 $0x1B8E;
	s24 =	sld [smem:$0x3FFE];
	[sflag:s5] =	ssyncadd.remote.s32 @!p0 $0x1  }
0xb4: {  	s26 =	simm.s32 $execute0_lowered;
	[smem:$0x3FD2] =	sst s25  }
0xb5: {  	s6 =	sshll.u32 s26, $0x1;
	_ =	strace $0x80000049;
	[dreg:$0x1] =	wrdreg $0xFFFFFFFF  }
0xb6: {  	s28 =	simm.s32 $_size_execute0_lowered;
	s4 =	sadd.s32 s4, s6;
	[dreg:$0x0] =	wrdreg $0x0  }
0xb7: {  	s6 =	sshll.u32 s28, $0x1;
	[dreg:$0x2] =	wrdreg s4  }
0xb8: {  	[dreg:$0x3] =	wrdreg s6  }
0xb9: {  	[dreg:$0x4] =	wrdreg $0xC0  }
0xba: {  	_ =	task [dreg:s22], $0x5FFFF  }
0xbb: {  	[dreg:$0x1] =	wrdreg $0xFFFFFFFF  }
0xbc: {  	[dreg:$0x0] =	wrdreg $0x60  }
0xbd: {  	[dreg:$0x2] =	wrdreg s18  }
0xbe: {  	[dreg:$0x3] =	wrdreg s24  }
0xbf: {  	[dreg:$0x4] =	wrdreg $0xA  }
0xc0: {  	_ =	task.clear_ibuf [dreg:s22], $0x5FFFF;
	_ =	strace $0x90000049  }
0xc1: {  	s29 =	simm.s32 $0xA;
	_ =	strace $0x8000004B  }
0xc2: {  	_ =	swait.ge [sflag:s29], $0x1  }
0xc3: {  	[sflag:s29] =	ssyncadd.s32 $0xFFFFFFFF  }
0xc4: {  	_ =	strace $0x9000004B  }
0xc5: {  	_ =	sfence  }
0xc6: {  	s30 =	sld [smem:$0x0];
	_ =	sdelay $0x2  }
0xc7: {  	s31 =	sshll.u32 s1, $0xD;
	s1 =	sshrl.u32 s1, $0x2  }
0xc8: {  	s4 =	sand.u32 $0x4000, s31;
	s1 =	sadd.s32 s1, s30  }
0xc9: {  	s0 =	sor.u32 s4, s0;
	s1 =	sshll.u32 s1, $0x11  }
0xca: {  	s0 =	sor.u32 s1, s0  }
0xcb: {  	s0 =	sadd.s32 $0x8F2B, s0  }
0xcc: {  	[sflag:s0] =	ssyncadd.remote.s32 $0x1  }
0xcd: {  	_ =	sfence.sel $0xFFFF  }
0xce: {  	[dreg:$0x0] =	wrdreg $0xFFFFFFFF;
	(pc) =	sbr.abs _section_cstart, $3  }
0xcf: {  	[dreg:$0x1] =	wrdreg $0xFFFFFFFF  }
0xd0: {  	_ =	task.clear_ibuf [dreg:s22], $0x2FFFF;
	_ =	strace $0x9FFFFFFF  }
0xd1: {  	(tm) =	ssettm $0x7FFFFFFF  }
tec
execute0_lowered:
.L_overlay_start_1:
0x0: {  	(tag) =	ssettag $0x1  }
0x1: {  	s0 =	srdreg.scid  }
0x2: {  	s1 =	stileid.u32;
	s2 =	rddreg [dreg:$0x0]  }
0x3: {  	s4 =	rddreg [dreg:$0x1];
	s3 =	simm.s32 $0x0;
	s19 =	simm.s32 $0x2  }
0x4: {  	s20 =	simm.s32 $0x3;
	s21 =	simm.s32 $0x4;
	s28 =	simm.s32 $0x100  }
0x5: {  	s23 =	simm.s32 $0x900;
	s29 =	simm.s32 $0x2100;
	s30 =	simm.s32 $0x2900  }
0x6: {  	s31 =	simm.s32 $0x3100;
	s10 =	simm.s32 $0x4100;
	s9 =	simm.s32 $0x5100  }
0x7: {  	s11 =	simm.s32 $0x5900;
	s12 =	simm.s32 $0x6100;
	s13 =	simm.s32 $0x6900  }
0x8: {  	s14 =	simm.s32 $0x7100;
	s0 =	sand.u32 $0x1, s0;
	s1 =	sshll.u32 s1, $0x1  }
0x9: {  	s15 =	simm.s32 $0x7900;
	s17 =	simm.s32 $0x9100;
	s1 =	sor.u32 s0, s1  }
0xa: {  	s18 =	simm.s32 $0x9900;
	[smem:$0x7FF] =	sst s3;
	s5 =	smul.u32 $0x18, s1  }
0xb: {  	_ =	strace $0x8000004A;
	s0 =	ssub.s32 $0x2, s0;
	s6 =	smul.u32 $0x6000, s1  }
0xc: {  	s1 =	smul.u32 $0x30000, s1;
	s7 =	sshrl.u32 s0, $0x1;
	s5 =	sadd.s32 s5, s4  }
0xd: {  	s0 =	ssub.s32 s0, s7;
	s4 =	sadd.s32 $0x2600, s4;
	s5 =	sadd.s32 $0x1E00, s5  }
0xe: {  	s1 =	sshrl.u32 s1, $0x3;
	s6 =	sadd.s32 s4, s6;
	[dreg:$0x3] =	wrdreg s5  }
0xf: {  	s1 =	sadd.s32 s4, s1;
	[dreg:$0x9] =	wrdreg s6;
	s24 =	sadd.s32 $0x1000, s6  }
0x10: {  	s7 =	sadd.s32 $0x300, s2;
	s4 =	sadd.s32 $0x2000, s1;
	[dreg:$0x4] =	wrdreg s24  }
0x11: {  	s8 =	smax.u32 s0, $0x1;
	s25 =	sadd.s32 $0x3000, s1;
	[dreg:$0x5] =	wrdreg s4  }
0x12: {  	s0 =	simm.s32 $0x8100;
	s26 =	sadd.s32 $0x4000, s1;
	[dreg:$0x6] =	wrdreg s25  }
0x13: {  	v2 =	vlaneseq.u32;
	s5 =	sadd.s32 $0x100, s2;
	s1 =	sadd.s32 $0x5000, s1;
	[dreg:$0x7] =	wrdreg s26  }
0x14: {  	vm0 =	vmmov $0xffff;
	v1 =	vshrl.u32 v2, $0x3;
	s6 =	sadd.s32 $0x200, s2;
	[dreg:$0x8] =	wrdreg s1;
	s26 =	simm.s32 $0x1  }
0x15: {  	v0 =	vand.u32 $0x7, v2;
	v2 =	vor.u32 $0x8, v2;
	v1 =	vmul.u32 $0x8, v1;
	s24 =	simm.s32 $0x1100;
	s25 =	simm.s32 $0x1900;
	s4 =	simm.s32 $0x4900  }
.LBB2_1:
0x16: {  	s22 =	rddreg [dreg:$0x3];
	s16 =	simm.s32 $0x5  }
0x17: {  	[tilespmem:s3], [sflag:$0x5] =	stream.linear.gather [hbm4b:s22+s3], $0xC0, $0x38;
	[tilespmem:$0x10100] =	vst v63  }
0x18: {  	_ =	swait.ge [sflag:s16], $0xC0  }
0x19: {  	[sflag:s16] =	ssyncset.done $0x0  }
0x1a: {  	[sflag:s16] =	ssyncadd.s32 $0xFFFFFF40  }
0x1b: {  	v3 =	vld [tilespmem:$0x0];
	_ =	sdelay $0x4  }
0x1c: {  	v4 =	vshll.u32 v3, $0x3  }
0x1d: {  	v3 =	vand.u32 $0x7, v3;
	v4 =	vand.u32 $0xFFFFFFC0, v4  }
0x1e: {  	v3 =	vor.u32 v3, v4  }
0x1f: {  	v4 =	vperm.xlane v3, v0;
	_ =	sdelay $0x1  }
0x20: {  	v4 =	vadd.s32 v1, v4;
	_ =	sdelay $0x4  }
0x21: {  	[tilespmem:s28], [sflag:$0x1] =	stream.indirect_vreg.gather [hbm4b:s2+s3], $0x80, v4, vm0, $0xb8;
	[tilespmem:$0x10100] =	vst v63  }
0x22: {  	v3 =	vperm.xlane v3, v2  }
0x23: {  	[tilespmem:s23], [sflag:$0x1] =	stream.indirect_vreg.gather [hbm4b:s5+s3], $0x80, v4, vm0, $0xb8;
	[tilespmem:$0x10100] =	vst v63  }
0x24: {  	v3 =	vadd.s32 v1, v3  }
0x25: {  	[tilespmem:s24], [sflag:$0x1] =	stream.indirect_vreg.gather [hbm4b:s6+s3], $0x80, v4, vm0, $0xb8;
	[tilespmem:$0x10100] =	vst v63  }
0x26: {  	_ = 	snop  }
0x27: {  	[tilespmem:s25], [sflag:$0x1] =	stream.indirect_vreg.gather [hbm4b:s7+s3], $0x80, v4, vm0, $0xb8;
	[tilespmem:$0x10100] =	vst v63  }
0x28: {  	_ = 	snop  }
0x29: {  	[tilespmem:s29], [sflag:$0x1] =	stream.indirect_vreg.gather [hbm4b:s2+s3], $0x80, v3, vm0, $0xb8;
	[tilespmem:$0x10100] =	vst v63  }
0x2a: {  	_ = 	snop  }
0x2b: {  	[tilespmem:s30], [sflag:$0x1] =	stream.indirect_vreg.gather [hbm4b:s5+s3], $0x80, v3, vm0, $0xb8;
	[tilespmem:$0x10100] =	vst v63  }
0x2c: {  	_ = 	snop  }
0x2d: {  	[tilespmem:s31], [sflag:$0x1] =	stream.indirect_vreg.gather [hbm4b:s6+s3], $0x80, v3, vm0, $0xb8;
	[tilespmem:$0x10100] =	vst v63  }
0x2e: {  	s1 =	simm.s32 $0x3900  }
0x2f: {  	[tilespmem:s1], [sflag:$0x1] =	stream.indirect_vreg.gather [hbm4b:s7+s3], $0x80, v3, vm0, $0xb8;
	[tilespmem:$0x10100] =	vst v63  }
0x30: {  	v3 =	vld [tilespmem:$0x10];
	_ =	sdelay $0x4  }
0x31: {  	v53 =	vshll.u32 v3, $0x3  }
0x32: {  	v3 =	vand.u32 $0x7, v3;
	v4 =	vand.u32 $0xFFFFFFC0, v53  }
0x33: {  	v3 =	vor.u32 v3, v4  }
0x34: {  	v4 =	vperm.xlane v3, v0;
	_ =	sdelay $0x1  }
0x35: {  	v4 =	vadd.s32 v1, v4;
	_ =	sdelay $0x4  }
0x36: {  	[tilespmem:s10], [sflag:$0x1] =	stream.indirect_vreg.gather [hbm4b:s2+s3], $0x80, v4, vm0, $0xb8;
	[tilespmem:$0x10100] =	vst v63  }
0x37: {  	v3 =	vperm.xlane v3, v2  }
0x38: {  	[tilespmem:s4], [sflag:$0x1] =	stream.indirect_vreg.gather [hbm4b:s5+s3], $0x80, v4, vm0, $0xb8;
	[tilespmem:$0x10100] =	vst v63  }
0x39: {  	v3 =	vadd.s32 v1, v3  }
0x3a: {  	[tilespmem:s9], [sflag:$0x1] =	stream.indirect_vreg.gather [hbm4b:s6+s3], $0x80, v4, vm0, $0xb8;
	[tilespmem:$0x10100] =	vst v63  }
0x3b: {  	_ = 	snop  }
0x3c: {  	[tilespmem:s11], [sflag:$0x1] =	stream.indirect_vreg.gather [hbm4b:s7+s3], $0x80, v4, vm0, $0xb8;
	[tilespmem:$0x10100] =	vst v63  }
0x3d: {  	_ = 	snop  }
0x3e: {  	[tilespmem:s12], [sflag:$0x1] =	stream.indirect_vreg.gather [hbm4b:s2+s3], $0x80, v3, vm0, $0xb8;
	[tilespmem:$0x10100] =	vst v63  }
0x3f: {  	_ = 	snop  }
0x40: {  	[tilespmem:s13], [sflag:$0x1] =	stream.indirect_vreg.gather [hbm4b:s5+s3], $0x80, v3, vm0, $0xb8;
	[tilespmem:$0x10100] =	vst v63  }
0x41: {  	_ = 	snop  }
0x42: {  	[tilespmem:s14], [sflag:$0x1] =	stream.indirect_vreg.gather [hbm4b:s6+s3], $0x80, v3, vm0, $0xb8;
	[tilespmem:$0x10100] =	vst v63  }
0x43: {  	_ = 	snop  }
0x44: {  	[tilespmem:s15], [sflag:$0x1] =	stream.indirect_vreg.gather [hbm4b:s7+s3], $0x80, v3, vm0, $0xb8;
	[tilespmem:$0x10100] =	vst v63  }
0x45: {  	_ =	swait.ge [sflag:s26], $0x8000  }
0x46: {  	[sflag:s26] =	ssyncset.done $0x0  }
0x47: {  	[sflag:s26] =	ssyncadd.s32 $0xFFFF8000  }
0x48: {  	v3 =	vld [tilespmem:$0x20];
	_ =	sdelay $0x4  }
0x49: {  	v54 =	vshll.u32 v3, $0x3  }
0x4a: {  	v3 =	vand.u32 $0x7, v3;
	v4 =	vand.u32 $0xFFFFFFC0, v54  }
0x4b: {  	v3 =	vor.u32 v3, v4  }
0x4c: {  	v4 =	vperm.xlane v3, v0;
	_ =	sdelay $0x1  }
0x4d: {  	v4 =	vadd.s32 v1, v4;
	_ =	sdelay $0x4  }
0x4e: {  	[tilespmem:s0], [sflag:$0x2] =	stream.indirect_vreg.gather [hbm4b:s2+s3], $0x80, v4, vm0, $0xb8;
	[tilespmem:$0x10100] =	vst v63  }
0x4f: {  	s16 =	simm.s32 $0x8900;
	v3 =	vperm.xlane v3, v2  }
0x50: {  	[tilespmem:s16], [sflag:$0x2] =	stream.indirect_vreg.gather [hbm4b:s5+s3], $0x80, v4, vm0, $0xb8;
	[tilespmem:$0x10100] =	vst v63  }
0x51: {  	v3 =	vadd.s32 v1, v3  }
0x52: {  	[tilespmem:s17], [sflag:$0x2] =	stream.indirect_vreg.gather [hbm4b:s6+s3], $0x80, v4, vm0, $0xb8;
	[tilespmem:$0x10100] =	vst v63  }
0x53: {  	_ = 	snop  }
0x54: {  	[tilespmem:s18], [sflag:$0x2] =	stream.indirect_vreg.gather [hbm4b:s7+s3], $0x80, v4, vm0, $0xb8;
	[tilespmem:$0x10100] =	vst v63  }
0x55: {  	s22 =	simm.s32 $0xA100  }
0x56: {  	[tilespmem:s22], [sflag:$0x2] =	stream.indirect_vreg.gather [hbm4b:s2+s3], $0x80, v3, vm0, $0xb8;
	[tilespmem:$0x10100] =	vst v63  }
0x57: {  	s22 =	simm.s32 $0xA900  }
0x58: {  	[tilespmem:s22], [sflag:$0x2] =	stream.indirect_vreg.gather [hbm4b:s5+s3], $0x80, v3, vm0, $0xb8;
	[tilespmem:$0x10100] =	vst v63  }
0x59: {  	s22 =	simm.s32 $0xB100  }
0x5a: {  	[tilespmem:s22], [sflag:$0x2] =	stream.indirect_vreg.gather [hbm4b:s6+s3], $0x80, v3, vm0, $0xb8;
	[tilespmem:$0x10100] =	vst v63  }
0x5b: {  	s22 =	simm.s32 $0xB900  }
0x5c: {  	[tilespmem:s22], [sflag:$0x2] =	stream.indirect_vreg.gather [hbm4b:s7+s3], $0x80, v3, vm0, $0xb8;
	[tilespmem:$0x10100] =	vst v63  }
0x5d: {  	v3 =	vld [tilespmem:$0x30];
	_ =	sdelay $0x4  }
0x5e: {  	v55 =	vshll.u32 v3, $0x3  }
0x5f: {  	v3 =	vand.u32 $0x7, v3;
	v4 =	vand.u32 $0xFFFFFFC0, v55  }
0x60: {  	v3 =	vor.u32 v3, v4  }
0x61: {  	v4 =	vperm.xlane v3, v0;
	_ =	sdelay $0x1  }
0x62: {  	v4 =	vadd.s32 v1, v4;
	_ =	sdelay $0x3  }
0x63: {  	s22 =	simm.s32 $0xC100  }
0x64: {  	[tilespmem:s22], [sflag:$0x2] =	stream.indirect_vreg.gather [hbm4b:s2+s3], $0x80, v4, vm0, $0xb8;
	[tilespmem:$0x10100] =	vst v63  }
0x65: {  	v3 =	vperm.xlane v3, v2;
	s22 =	simm.s32 $0xC900  }
0x66: {  	[tilespmem:s22], [sflag:$0x2] =	stream.indirect_vreg.gather [hbm4b:s5+s3], $0x80, v4, vm0, $0xb8;
	[tilespmem:$0x10100] =	vst v63  }
0x67: {  	v3 =	vadd.s32 v1, v3;
	s22 =	simm.s32 $0xD100  }
0x68: {  	[tilespmem:s22], [sflag:$0x2] =	stream.indirect_vreg.gather [hbm4b:s6+s3], $0x80, v4, vm0, $0xb8;
	[tilespmem:$0x10100] =	vst v63  }
0x69: {  	s22 =	simm.s32 $0xD900  }
0x6a: {  	[tilespmem:s22], [sflag:$0x2] =	stream.indirect_vreg.gather [hbm4b:s7+s3], $0x80, v4, vm0, $0xb8;
	[tilespmem:$0x10100] =	vst v63  }
0x6b: {  	s22 =	simm.s32 $0xE100  }
0x6c: {  	[tilespmem:s22], [sflag:$0x2] =	stream.indirect_vreg.gather [hbm4b:s2+s3], $0x80, v3, vm0, $0xb8;
	[tilespmem:$0x10100] =	vst v63  }
0x6d: {  	s22 =	simm.s32 $0xE900  }
0x6e: {  	[tilespmem:s22], [sflag:$0x2] =	stream.indirect_vreg.gather [hbm4b:s5+s3], $0x80, v3, vm0, $0xb8;
	[tilespmem:$0x10100] =	vst v63  }
0x6f: {  	s22 =	simm.s32 $0xF100  }
0x70: {  	[tilespmem:s22], [sflag:$0x2] =	stream.indirect_vreg.gather [hbm4b:s6+s3], $0x80, v3, vm0, $0xb8;
	[tilespmem:$0x10100] =	vst v63  }
0x71: {  	s16 =	simm.s32 $0xF900  }
0x72: {  	[tilespmem:s16], [sflag:$0x2] =	stream.indirect_vreg.gather [hbm4b:s7+s3], $0x80, v3, vm0, $0xb8;
	[tilespmem:$0x10100] =	vst v63  }
0x73: {  	s16 =	rddreg [dreg:$0x9]  }
0x74: {  	[hbm4b:s16+s3] =	stream.linear.scatter [tilespmem:s28], [sflag:$0x3], $0x8000, $0x38;
	[tilespmem:$0x10100] =	vst v63  }
0x75: {  	_ =	swait.ge [sflag:s19], $0x8000  }
0x76: {  	[sflag:s19] =	ssyncset.done $0x0  }
0x77: {  	[sflag:s19] =	ssyncadd.s32 $0xFFFF8000  }
0x78: {  	_ =	swait.ge [sflag:s20], $0x8000  }
0x79: {  	[sflag:s20] =	ssyncset.done $0x0  }
0x7a: {  	[sflag:s20] =	ssyncadd.s32 $0xFFFF8000  }
0x7b: {  	v3 =	vld [tilespmem:$0x40];
	_ =	sdelay $0x4  }
0x7c: {  	v56 =	vshll.u32 v3, $0x3  }
0x7d: {  	v3 =	vand.u32 $0x7, v3;
	v4 =	vand.u32 $0xFFFFFFC0, v56  }
0x7e: {  	v3 =	vor.u32 v3, v4  }
0x7f: {  	v4 =	vperm.xlane v3, v0;
	_ =	sdelay $0x1  }
0x80: {  	v4 =	vadd.s32 v1, v4;
	_ =	sdelay $0x4  }
0x81: {  	[tilespmem:s28], [sflag:$0x1] =	stream.indirect_vreg.gather [hbm4b:s2+s3], $0x80, v4, vm0, $0xb8;
	[tilespmem:$0x10100] =	vst v63  }
0x82: {  	v3 =	vperm.xlane v3, v2  }
0x83: {  	[tilespmem:s23], [sflag:$0x1] =	stream.indirect_vreg.gather [hbm4b:s5+s3], $0x80, v4, vm0, $0xb8;
	[tilespmem:$0x10100] =	vst v63  }
0x84: {  	v3 =	vadd.s32 v1, v3  }
0x85: {  	[tilespmem:s24], [sflag:$0x1] =	stream.indirect_vreg.gather [hbm4b:s6+s3], $0x80, v4, vm0, $0xb8;
	[tilespmem:$0x10100] =	vst v63  }
0x86: {  	_ = 	snop  }
0x87: {  	[tilespmem:s25], [sflag:$0x1] =	stream.indirect_vreg.gather [hbm4b:s7+s3], $0x80, v4, vm0, $0xb8;
	[tilespmem:$0x10100] =	vst v63  }
0x88: {  	_ = 	snop  }
0x89: {  	[tilespmem:s29], [sflag:$0x1] =	stream.indirect_vreg.gather [hbm4b:s2+s3], $0x80, v3, vm0, $0xb8;
	[tilespmem:$0x10100] =	vst v63  }
0x8a: {  	_ = 	snop  }
0x8b: {  	[tilespmem:s30], [sflag:$0x1] =	stream.indirect_vreg.gather [hbm4b:s5+s3], $0x80, v3, vm0, $0xb8;
	[tilespmem:$0x10100] =	vst v63  }
0x8c: {  	_ = 	snop  }
0x8d: {  	[tilespmem:s31], [sflag:$0x1] =	stream.indirect_vreg.gather [hbm4b:s6+s3], $0x80, v3, vm0, $0xb8;
	[tilespmem:$0x10100] =	vst v63  }
0x8e: {  	_ = 	snop  }
0x8f: {  	[tilespmem:s1], [sflag:$0x1] =	stream.indirect_vreg.gather [hbm4b:s7+s3], $0x80, v3, vm0, $0xb8;
	[tilespmem:$0x10100] =	vst v63  }
0x90: {  	v3 =	vld [tilespmem:$0x50];
	_ =	sdelay $0x4  }
0x91: {  	v57 =	vshll.u32 v3, $0x3  }
0x92: {  	v3 =	vand.u32 $0x7, v3;
	v4 =	vand.u32 $0xFFFFFFC0, v57  }
0x93: {  	v3 =	vor.u32 v3, v4  }
0x94: {  	v4 =	vperm.xlane v3, v0;
	_ =	sdelay $0x1  }
0x95: {  	v4 =	vadd.s32 v1, v4;
	_ =	sdelay $0x4  }
0x96: {  	[tilespmem:s10], [sflag:$0x1] =	stream.indirect_vreg.gather [hbm4b:s2+s3], $0x80, v4, vm0, $0xb8;
	[tilespmem:$0x10100] =	vst v63  }
0x97: {  	v3 =	vperm.xlane v3, v2  }
0x98: {  	[tilespmem:s4], [sflag:$0x1] =	stream.indirect_vreg.gather [hbm4b:s5+s3], $0x80, v4, vm0, $0xb8;
	[tilespmem:$0x10100] =	vst v63  }
0x99: {  	v3 =	vadd.s32 v1, v3  }
0x9a: {  	[tilespmem:s9], [sflag:$0x1] =	stream.indirect_vreg.gather [hbm4b:s6+s3], $0x80, v4, vm0, $0xb8;
	[tilespmem:$0x10100] =	vst v63  }
0x9b: {  	_ = 	snop  }
0x9c: {  	[tilespmem:s11], [sflag:$0x1] =	stream.indirect_vreg.gather [hbm4b:s7+s3], $0x80, v4, vm0, $0xb8;
	[tilespmem:$0x10100] =	vst v63  }
0x9d: {  	_ = 	snop  }
0x9e: {  	[tilespmem:s12], [sflag:$0x1] =	stream.indirect_vreg.gather [hbm4b:s2+s3], $0x80, v3, vm0, $0xb8;
	[tilespmem:$0x10100] =	vst v63  }
0x9f: {  	_ = 	snop  }
0xa0: {  	[tilespmem:s13], [sflag:$0x1] =	stream.indirect_vreg.gather [hbm4b:s5+s3], $0x80, v3, vm0, $0xb8;
	[tilespmem:$0x10100] =	vst v63  }
0xa1: {  	_ = 	snop  }
0xa2: {  	[tilespmem:s14], [sflag:$0x1] =	stream.indirect_vreg.gather [hbm4b:s6+s3], $0x80, v3, vm0, $0xb8;
	[tilespmem:$0x10100] =	vst v63  }
0xa3: {  	_ = 	snop  }
0xa4: {  	[tilespmem:s15], [sflag:$0x1] =	stream.indirect_vreg.gather [hbm4b:s7+s3], $0x80, v3, vm0, $0xb8;
	[tilespmem:$0x10100] =	vst v63  }
0xa5: {  	s16 =	rddreg [dreg:$0x4]  }
0xa6: {  	[hbm4b:s16+s3] =	stream.linear.scatter [tilespmem:s0], [sflag:$0x4], $0x8000, $0x38;
	[tilespmem:$0x10100] =	vst v63  }
0xa7: {  	_ =	swait.ge [sflag:s26], $0x8000  }
0xa8: {  	[sflag:s26] =	ssyncset.done $0x0  }
0xa9: {  	[sflag:s26] =	ssyncadd.s32 $0xFFFF8000  }
0xaa: {  	_ =	swait.ge [sflag:s21], $0x8000  }
0xab: {  	[sflag:s21] =	ssyncset.done $0x0  }
0xac: {  	[sflag:s21] =	ssyncadd.s32 $0xFFFF8000  }
0xad: {  	v3 =	vld [tilespmem:$0x60];
	_ =	sdelay $0x4  }
0xae: {  	v58 =	vshll.u32 v3, $0x3  }
0xaf: {  	v3 =	vand.u32 $0x7, v3;
	v4 =	vand.u32 $0xFFFFFFC0, v58  }
0xb0: {  	v3 =	vor.u32 v3, v4  }
0xb1: {  	v4 =	vperm.xlane v3, v0;
	_ =	sdelay $0x1  }
0xb2: {  	v4 =	vadd.s32 v1, v4;
	_ =	sdelay $0x4  }
0xb3: {  	[tilespmem:s0], [sflag:$0x2] =	stream.indirect_vreg.gather [hbm4b:s2+s3], $0x80, v4, vm0, $0xb8;
	[tilespmem:$0x10100] =	vst v63  }
0xb4: {  	s22 =	simm.s32 $0x8900;
	v3 =	vperm.xlane v3, v2  }
0xb5: {  	[tilespmem:s22], [sflag:$0x2] =	stream.indirect_vreg.gather [hbm4b:s5+s3], $0x80, v4, vm0, $0xb8;
	[tilespmem:$0x10100] =	vst v63  }
0xb6: {  	v3 =	vadd.s32 v1, v3  }
0xb7: {  	[tilespmem:s17], [sflag:$0x2] =	stream.indirect_vreg.gather [hbm4b:s6+s3], $0x80, v4, vm0, $0xb8;
	[tilespmem:$0x10100] =	vst v63  }
0xb8: {  	_ = 	snop  }
0xb9: {  	[tilespmem:s18], [sflag:$0x2] =	stream.indirect_vreg.gather [hbm4b:s7+s3], $0x80, v4, vm0, $0xb8;
	[tilespmem:$0x10100] =	vst v63  }
0xba: {  	s22 =	simm.s32 $0xA100  }
0xbb: {  	[tilespmem:s22], [sflag:$0x2] =	stream.indirect_vreg.gather [hbm4b:s2+s3], $0x80, v3, vm0, $0xb8;
	[tilespmem:$0x10100] =	vst v63  }
0xbc: {  	s22 =	simm.s32 $0xA900  }
0xbd: {  	[tilespmem:s22], [sflag:$0x2] =	stream.indirect_vreg.gather [hbm4b:s5+s3], $0x80, v3, vm0, $0xb8;
	[tilespmem:$0x10100] =	vst v63  }
0xbe: {  	s22 =	simm.s32 $0xB100  }
0xbf: {  	[tilespmem:s22], [sflag:$0x2] =	stream.indirect_vreg.gather [hbm4b:s6+s3], $0x80, v3, vm0, $0xb8;
	[tilespmem:$0x10100] =	vst v63  }
0xc0: {  	s22 =	simm.s32 $0xB900  }
0xc1: {  	[tilespmem:s22], [sflag:$0x2] =	stream.indirect_vreg.gather [hbm4b:s7+s3], $0x80, v3, vm0, $0xb8;
	[tilespmem:$0x10100] =	vst v63  }
0xc2: {  	v3 =	vld [tilespmem:$0x70];
	_ =	sdelay $0x4  }
0xc3: {  	v59 =	vshll.u32 v3, $0x3  }
0xc4: {  	v3 =	vand.u32 $0x7, v3;
	v4 =	vand.u32 $0xFFFFFFC0, v59  }
0xc5: {  	v3 =	vor.u32 v3, v4  }
0xc6: {  	v4 =	vperm.xlane v3, v0;
	_ =	sdelay $0x1  }
0xc7: {  	v4 =	vadd.s32 v1, v4;
	_ =	sdelay $0x3  }
0xc8: {  	s22 =	simm.s32 $0xC100  }
0xc9: {  	[tilespmem:s22], [sflag:$0x2] =	stream.indirect_vreg.gather [hbm4b:s2+s3], $0x80, v4, vm0, $0xb8;
	[tilespmem:$0x10100] =	vst v63  }
0xca: {  	v3 =	vperm.xlane v3, v2;
	s22 =	simm.s32 $0xC900  }
0xcb: {  	[tilespmem:s22], [sflag:$0x2] =	stream.indirect_vreg.gather [hbm4b:s5+s3], $0x80, v4, vm0, $0xb8;
	[tilespmem:$0x10100] =	vst v63  }
0xcc: {  	v3 =	vadd.s32 v1, v3;
	s22 =	simm.s32 $0xD100  }
0xcd: {  	[tilespmem:s22], [sflag:$0x2] =	stream.indirect_vreg.gather [hbm4b:s6+s3], $0x80, v4, vm0, $0xb8;
	[tilespmem:$0x10100] =	vst v63  }
0xce: {  	s22 =	simm.s32 $0xD900  }
0xcf: {  	[tilespmem:s22], [sflag:$0x2] =	stream.indirect_vreg.gather [hbm4b:s7+s3], $0x80, v4, vm0, $0xb8;
	[tilespmem:$0x10100] =	vst v63  }
0xd0: {  	s22 =	simm.s32 $0xE100  }
0xd1: {  	[tilespmem:s22], [sflag:$0x2] =	stream.indirect_vreg.gather [hbm4b:s2+s3], $0x80, v3, vm0, $0xb8;
	[tilespmem:$0x10100] =	vst v63  }
0xd2: {  	s22 =	simm.s32 $0xE900  }
0xd3: {  	[tilespmem:s22], [sflag:$0x2] =	stream.indirect_vreg.gather [hbm4b:s5+s3], $0x80, v3, vm0, $0xb8;
	[tilespmem:$0x10100] =	vst v63  }
0xd4: {  	s22 =	simm.s32 $0xF100  }
0xd5: {  	[tilespmem:s22], [sflag:$0x2] =	stream.indirect_vreg.gather [hbm4b:s6+s3], $0x80, v3, vm0, $0xb8;
	[tilespmem:$0x10100] =	vst v63  }
0xd6: {  	s16 =	simm.s32 $0xF900  }
0xd7: {  	[tilespmem:s16], [sflag:$0x2] =	stream.indirect_vreg.gather [hbm4b:s7+s3], $0x80, v3, vm0, $0xb8;
	[tilespmem:$0x10100] =	vst v63  }
0xd8: {  	s22 =	rddreg [dreg:$0x5]  }
0xd9: {  	[hbm4b:s22+s3] =	stream.linear.scatter [tilespmem:s28], [sflag:$0x3], $0x8000, $0x38;
	[tilespmem:$0x10100] =	vst v63  }
0xda: {  	_ =	swait.ge [sflag:s19], $0x8000  }
0xdb: {  	[sflag:s19] =	ssyncset.done $0x0  }
0xdc: {  	[sflag:s19] =	ssyncadd.s32 $0xFFFF8000  }
0xdd: {  	_ =	swait.ge [sflag:s20], $0x8000  }
0xde: {  	[sflag:s20] =	ssyncset.done $0x0  }
0xdf: {  	[sflag:s20] =	ssyncadd.s32 $0xFFFF8000  }
0xe0: {  	v3 =	vld [tilespmem:$0x80];
	_ =	sdelay $0x4  }
0xe1: {  	v60 =	vshll.u32 v3, $0x3  }
0xe2: {  	v3 =	vand.u32 $0x7, v3;
	v4 =	vand.u32 $0xFFFFFFC0, v60  }
0xe3: {  	v3 =	vor.u32 v3, v4  }
0xe4: {  	v4 =	vperm.xlane v3, v0;
	_ =	sdelay $0x1  }
0xe5: {  	v4 =	vadd.s32 v1, v4;
	_ =	sdelay $0x4  }
0xe6: {  	[tilespmem:s28], [sflag:$0x1] =	stream.indirect_vreg.gather [hbm4b:s2+s3], $0x80, v4, vm0, $0xb8;
	[tilespmem:$0x10100] =	vst v63  }
0xe7: {  	v3 =	vperm.xlane v3, v2  }
0xe8: {  	[tilespmem:s23], [sflag:$0x1] =	stream.indirect_vreg.gather [hbm4b:s5+s3], $0x80, v4, vm0, $0xb8;
	[tilespmem:$0x10100] =	vst v63  }
0xe9: {  	v3 =	vadd.s32 v1, v3  }
0xea: {  	[tilespmem:s24], [sflag:$0x1] =	stream.indirect_vreg.gather [hbm4b:s6+s3], $0x80, v4, vm0, $0xb8;
	[tilespmem:$0x10100] =	vst v63  }
0xeb: {  	_ = 	snop  }
0xec: {  	[tilespmem:s25], [sflag:$0x1] =	stream.indirect_vreg.gather [hbm4b:s7+s3], $0x80, v4, vm0, $0xb8;
	[tilespmem:$0x10100] =	vst v63  }
0xed: {  	_ = 	snop  }
0xee: {  	[tilespmem:s29], [sflag:$0x1] =	stream.indirect_vreg.gather [hbm4b:s2+s3], $0x80, v3, vm0, $0xb8;
	[tilespmem:$0x10100] =	vst v63  }
0xef: {  	_ = 	snop  }
0xf0: {  	[tilespmem:s30], [sflag:$0x1] =	stream.indirect_vreg.gather [hbm4b:s5+s3], $0x80, v3, vm0, $0xb8;
	[tilespmem:$0x10100] =	vst v63  }
0xf1: {  	_ = 	snop  }
0xf2: {  	[tilespmem:s31], [sflag:$0x1] =	stream.indirect_vreg.gather [hbm4b:s6+s3], $0x80, v3, vm0, $0xb8;
	[tilespmem:$0x10100] =	vst v63  }
0xf3: {  	_ = 	snop  }
0xf4: {  	[tilespmem:s1], [sflag:$0x1] =	stream.indirect_vreg.gather [hbm4b:s7+s3], $0x80, v3, vm0, $0xb8;
	[tilespmem:$0x10100] =	vst v63  }
0xf5: {  	v3 =	vld [tilespmem:$0x90];
	_ =	sdelay $0x4  }
0xf6: {  	v61 =	vshll.u32 v3, $0x3  }
0xf7: {  	v3 =	vand.u32 $0x7, v3;
	v4 =	vand.u32 $0xFFFFFFC0, v61  }
0xf8: {  	v3 =	vor.u32 v3, v4  }
0xf9: {  	v4 =	vperm.xlane v3, v0;
	_ =	sdelay $0x1  }
0xfa: {  	v4 =	vadd.s32 v1, v4;
	_ =	sdelay $0x4  }
0xfb: {  	[tilespmem:s10], [sflag:$0x1] =	stream.indirect_vreg.gather [hbm4b:s2+s3], $0x80, v4, vm0, $0xb8;
	[tilespmem:$0x10100] =	vst v63  }
0xfc: {  	v3 =	vperm.xlane v3, v2  }
0xfd: {  	[tilespmem:s4], [sflag:$0x1] =	stream.indirect_vreg.gather [hbm4b:s5+s3], $0x80, v4, vm0, $0xb8;
	[tilespmem:$0x10100] =	vst v63  }
0xfe: {  	v3 =	vadd.s32 v1, v3  }
0xff: {  	[tilespmem:s9], [sflag:$0x1] =	stream.indirect_vreg.gather [hbm4b:s6+s3], $0x80, v4, vm0, $0xb8;
	[tilespmem:$0x10100] =	vst v63  }
0x100: {  	_ = 	snop  }
0x101: {  	[tilespmem:s11], [sflag:$0x1] =	stream.indirect_vreg.gather [hbm4b:s7+s3], $0x80, v4, vm0, $0xb8;
	[tilespmem:$0x10100] =	vst v63  }
0x102: {  	_ = 	snop  }
0x103: {  	[tilespmem:s12], [sflag:$0x1] =	stream.indirect_vreg.gather [hbm4b:s2+s3], $0x80, v3, vm0, $0xb8;
	[tilespmem:$0x10100] =	vst v63  }
0x104: {  	_ = 	snop  }
0x105: {  	[tilespmem:s13], [sflag:$0x1] =	stream.indirect_vreg.gather [hbm4b:s5+s3], $0x80, v3, vm0, $0xb8;
	[tilespmem:$0x10100] =	vst v63  }
0x106: {  	_ = 	snop  }
0x107: {  	[tilespmem:s14], [sflag:$0x1] =	stream.indirect_vreg.gather [hbm4b:s6+s3], $0x80, v3, vm0, $0xb8;
	[tilespmem:$0x10100] =	vst v63  }
0x108: {  	_ = 	snop  }
0x109: {  	[tilespmem:s15], [sflag:$0x1] =	stream.indirect_vreg.gather [hbm4b:s7+s3], $0x80, v3, vm0, $0xb8;
	[tilespmem:$0x10100] =	vst v63  }
0x10a: {  	s1 =	rddreg [dreg:$0x6]  }
0x10b: {  	[hbm4b:s1+s3] =	stream.linear.scatter [tilespmem:s0], [sflag:$0x4], $0x8000, $0x38;
	[tilespmem:$0x10100] =	vst v63  }
0x10c: {  	_ =	swait.ge [sflag:s26], $0x8000  }
0x10d: {  	[sflag:s26] =	ssyncset.done $0x0  }
0x10e: {  	[sflag:s26] =	ssyncadd.s32 $0xFFFF8000  }
0x10f: {  	_ =	swait.ge [sflag:s21], $0x8000  }
0x110: {  	[sflag:s21] =	ssyncset.done $0x0  }
0x111: {  	[sflag:s21] =	ssyncadd.s32 $0xFFFF8000  }
0x112: {  	v3 =	vld [tilespmem:$0xA0];
	_ =	sdelay $0x4  }
0x113: {  	v62 =	vshll.u32 v3, $0x3  }
0x114: {  	v3 =	vand.u32 $0x7, v3;
	v4 =	vand.u32 $0xFFFFFFC0, v62  }
0x115: {  	v3 =	vor.u32 v3, v4  }
0x116: {  	v4 =	vperm.xlane v3, v0;
	_ =	sdelay $0x1  }
0x117: {  	v4 =	vadd.s32 v1, v4;
	_ =	sdelay $0x4  }
0x118: {  	[tilespmem:s0], [sflag:$0x2] =	stream.indirect_vreg.gather [hbm4b:s2+s3], $0x80, v4, vm0, $0xb8;
	[tilespmem:$0x10100] =	vst v63  }
0x119: {  	s22 =	simm.s32 $0x8900;
	v3 =	vperm.xlane v3, v2  }
0x11a: {  	[tilespmem:s22], [sflag:$0x2] =	stream.indirect_vreg.gather [hbm4b:s5+s3], $0x80, v4, vm0, $0xb8;
	[tilespmem:$0x10100] =	vst v63  }
0x11b: {  	v3 =	vadd.s32 v1, v3  }
0x11c: {  	[tilespmem:s17], [sflag:$0x2] =	stream.indirect_vreg.gather [hbm4b:s6+s3], $0x80, v4, vm0, $0xb8;
	[tilespmem:$0x10100] =	vst v63  }
0x11d: {  	_ = 	snop  }
0x11e: {  	[tilespmem:s18], [sflag:$0x2] =	stream.indirect_vreg.gather [hbm4b:s7+s3], $0x80, v4, vm0, $0xb8;
	[tilespmem:$0x10100] =	vst v63  }
0x11f: {  	s22 =	simm.s32 $0xA100  }
0x120: {  	[tilespmem:s22], [sflag:$0x2] =	stream.indirect_vreg.gather [hbm4b:s2+s3], $0x80, v3, vm0, $0xb8;
	[tilespmem:$0x10100] =	vst v63  }
0x121: {  	s22 =	simm.s32 $0xA900  }
0x122: {  	[tilespmem:s22], [sflag:$0x2] =	stream.indirect_vreg.gather [hbm4b:s5+s3], $0x80, v3, vm0, $0xb8;
	[tilespmem:$0x10100] =	vst v63  }
0x123: {  	s22 =	simm.s32 $0xB100  }
0x124: {  	[tilespmem:s22], [sflag:$0x2] =	stream.indirect_vreg.gather [hbm4b:s6+s3], $0x80, v3, vm0, $0xb8;
	[tilespmem:$0x10100] =	vst v63  }
0x125: {  	s22 =	simm.s32 $0xB900  }
0x126: {  	[tilespmem:s22], [sflag:$0x2] =	stream.indirect_vreg.gather [hbm4b:s7+s3], $0x80, v3, vm0, $0xb8;
	[tilespmem:$0x10100] =	vst v63  }
0x127: {  	v3 =	vld [tilespmem:$0xB0];
	_ =	sdelay $0x4  }
0x128: {  	v63 =	vshll.u32 v3, $0x3  }
0x129: {  	v3 =	vand.u32 $0x7, v3;
	v4 =	vand.u32 $0xFFFFFFC0, v63  }
0x12a: {  	v3 =	vor.u32 v3, v4  }
0x12b: {  	v4 =	vperm.xlane v3, v0;
	_ =	sdelay $0x1  }
0x12c: {  	v4 =	vadd.s32 v1, v4;
	_ =	sdelay $0x3  }
0x12d: {  	s22 =	simm.s32 $0xC100  }
0x12e: {  	[tilespmem:s22], [sflag:$0x2] =	stream.indirect_vreg.gather [hbm4b:s2+s3], $0x80, v4, vm0, $0xb8;
	[tilespmem:$0x10100] =	vst v63  }
0x12f: {  	v3 =	vperm.xlane v3, v2;
	s22 =	simm.s32 $0xC900  }
0x130: {  	[tilespmem:s22], [sflag:$0x2] =	stream.indirect_vreg.gather [hbm4b:s5+s3], $0x80, v4, vm0, $0xb8;
	[tilespmem:$0x10100] =	vst v63  }
0x131: {  	v3 =	vadd.s32 v1, v3;
	s22 =	simm.s32 $0xD100  }
0x132: {  	[tilespmem:s22], [sflag:$0x2] =	stream.indirect_vreg.gather [hbm4b:s6+s3], $0x80, v4, vm0, $0xb8;
	[tilespmem:$0x10100] =	vst v63  }
0x133: {  	s22 =	simm.s32 $0xD900  }
0x134: {  	[tilespmem:s22], [sflag:$0x2] =	stream.indirect_vreg.gather [hbm4b:s7+s3], $0x80, v4, vm0, $0xb8;
	[tilespmem:$0x10100] =	vst v63  }
0x135: {  	s22 =	simm.s32 $0xE100  }
0x136: {  	[tilespmem:s22], [sflag:$0x2] =	stream.indirect_vreg.gather [hbm4b:s2+s3], $0x80, v3, vm0, $0xb8;
	[tilespmem:$0x10100] =	vst v63  }
0x137: {  	s22 =	simm.s32 $0xE900  }
0x138: {  	[tilespmem:s22], [sflag:$0x2] =	stream.indirect_vreg.gather [hbm4b:s5+s3], $0x80, v3, vm0, $0xb8;
	[tilespmem:$0x10100] =	vst v63  }
0x139: {  	s22 =	simm.s32 $0xF100  }
0x13a: {  	[tilespmem:s22], [sflag:$0x2] =	stream.indirect_vreg.gather [hbm4b:s6+s3], $0x80, v3, vm0, $0xb8;
	[tilespmem:$0x10100] =	vst v63  }
0x13b: {  	s16 =	simm.s32 $0xF900  }
0x13c: {  	[tilespmem:s16], [sflag:$0x2] =	stream.indirect_vreg.gather [hbm4b:s7+s3], $0x80, v3, vm0, $0xb8;
	[tilespmem:$0x10100] =	vst v63  }
0x13d: {  	s1 =	rddreg [dreg:$0x7]  }
0x13e: {  	[hbm4b:s1+s3] =	stream.linear.scatter [tilespmem:s28], [sflag:$0x3], $0x8000, $0x38;
	[tilespmem:$0x10100] =	vst v63  }
0x13f: {  	_ =	swait.ge [sflag:s19], $0x8000  }
0x140: {  	[sflag:s19] =	ssyncset.done $0x0  }
0x141: {  	s16 =	rddreg [dreg:$0x8];
	[sflag:s19] =	ssyncadd.s32 $0xFFFF8000  }
0x142: {  	[hbm4b:s16+s3] =	stream.linear.scatter [tilespmem:s0], [sflag:$0x4], $0x8000, $0x38;
	[tilespmem:$0x10100] =	vst v63  }
0x143: {  	p0 =	sne.s32 s8, $0x1;
	_ =	swait.ge [sflag:s20], $0x8000  }
.Ltmp0:
0x144: {  	[sflag:s20] =	ssyncset.done $0x0;
	(pc) =	sbr.rel @p0 .LBB2_1-.Ltmp0, $4  }
0x145: {  	[sflag:s20] =	ssyncadd.s32 $0xFFFF8000  }
0x146: {  	_ =	swait.ge [sflag:s21], $0x8000  }
0x147: {  	[sflag:s21] =	ssyncset.done $0x0  }
0x148: {  	s8 =	sadd.s32 $0xFFFFFFFF, s8;
	[sflag:s21] =	ssyncadd.s32 $0xFFFF8000  }
0x149: {  	_ =	sfence.sel $0x180000  }
0x14a: {  	[bflag:$0x0] =	sbarrier.arrive $0xFFFF  }
0x14b: {  	_ =	strace $0x9000004A  }
0x14c: {  	s0 =	stileid.u32;
	[bflag:$0x2] =	sbarrier.arrive $0xFFFF  }
0x14d: {  	p0 =	sne.s32 s0, $0x0;
	s0 =	rddreg [dreg:$0x2]  }
0x14e: {  	s0 =	sadd.s32 @!p0 $0x100000, s0  }
0x14f: {  	[sflag:s0] =	ssyncadd.tile.s32 @!p0 $0x1;
	_ =	shalt  }
.Lfunc_end2:
_tile_overlayer_lowered:
.L_overlay_start_2:
0x150: {  	(tag) =	ssettag $0x2  }
0x151: {  	s0 =	rddreg [dreg:$0x0];
	s2 =	stileid.u32  }
0x152: {  	s1 =	rddreg [dreg:$0x1];
	p0 =	sne.s32 s2, $0x0  }
0x153: {  	s3 =	rddreg [dreg:$0x2];
	[bflag:$0x3] =	sbarrier.arrive $0xFFFF;
	s2 =	simm.s32 @!p0 $0x1C05  }
0x154: {  	[timem:s3], [sflag:s2] =	dma.local @!p0 [hbm:s0], s1  }
0x155: {  	s0 =	simm.s32 @!p0 $0x5  }
0x156: {  	_ =	swait.ge @!p0 [sflag:s0], s1  }
0x157: {  	s1 =	ssub.s32 @!p0 $0x0, s1;
	[sflag:s0] =	ssyncset.done @!p0 $0x0  }
0x158: {  	[sflag:s0] =	ssyncadd.s32 @!p0 s1  }
0x159: {  	[bflag:$0x3] =	sbarrier.arrive $0xFFFF  }
0x15a: {  	_ =	shalt  }

// kernel: kernel.16.cloned.1.call-start
scs
__scs_entry_jumppad:
0x0: {  	(pc) =	sbr.rel $0x88, $3  }
0x1: {  	(tag) =	ssettag $0x0;
	lr =	simm.s32 $0x1  }
0x2: {  	[smem:$0x3F9F] =	sst lr;
	_ =	strace $0xD0000000  }
0x3: {  	_ = 	snop  }
0x4: {  	_ = 	snop  }
0x5: {  	_ = 	snop  }
0x6: {  	_ = 	snop  }
0x7: {  	_ = 	snop  }
__scs_overlays_trampoline_lowered:
0x8: {  	[smem:$0x3FAE] =	sst s0  }
0x9: {  	[smem:$0x3FAF] =	sst s1  }
0xa: {  	[smem:$0x3FB0] =	sst s2  }
0xb: {  	[smem:$0x3FB1] =	sst s3  }
0xc: {  	[smem:$0x3FB2] =	sst s4  }
0xd: {  	[smem:$0x3FB3] =	sst s5  }
0xe: {  	[smem:$0x3FB4] =	sst s6  }
0xf: {  	[smem:$0x3FB5] =	sst s7  }
0x10: {  	[smem:$0x3FB6] =	sst s8  }
0x11: {  	[smem:$0x3FB7] =	sst s9;
	s0 =	simm.s32 @!p0 $0x0  }
0x12: {  	s1 =	sld [smem:$0x3F9D];
	s0 =	simm.s32 @p0 $0x1  }
0x13: {  	[smem:$0x3FB8] =	sst s0;
	s0 =	simm.s32 @!p1 $0x0  }
0x14: {  	s2 =	sld [smem:$0x3F9C];
	s0 =	simm.s32 @p1 $0x1  }
0x15: {  	[smem:$0x3FB9] =	sst s0;
	s0 =	simm.s32 @!p2 $0x0  }
0x16: {  	s3 =	sld [smem:$0x3FDB];
	s0 =	simm.s32 @p2 $0x1  }
0x17: {  	s4 =	simm.s32 $0x1BF5;
	[smem:$0x3FBB] =	sst s0  }
0x18: {  	s0 =	sld [smem:$0x3F9E];
	_ =	swait.ge [sflag:s4], $0x0  }
0x19: {  	s7 =	sld [smem:$0x3F9F]  }
0x1a: {  	s8 =	sadd.s32 $0xFFFFE003, lr  }
0x1b: {  	s9 =	sadd.s32 $0xFFFFFEF7, lr;
	s5 =	simm.s32 $0xFFFFFFFF;
	p2 =	slt.u32 s8, $0xFFFFF086  }
0x1c: {  	p1 =	slt.u32 s9, $0xF7A;
	s5 =	simm.s32 @!p2 $0x0  }
0x1d: {  	s5 =	simm.s32 @p1 $0x1;
	p0 =	seq.s32 s7, s2  }
0x1e: {  	s7 =	smul.u32 @!p0 $0xF7A, s2;
	p2 =	seq.s32 @!p0 s5, $0x0  }
0x1f: {  	s9 =	smul.u32 $0xF7A, s1;
	s8 =	simm.s32 @!p0 $0x1BF5;
	p2 =	por !p2, p0  }
0x20: {  	[sflag:s8] =	ssyncset.s32 @!p0 $0xFFFFF086;
	s6 =	sadd.s32 @!p0 s3, s7;
	s7 =	simm.s32 @!p0 $0x108  }
0x21: {  	s3 =	sadd.s32 s3, s9;
	s6 =	sadd.s32 @!p0 $0x88, s6;
	s7 =	simm.s32 @p2 $0x1082  }
0x22: {  	[simem:s7], [sflag:s8] =	dma.local @!p0 [hbm:s6], $0xF7A  }
0x23: {  	s9 =	sor.u32 $0xD0000000, s2;
	s6 =	simm.s32 $0x108;
	_ =	swait.ge @!p0 [sflag:s8], $0x0  }
0x24: {  	s3 =	sadd.s32 $0x88, s3;
	s6 =	simm.s32 @!p1 $0x1082;
	[sflag:s4] =	ssyncset.s32 $0xFFFFF086  }
0x25: {  	[simem:s6], [sflag:s4] =	dma.local [hbm:s3], $0xF7A  }
0x26: {  	[smem:$0x3F9F] =	sst s1;
	(tag) =	ssettag s2;
	_ =	strace s9  }
0x27: {  	s1 =	sld [smem:$0x3FAF]  }
0x28: {  	s2 =	sld [smem:$0x3FB0]  }
0x29: {  	s4 =	sld [smem:$0x3FB2]  }
0x2a: {  	p0 =	seq.s32 s5, $0x0;
	s5 =	sld [smem:$0x3FB3]  }
0x2b: {  	s6 =	sld [smem:$0x3FB4]  }
0x2c: {  	s7 =	sld [smem:$0x3FB5]  }
0x2d: {  	s3 =	simm.s32 $0x108;
	s8 =	sld [smem:$0x3FB6]  }
0x2e: {  	s3 =	simm.s32 @!p0 $0x1082;
	s9 =	sld [smem:$0x3FB7]  }
0x2f: {  	lr =	sadd.s32 s0, s3;
	s0 =	sld [smem:$0x3FAE]  }
0x30: {  	s3 =	sld [smem:$0x3FB1]  }
0x31: {  	[smem:$0x3FBA] =	sst s10  }
0x32: {  	s10 =	sld [smem:$0x3FB8];
	_ =	sdelay $0x3  }
0x33: {  	p0 =	seq.s32 s10, $0x1;
	s10 =	sld [smem:$0x3FBA];
	_ =	sdelay $0x3  }
0x34: {  	[smem:$0x3FBA] =	sst s10  }
0x35: {  	s10 =	sld [smem:$0x3FB9];
	_ =	sdelay $0x3  }
0x36: {  	p1 =	seq.s32 s10, $0x1;
	s10 =	sld [smem:$0x3FBA];
	_ =	sdelay $0x3  }
0x37: {  	[smem:$0x3FBA] =	sst s10  }
0x38: {  	s10 =	sld [smem:$0x3FBB]  }
0x39: {  	_ = 	snop;
	(pc) =	sbr.ind lr, $3  }
0x3a: {  	_ = 	snop  }
0x3b: {  	_ = 	snop  }
0x3c: {  	p2 =	seq.s32 s10, $0x1;
	s10 =	sld [smem:$0x3FBA]  }
0x3d: {  	_ =	shalt  }
0x3e: {  	_ =	shalt  }
0x3f: {  	_ =	shalt  }
0x40: {  	_ =	shalt  }
0x41: {  	_ =	shalt  }
0x42: {  	_ =	shalt  }
0x43: {  	_ =	shalt  }
0x44: {  	_ =	shalt  }
0x45: {  	_ =	shalt  }
0x46: {  	_ =	shalt  }
0x47: {  	_ =	shalt  }
0x48: {  	_ =	shalt  }
0x49: {  	_ =	shalt  }
0x4a: {  	_ =	shalt  }
0x4b: {  	_ =	shalt  }
0x4c: {  	_ =	shalt  }
0x4d: {  	_ =	shalt  }
0x4e: {  	_ =	shalt  }
0x4f: {  	_ =	shalt  }
0x50: {  	_ =	shalt  }
0x51: {  	_ =	shalt  }
0x52: {  	_ =	shalt  }
0x53: {  	_ =	shalt  }
0x54: {  	_ =	shalt  }
0x55: {  	_ =	shalt  }
0x56: {  	_ =	shalt  }
0x57: {  	_ =	shalt  }
0x58: {  	_ =	shalt  }
0x59: {  	_ =	shalt  }
0x5a: {  	_ =	shalt  }
0x5b: {  	_ =	shalt  }
0x5c: {  	_ =	shalt  }
0x5d: {  	_ =	shalt  }
0x5e: {  	_ =	shalt  }
0x5f: {  	_ =	shalt  }
0x60: {  	_ =	shalt  }
0x61: {  	_ =	shalt  }
0x62: {  	_ =	shalt  }
0x63: {  	_ =	shalt  }
0x64: {  	_ =	shalt  }
0x65: {  	_ =	shalt  }
0x66: {  	_ =	shalt  }
0x67: {  	_ =	shalt  }
0x68: {  	_ =	shalt  }
0x69: {  	_ =	shalt  }
0x6a: {  	_ =	shalt  }
0x6b: {  	_ =	shalt  }
0x6c: {  	_ =	shalt  }
0x6d: {  	_ =	shalt  }
0x6e: {  	_ =	shalt  }
0x6f: {  	_ =	shalt  }
0x70: {  	_ =	shalt  }
0x71: {  	_ =	shalt  }
0x72: {  	_ =	shalt  }
0x73: {  	_ =	shalt  }
0x74: {  	_ =	shalt  }
0x75: {  	_ =	shalt  }
0x76: {  	_ =	shalt  }
0x77: {  	_ =	shalt  }
0x78: {  	_ =	shalt  }
0x79: {  	_ =	shalt  }
0x7a: {  	_ =	shalt  }
0x7b: {  	_ =	shalt  }
0x7c: {  	_ =	shalt  }
0x7d: {  	_ =	shalt  }
0x7e: {  	_ =	shalt  }
0x7f: {  	_ =	shalt  }
0x80: {  	_ =	shalt  }
0x81: {  	_ =	shalt  }
0x82: {  	_ =	shalt  }
0x83: {  	_ =	shalt  }
0x84: {  	_ =	shalt  }
0x85: {  	_ =	shalt  }
0x86: {  	_ =	shalt  }
0x87: {  	_ =	shalt  }
.Lfunc_end0:
.L_simem_size_0:
called_computation.2_lowered:
.L_overlay_start_0:
0x88: {  	s2 =	sld [smem:$0x3FD9]  }
0x89: {  	s3 =	sld [smem:$0x3FFE];
	_ =	sdelay $0x1  }
0x8a: {  	s1 =	srdreg.scid  }
0x8b: {  	s0 =	sand.u32 $0x1, s1  }
0x8c: {  	s17 =	sshll.u32 s0, $0xA;
	s2 =	sadd.s32 s3, s2  }
0x8d: {  	s2 =	sadd.s32 s2, s17  }
0x8e: {  	[smem:$0x3FC6] =	sst s2  }
0x8f: {  	_ = 	snop  }
0x90: {  	s18 =	sld [smem:$0x3FC9];
	(tm) =	ssettm $0x1  }
0x91: {  	s19 =	sld [smem:$0x3FFB];
	_ =	sdelay $0x3  }
0x92: {  	_ =	strace s19  }
0x93: {  	s2 =	sld [smem:$0x3FFC];
	_ =	sdelay $0x3  }
0x94: {  	_ =	strace s2  }
0x95: {  	s2 =	sld [smem:$0x3FFD];
	_ =	sdelay $0x3  }
0x96: {  	_ =	strace s2  }
0x97: {  	_ =	strace $0x8FFFFFFF  }
0x98: {  	s20 =	sld [smem:$0x3FDB];
	_ =	sdelay $0x1  }
0x99: {  	s4 =	simm.s32 $_scs_section_size  }
0x9a: {  	s5 =	simm.s32 $_size__tile_overlayer_lowered;
	s6 =	simm.s32 $_tile_overlayer_lowered  }
0x9b: {  	s7 =	simm.s32 $0x1BFF;
	s21 =	sshll.u32 s6, $0x1;
	s4 =	sadd.s32 s4, s20  }
0x9c: {  	s22 =	simm.s32 $0x0;
	s5 =	sshll.u32 s5, $0x1;
	s6 =	sadd.s32 s21, s4  }
0x9d: {  	[timem:s22], [sflag:s7] =	dma.local [hbm:s6], s5  }
0x9e: {  	_ =	swait.ge [sflag:s7], s5  }
0x9f: {  	s5 =	ssub.s32 $0x0, s5;
	[sflag:s7] =	ssyncset.done $0x0  }
0xa0: {  	[sflag:s7] =	ssyncadd.s32 s5;
	_ =	sdelay $0x1  }
0xa1: {  	s23 =	simm.s32 $0x1B8B  }
0xa2: {  	_ =	swait.ge [sflag:s23], $0x1  }
0xa3: {  	[sflag:s23] =	ssyncset.done $0x0  }
0xa4: {  	[sflag:s23] =	ssyncadd.s32 $0xFFFFFFFF  }
0xa5: {  	s5 =	sld [smem:$0x0]  }
0xa6: {  	s6 =	sand.u32 $0xFFFFFFFE, s1  }
0xa7: {  	p0 =	sne.s32 s1, s6  }
0xa8: {  	s6 =	sshll.u32 @p0 s6, $0xE  }
0xa9: {  	s6 =	sadd.s32 @p0 $0x11B8D, s6;
	s7 =	sshll.u32 @p0 s5, $0x11  }
0xaa: {  	s6 =	sor.u32 @p0 s7, s6  }
0xab: {  	[sflag:s6] =	ssyncadd.remote.s32 @p0 $0x1;
	_ =	sdelay $0x1  }
0xac: {  	s6 =	simm.s32 @p0 $0x1B8D  }
0xad: {  	_ =	swait.eq @p0 [sflag:s6], $0x1  }
0xae: {  	[sflag:s6] =	ssyncadd.s32 @p0 $0xFFFFFFFF  }
0xaf: {  	s7 =	sshll.u32 @!p0 s1, $0xE  }
0xb0: {  	s7 =	sor.u32 @!p0 $0x4000, s7;
	s6 =	simm.s32 @!p0 $0x1B8D  }
0xb1: {  	s5 =	sshll.u32 @!p0 s5, $0x11;
	s7 =	sadd.s32 @!p0 $0x11B8D, s7;
	_ =	swait.eq @!p0 [sflag:s6], $0x1  }
0xb2: {  	s5 =	sor.u32 @!p0 s5, s7;
	[sflag:s6] =	ssyncadd.s32 @!p0 $0xFFFFFFFF  }
0xb3: {  	s25 =	simm.s32 $0x1B8E;
	s24 =	sld [smem:$0x3FFE];
	[sflag:s5] =	ssyncadd.remote.s32 @!p0 $0x1  }
0xb4: {  	s26 =	simm.s32 $execute0_lowered;
	[smem:$0x3FD2] =	sst s25  }
0xb5: {  	s6 =	sshll.u32 s26, $0x1;
	_ =	strace $0x8000004C;
	[dreg:$0x1] =	wrdreg $0xFFFFFFFF  }
0xb6: {  	s28 =	simm.s32 $_size_execute0_lowered;
	s4 =	sadd.s32 s4, s6;
	[dreg:$0x0] =	wrdreg $0x0  }
0xb7: {  	s6 =	sshll.u32 s28, $0x1;
	[dreg:$0x2] =	wrdreg s4  }
0xb8: {  	[dreg:$0x3] =	wrdreg s6  }
0xb9: {  	[dreg:$0x4] =	wrdreg $0xC0  }
0xba: {  	_ =	task [dreg:s22], $0x5FFFF  }
0xbb: {  	[dreg:$0x1] =	wrdreg $0xFFFFFFFF  }
0xbc: {  	[dreg:$0x0] =	wrdreg $0x60  }
0xbd: {  	[dreg:$0x2] =	wrdreg s18  }
0xbe: {  	[dreg:$0x3] =	wrdreg s24  }
0xbf: {  	[dreg:$0x4] =	wrdreg $0xB  }
0xc0: {  	_ =	task.clear_ibuf [dreg:s22], $0x5FFFF;
	_ =	strace $0x9000004C  }
0xc1: {  	s29 =	simm.s32 $0xB;
	_ =	strace $0x8000004E  }
0xc2: {  	_ =	swait.ge [sflag:s29], $0x1  }
0xc3: {  	[sflag:s29] =	ssyncadd.s32 $0xFFFFFFFF  }
0xc4: {  	_ =	strace $0x9000004E  }
0xc5: {  	_ =	sfence  }
0xc6: {  	s30 =	sld [smem:$0x0];
	_ =	sdelay $0x2  }
0xc7: {  	s31 =	sshll.u32 s1, $0xD;
	s1 =	sshrl.u32 s1, $0x2  }
0xc8: {  	s4 =	sand.u32 $0x4000, s31;
	s1 =	sadd.s32 s1, s30  }
0xc9: {  	s0 =	sor.u32 s4, s0;
	s1 =	sshll.u32 s1, $0x11  }
0xca: {  	s0 =	sor.u32 s1, s0  }
0xcb: {  	s0 =	sadd.s32 $0x8F2B, s0  }
0xcc: {  	[sflag:s0] =	ssyncadd.remote.s32 $0x1  }
0xcd: {  	_ =	sfence.sel $0xFFFF  }
0xce: {  	[dreg:$0x0] =	wrdreg $0xFFFFFFFF;
	(pc) =	sbr.abs _section_cstart, $3  }
0xcf: {  	[dreg:$0x1] =	wrdreg $0xFFFFFFFF  }
0xd0: {  	_ =	task.clear_ibuf [dreg:s22], $0x2FFFF;
	_ =	strace $0x9FFFFFFF  }
0xd1: {  	(tm) =	ssettm $0x7FFFFFFF  }
tec
execute0_lowered:
.L_overlay_start_1:
0x0: {  	(tag) =	ssettag $0x1  }
0x1: {  	s0 =	srdreg.scid  }
0x2: {  	s1 =	stileid.u32;
	s2 =	rddreg [dreg:$0x0]  }
0x3: {  	s4 =	rddreg [dreg:$0x1];
	s3 =	simm.s32 $0x0;
	s19 =	simm.s32 $0x2  }
0x4: {  	s20 =	simm.s32 $0x3;
	s21 =	simm.s32 $0x4;
	s28 =	simm.s32 $0x100  }
0x5: {  	s23 =	simm.s32 $0x900;
	s29 =	simm.s32 $0x2100;
	s30 =	simm.s32 $0x2900  }
0x6: {  	s31 =	simm.s32 $0x3100;
	s10 =	simm.s32 $0x4100;
	s9 =	simm.s32 $0x5100  }
0x7: {  	s11 =	simm.s32 $0x5900;
	s12 =	simm.s32 $0x6100;
	s13 =	simm.s32 $0x6900  }
0x8: {  	s14 =	simm.s32 $0x7100;
	s0 =	sand.u32 $0x1, s0;
	s1 =	sshll.u32 s1, $0x1  }
0x9: {  	s15 =	simm.s32 $0x7900;
	s17 =	simm.s32 $0x9100;
	s1 =	sor.u32 s0, s1  }
0xa: {  	s18 =	simm.s32 $0x9900;
	[smem:$0x7FF] =	sst s3;
	s5 =	smul.u32 $0x18, s1  }
0xb: {  	_ =	strace $0x8000004D;
	s0 =	ssub.s32 $0x2, s0;
	s6 =	smul.u32 $0x6000, s1  }
0xc: {  	s1 =	smul.u32 $0x30000, s1;
	s7 =	sshrl.u32 s0, $0x1;
	s5 =	sadd.s32 s5, s4  }
0xd: {  	s0 =	ssub.s32 s0, s7;
	s4 =	sadd.s32 $0xC2600, s4;
	s5 =	sadd.s32 $0x2200, s5  }
0xe: {  	s1 =	sshrl.u32 s1, $0x3;
	s6 =	sadd.s32 s4, s6;
	[dreg:$0x3] =	wrdreg s5  }
0xf: {  	s1 =	sadd.s32 s4, s1;
	[dreg:$0x9] =	wrdreg s6;
	s24 =	sadd.s32 $0x1000, s6  }
0x10: {  	s7 =	sadd.s32 $0x300, s2;
	s4 =	sadd.s32 $0x2000, s1;
	[dreg:$0x4] =	wrdreg s24  }
0x11: {  	s8 =	smax.u32 s0, $0x1;
	s25 =	sadd.s32 $0x3000, s1;
	[dreg:$0x5] =	wrdreg s4  }
0x12: {  	s0 =	simm.s32 $0x8100;
	s26 =	sadd.s32 $0x4000, s1;
	[dreg:$0x6] =	wrdreg s25  }
0x13: {  	v2 =	vlaneseq.u32;
	s5 =	sadd.s32 $0x100, s2;
	s1 =	sadd.s32 $0x5000, s1;
	[dreg:$0x7] =	wrdreg s26  }
0x14: {  	vm0 =	vmmov $0xffff;
	v1 =	vshrl.u32 v2, $0x3;
	s6 =	sadd.s32 $0x200, s2;
	[dreg:$0x8] =	wrdreg s1;
	s26 =	simm.s32 $0x1  }
0x15: {  	v0 =	vand.u32 $0x7, v2;
	v2 =	vor.u32 $0x8, v2;
	v1 =	vmul.u32 $0x8, v1;
	s24 =	simm.s32 $0x1100;
	s25 =	simm.s32 $0x1900;
	s4 =	simm.s32 $0x4900  }
.LBB2_1:
0x16: {  	s22 =	rddreg [dreg:$0x3];
	s16 =	simm.s32 $0x5  }
0x17: {  	[tilespmem:s3], [sflag:$0x5] =	stream.linear.gather [hbm4b:s22+s3], $0xC0, $0x38;
	[tilespmem:$0x10100] =	vst v63  }
0x18: {  	_ =	swait.ge [sflag:s16], $0xC0  }
0x19: {  	[sflag:s16] =	ssyncset.done $0x0  }
0x1a: {  	[sflag:s16] =	ssyncadd.s32 $0xFFFFFF40  }
0x1b: {  	v3 =	vld [tilespmem:$0x0];
	_ =	sdelay $0x4  }
0x1c: {  	v4 =	vshll.u32 v3, $0x3  }
0x1d: {  	v3 =	vand.u32 $0x7, v3;
	v4 =	vand.u32 $0xFFFFFFC0, v4  }
0x1e: {  	v3 =	vor.u32 v3, v4  }
0x1f: {  	v4 =	vperm.xlane v3, v0;
	_ =	sdelay $0x1  }
0x20: {  	v4 =	vadd.s32 v1, v4;
	_ =	sdelay $0x4  }
0x21: {  	[tilespmem:s28], [sflag:$0x1] =	stream.indirect_vreg.gather [hbm4b:s2+s3], $0x80, v4, vm0, $0xb8;
	[tilespmem:$0x10100] =	vst v63  }
0x22: {  	v3 =	vperm.xlane v3, v2  }
0x23: {  	[tilespmem:s23], [sflag:$0x1] =	stream.indirect_vreg.gather [hbm4b:s5+s3], $0x80, v4, vm0, $0xb8;
	[tilespmem:$0x10100] =	vst v63  }
0x24: {  	v3 =	vadd.s32 v1, v3  }
0x25: {  	[tilespmem:s24], [sflag:$0x1] =	stream.indirect_vreg.gather [hbm4b:s6+s3], $0x80, v4, vm0, $0xb8;
	[tilespmem:$0x10100] =	vst v63  }
0x26: {  	_ = 	snop  }
0x27: {  	[tilespmem:s25], [sflag:$0x1] =	stream.indirect_vreg.gather [hbm4b:s7+s3], $0x80, v4, vm0, $0xb8;
	[tilespmem:$0x10100] =	vst v63  }
0x28: {  	_ = 	snop  }
0x29: {  	[tilespmem:s29], [sflag:$0x1] =	stream.indirect_vreg.gather [hbm4b:s2+s3], $0x80, v3, vm0, $0xb8;
	[tilespmem:$0x10100] =	vst v63  }
0x2a: {  	_ = 	snop  }
0x2b: {  	[tilespmem:s30], [sflag:$0x1] =	stream.indirect_vreg.gather [hbm4b:s5+s3], $0x80, v3, vm0, $0xb8;
	[tilespmem:$0x10100] =	vst v63  }
0x2c: {  	_ = 	snop  }
0x2d: {  	[tilespmem:s31], [sflag:$0x1] =	stream.indirect_vreg.gather [hbm4b:s6+s3], $0x80, v3, vm0, $0xb8;
	[tilespmem:$0x10100] =	vst v63  }
0x2e: {  	s1 =	simm.s32 $0x3900  }
0x2f: {  	[tilespmem:s1], [sflag:$0x1] =	stream.indirect_vreg.gather [hbm4b:s7+s3], $0x80, v3, vm0, $0xb8;
	[tilespmem:$0x10100] =	vst v63  }
0x30: {  	v3 =	vld [tilespmem:$0x10];
	_ =	sdelay $0x4  }
0x31: {  	v53 =	vshll.u32 v3, $0x3  }
0x32: {  	v3 =	vand.u32 $0x7, v3;
	v4 =	vand.u32 $0xFFFFFFC0, v53  }
0x33: {  	v3 =	vor.u32 v3, v4  }
0x34: {  	v4 =	vperm.xlane v3, v0;
	_ =	sdelay $0x1  }
0x35: {  	v4 =	vadd.s32 v1, v4;
	_ =	sdelay $0x4  }
0x36: {  	[tilespmem:s10], [sflag:$0x1] =	stream.indirect_vreg.gather [hbm4b:s2+s3], $0x80, v4, vm0, $0xb8;
	[tilespmem:$0x10100] =	vst v63  }
0x37: {  	v3 =	vperm.xlane v3, v2  }
0x38: {  	[tilespmem:s4], [sflag:$0x1] =	stream.indirect_vreg.gather [hbm4b:s5+s3], $0x80, v4, vm0, $0xb8;
	[tilespmem:$0x10100] =	vst v63  }
0x39: {  	v3 =	vadd.s32 v1, v3  }
0x3a: {  	[tilespmem:s9], [sflag:$0x1] =	stream.indirect_vreg.gather [hbm4b:s6+s3], $0x80, v4, vm0, $0xb8;
	[tilespmem:$0x10100] =	vst v63  }
0x3b: {  	_ = 	snop  }
0x3c: {  	[tilespmem:s11], [sflag:$0x1] =	stream.indirect_vreg.gather [hbm4b:s7+s3], $0x80, v4, vm0, $0xb8;
	[tilespmem:$0x10100] =	vst v63  }
0x3d: {  	_ = 	snop  }
0x3e: {  	[tilespmem:s12], [sflag:$0x1] =	stream.indirect_vreg.gather [hbm4b:s2+s3], $0x80, v3, vm0, $0xb8;
	[tilespmem:$0x10100] =	vst v63  }
0x3f: {  	_ = 	snop  }
0x40: {  	[tilespmem:s13], [sflag:$0x1] =	stream.indirect_vreg.gather [hbm4b:s5+s3], $0x80, v3, vm0, $0xb8;
	[tilespmem:$0x10100] =	vst v63  }
0x41: {  	_ = 	snop  }
0x42: {  	[tilespmem:s14], [sflag:$0x1] =	stream.indirect_vreg.gather [hbm4b:s6+s3], $0x80, v3, vm0, $0xb8;
	[tilespmem:$0x10100] =	vst v63  }
0x43: {  	_ = 	snop  }
0x44: {  	[tilespmem:s15], [sflag:$0x1] =	stream.indirect_vreg.gather [hbm4b:s7+s3], $0x80, v3, vm0, $0xb8;
	[tilespmem:$0x10100] =	vst v63  }
0x45: {  	_ =	swait.ge [sflag:s26], $0x8000  }
0x46: {  	[sflag:s26] =	ssyncset.done $0x0  }
0x47: {  	[sflag:s26] =	ssyncadd.s32 $0xFFFF8000  }
0x48: {  	v3 =	vld [tilespmem:$0x20];
	_ =	sdelay $0x4  }
0x49: {  	v54 =	vshll.u32 v3, $0x3  }
0x4a: {  	v3 =	vand.u32 $0x7, v3;
	v4 =	vand.u32 $0xFFFFFFC0, v54  }
0x4b: {  	v3 =	vor.u32 v3, v4  }
0x4c: {  	v4 =	vperm.xlane v3, v0;
	_ =	sdelay $0x1  }
0x4d: {  	v4 =	vadd.s32 v1, v4;
	_ =	sdelay $0x4  }
0x4e: {  	[tilespmem:s0], [sflag:$0x2] =	stream.indirect_vreg.gather [hbm4b:s2+s3], $0x80, v4, vm0, $0xb8;
	[tilespmem:$0x10100] =	vst v63  }
0x4f: {  	s16 =	simm.s32 $0x8900;
	v3 =	vperm.xlane v3, v2  }
0x50: {  	[tilespmem:s16], [sflag:$0x2] =	stream.indirect_vreg.gather [hbm4b:s5+s3], $0x80, v4, vm0, $0xb8;
	[tilespmem:$0x10100] =	vst v63  }
0x51: {  	v3 =	vadd.s32 v1, v3  }
0x52: {  	[tilespmem:s17], [sflag:$0x2] =	stream.indirect_vreg.gather [hbm4b:s6+s3], $0x80, v4, vm0, $0xb8;
	[tilespmem:$0x10100] =	vst v63  }
0x53: {  	_ = 	snop  }
0x54: {  	[tilespmem:s18], [sflag:$0x2] =	stream.indirect_vreg.gather [hbm4b:s7+s3], $0x80, v4, vm0, $0xb8;
	[tilespmem:$0x10100] =	vst v63  }
0x55: {  	s22 =	simm.s32 $0xA100  }
0x56: {  	[tilespmem:s22], [sflag:$0x2] =	stream.indirect_vreg.gather [hbm4b:s2+s3], $0x80, v3, vm0, $0xb8;
	[tilespmem:$0x10100] =	vst v63  }
0x57: {  	s22 =	simm.s32 $0xA900  }
0x58: {  	[tilespmem:s22], [sflag:$0x2] =	stream.indirect_vreg.gather [hbm4b:s5+s3], $0x80, v3, vm0, $0xb8;
	[tilespmem:$0x10100] =	vst v63  }
0x59: {  	s22 =	simm.s32 $0xB100  }
0x5a: {  	[tilespmem:s22], [sflag:$0x2] =	stream.indirect_vreg.gather [hbm4b:s6+s3], $0x80, v3, vm0, $0xb8;
	[tilespmem:$0x10100] =	vst v63  }
0x5b: {  	s22 =	simm.s32 $0xB900  }
0x5c: {  	[tilespmem:s22], [sflag:$0x2] =	stream.indirect_vreg.gather [hbm4b:s7+s3], $0x80, v3, vm0, $0xb8;
	[tilespmem:$0x10100] =	vst v63  }
0x5d: {  	v3 =	vld [tilespmem:$0x30];
	_ =	sdelay $0x4  }
0x5e: {  	v55 =	vshll.u32 v3, $0x3  }
0x5f: {  	v3 =	vand.u32 $0x7, v3;
	v4 =	vand.u32 $0xFFFFFFC0, v55  }
0x60: {  	v3 =	vor.u32 v3, v4  }
0x61: {  	v4 =	vperm.xlane v3, v0;
	_ =	sdelay $0x1  }
0x62: {  	v4 =	vadd.s32 v1, v4;
	_ =	sdelay $0x3  }
0x63: {  	s22 =	simm.s32 $0xC100  }
0x64: {  	[tilespmem:s22], [sflag:$0x2] =	stream.indirect_vreg.gather [hbm4b:s2+s3], $0x80, v4, vm0, $0xb8;
	[tilespmem:$0x10100] =	vst v63  }
0x65: {  	v3 =	vperm.xlane v3, v2;
	s22 =	simm.s32 $0xC900  }
0x66: {  	[tilespmem:s22], [sflag:$0x2] =	stream.indirect_vreg.gather [hbm4b:s5+s3], $0x80, v4, vm0, $0xb8;
	[tilespmem:$0x10100] =	vst v63  }
0x67: {  	v3 =	vadd.s32 v1, v3;
	s22 =	simm.s32 $0xD100  }
0x68: {  	[tilespmem:s22], [sflag:$0x2] =	stream.indirect_vreg.gather [hbm4b:s6+s3], $0x80, v4, vm0, $0xb8;
	[tilespmem:$0x10100] =	vst v63  }
0x69: {  	s22 =	simm.s32 $0xD900  }
0x6a: {  	[tilespmem:s22], [sflag:$0x2] =	stream.indirect_vreg.gather [hbm4b:s7+s3], $0x80, v4, vm0, $0xb8;
	[tilespmem:$0x10100] =	vst v63  }
0x6b: {  	s22 =	simm.s32 $0xE100  }
0x6c: {  	[tilespmem:s22], [sflag:$0x2] =	stream.indirect_vreg.gather [hbm4b:s2+s3], $0x80, v3, vm0, $0xb8;
	[tilespmem:$0x10100] =	vst v63  }
0x6d: {  	s22 =	simm.s32 $0xE900  }
0x6e: {  	[tilespmem:s22], [sflag:$0x2] =	stream.indirect_vreg.gather [hbm4b:s5+s3], $0x80, v3, vm0, $0xb8;
	[tilespmem:$0x10100] =	vst v63  }
0x6f: {  	s22 =	simm.s32 $0xF100  }
0x70: {  	[tilespmem:s22], [sflag:$0x2] =	stream.indirect_vreg.gather [hbm4b:s6+s3], $0x80, v3, vm0, $0xb8;
	[tilespmem:$0x10100] =	vst v63  }
0x71: {  	s16 =	simm.s32 $0xF900  }
0x72: {  	[tilespmem:s16], [sflag:$0x2] =	stream.indirect_vreg.gather [hbm4b:s7+s3], $0x80, v3, vm0, $0xb8;
	[tilespmem:$0x10100] =	vst v63  }
0x73: {  	s16 =	rddreg [dreg:$0x9]  }
0x74: {  	[hbm4b:s16+s3] =	stream.linear.scatter [tilespmem:s28], [sflag:$0x3], $0x8000, $0x38;
	[tilespmem:$0x10100] =	vst v63  }
0x75: {  	_ =	swait.ge [sflag:s19], $0x8000  }
0x76: {  	[sflag:s19] =	ssyncset.done $0x0  }
0x77: {  	[sflag:s19] =	ssyncadd.s32 $0xFFFF8000  }
0x78: {  	_ =	swait.ge [sflag:s20], $0x8000  }
0x79: {  	[sflag:s20] =	ssyncset.done $0x0  }
0x7a: {  	[sflag:s20] =	ssyncadd.s32 $0xFFFF8000  }
0x7b: {  	v3 =	vld [tilespmem:$0x40];
	_ =	sdelay $0x4  }
0x7c: {  	v56 =	vshll.u32 v3, $0x3  }
0x7d: {  	v3 =	vand.u32 $0x7, v3;
	v4 =	vand.u32 $0xFFFFFFC0, v56  }
0x7e: {  	v3 =	vor.u32 v3, v4  }
0x7f: {  	v4 =	vperm.xlane v3, v0;
	_ =	sdelay $0x1  }
0x80: {  	v4 =	vadd.s32 v1, v4;
	_ =	sdelay $0x4  }
0x81: {  	[tilespmem:s28], [sflag:$0x1] =	stream.indirect_vreg.gather [hbm4b:s2+s3], $0x80, v4, vm0, $0xb8;
	[tilespmem:$0x10100] =	vst v63  }
0x82: {  	v3 =	vperm.xlane v3, v2  }
0x83: {  	[tilespmem:s23], [sflag:$0x1] =	stream.indirect_vreg.gather [hbm4b:s5+s3], $0x80, v4, vm0, $0xb8;
	[tilespmem:$0x10100] =	vst v63  }
0x84: {  	v3 =	vadd.s32 v1, v3  }
0x85: {  	[tilespmem:s24], [sflag:$0x1] =	stream.indirect_vreg.gather [hbm4b:s6+s3], $0x80, v4, vm0, $0xb8;
	[tilespmem:$0x10100] =	vst v63  }
0x86: {  	_ = 	snop  }
0x87: {  	[tilespmem:s25], [sflag:$0x1] =	stream.indirect_vreg.gather [hbm4b:s7+s3], $0x80, v4, vm0, $0xb8;
	[tilespmem:$0x10100] =	vst v63  }
0x88: {  	_ = 	snop  }
0x89: {  	[tilespmem:s29], [sflag:$0x1] =	stream.indirect_vreg.gather [hbm4b:s2+s3], $0x80, v3, vm0, $0xb8;
	[tilespmem:$0x10100] =	vst v63  }
0x8a: {  	_ = 	snop  }
0x8b: {  	[tilespmem:s30], [sflag:$0x1] =	stream.indirect_vreg.gather [hbm4b:s5+s3], $0x80, v3, vm0, $0xb8;
	[tilespmem:$0x10100] =	vst v63  }
0x8c: {  	_ = 	snop  }
0x8d: {  	[tilespmem:s31], [sflag:$0x1] =	stream.indirect_vreg.gather [hbm4b:s6+s3], $0x80, v3, vm0, $0xb8;
	[tilespmem:$0x10100] =	vst v63  }
0x8e: {  	_ = 	snop  }
0x8f: {  	[tilespmem:s1], [sflag:$0x1] =	stream.indirect_vreg.gather [hbm4b:s7+s3], $0x80, v3, vm0, $0xb8;
	[tilespmem:$0x10100] =	vst v63  }
0x90: {  	v3 =	vld [tilespmem:$0x50];
	_ =	sdelay $0x4  }
0x91: {  	v57 =	vshll.u32 v3, $0x3  }
0x92: {  	v3 =	vand.u32 $0x7, v3;
	v4 =	vand.u32 $0xFFFFFFC0, v57  }
0x93: {  	v3 =	vor.u32 v3, v4  }
0x94: {  	v4 =	vperm.xlane v3, v0;
	_ =	sdelay $0x1  }
0x95: {  	v4 =	vadd.s32 v1, v4;
	_ =	sdelay $0x4  }
0x96: {  	[tilespmem:s10], [sflag:$0x1] =	stream.indirect_vreg.gather [hbm4b:s2+s3], $0x80, v4, vm0, $0xb8;
	[tilespmem:$0x10100] =	vst v63  }
0x97: {  	v3 =	vperm.xlane v3, v2  }
0x98: {  	[tilespmem:s4], [sflag:$0x1] =	stream.indirect_vreg.gather [hbm4b:s5+s3], $0x80, v4, vm0, $0xb8;
	[tilespmem:$0x10100] =	vst v63  }
0x99: {  	v3 =	vadd.s32 v1, v3  }
0x9a: {  	[tilespmem:s9], [sflag:$0x1] =	stream.indirect_vreg.gather [hbm4b:s6+s3], $0x80, v4, vm0, $0xb8;
	[tilespmem:$0x10100] =	vst v63  }
0x9b: {  	_ = 	snop  }
0x9c: {  	[tilespmem:s11], [sflag:$0x1] =	stream.indirect_vreg.gather [hbm4b:s7+s3], $0x80, v4, vm0, $0xb8;
	[tilespmem:$0x10100] =	vst v63  }
0x9d: {  	_ = 	snop  }
0x9e: {  	[tilespmem:s12], [sflag:$0x1] =	stream.indirect_vreg.gather [hbm4b:s2+s3], $0x80, v3, vm0, $0xb8;
	[tilespmem:$0x10100] =	vst v63  }
0x9f: {  	_ = 	snop  }
0xa0: {  	[tilespmem:s13], [sflag:$0x1] =	stream.indirect_vreg.gather [hbm4b:s5+s3], $0x80, v3, vm0, $0xb8;
	[tilespmem:$0x10100] =	vst v63  }
0xa1: {  	_ = 	snop  }
0xa2: {  	[tilespmem:s14], [sflag:$0x1] =	stream.indirect_vreg.gather [hbm4b:s6+s3], $0x80, v3, vm0, $0xb8;
	[tilespmem:$0x10100] =	vst v63  }
0xa3: {  	_ = 	snop  }
0xa4: {  	[tilespmem:s15], [sflag:$0x1] =	stream.indirect_vreg.gather [hbm4b:s7+s3], $0x80, v3, vm0, $0xb8;
	[tilespmem:$0x10100] =	vst v63  }
0xa5: {  	s16 =	rddreg [dreg:$0x4]  }
0xa6: {  	[hbm4b:s16+s3] =	stream.linear.scatter [tilespmem:s0], [sflag:$0x4], $0x8000, $0x38;
	[tilespmem:$0x10100] =	vst v63  }
0xa7: {  	_ =	swait.ge [sflag:s26], $0x8000  }
0xa8: {  	[sflag:s26] =	ssyncset.done $0x0  }
0xa9: {  	[sflag:s26] =	ssyncadd.s32 $0xFFFF8000  }
0xaa: {  	_ =	swait.ge [sflag:s21], $0x8000  }
0xab: {  	[sflag:s21] =	ssyncset.done $0x0  }
0xac: {  	[sflag:s21] =	ssyncadd.s32 $0xFFFF8000  }
0xad: {  	v3 =	vld [tilespmem:$0x60];
	_ =	sdelay $0x4  }
0xae: {  	v58 =	vshll.u32 v3, $0x3  }
0xaf: {  	v3 =	vand.u32 $0x7, v3;
	v4 =	vand.u32 $0xFFFFFFC0, v58  }
0xb0: {  	v3 =	vor.u32 v3, v4  }
0xb1: {  	v4 =	vperm.xlane v3, v0;
	_ =	sdelay $0x1  }
0xb2: {  	v4 =	vadd.s32 v1, v4;
	_ =	sdelay $0x4  }
0xb3: {  	[tilespmem:s0], [sflag:$0x2] =	stream.indirect_vreg.gather [hbm4b:s2+s3], $0x80, v4, vm0, $0xb8;
	[tilespmem:$0x10100] =	vst v63  }
0xb4: {  	s22 =	simm.s32 $0x8900;
	v3 =	vperm.xlane v3, v2  }
0xb5: {  	[tilespmem:s22], [sflag:$0x2] =	stream.indirect_vreg.gather [hbm4b:s5+s3], $0x80, v4, vm0, $0xb8;
	[tilespmem:$0x10100] =	vst v63  }
0xb6: {  	v3 =	vadd.s32 v1, v3  }
0xb7: {  	[tilespmem:s17], [sflag:$0x2] =	stream.indirect_vreg.gather [hbm4b:s6+s3], $0x80, v4, vm0, $0xb8;
	[tilespmem:$0x10100] =	vst v63  }
0xb8: {  	_ = 	snop  }
0xb9: {  	[tilespmem:s18], [sflag:$0x2] =	stream.indirect_vreg.gather [hbm4b:s7+s3], $0x80, v4, vm0, $0xb8;
	[tilespmem:$0x10100] =	vst v63  }
0xba: {  	s22 =	simm.s32 $0xA100  }
0xbb: {  	[tilespmem:s22], [sflag:$0x2] =	stream.indirect_vreg.gather [hbm4b:s2+s3], $0x80, v3, vm0, $0xb8;
	[tilespmem:$0x10100] =	vst v63  }
0xbc: {  	s22 =	simm.s32 $0xA900  }
0xbd: {  	[tilespmem:s22], [sflag:$0x2] =	stream.indirect_vreg.gather [hbm4b:s5+s3], $0x80, v3, vm0, $0xb8;
	[tilespmem:$0x10100] =	vst v63  }
0xbe: {  	s22 =	simm.s32 $0xB100  }
0xbf: {  	[tilespmem:s22], [sflag:$0x2] =	stream.indirect_vreg.gather [hbm4b:s6+s3], $0x80, v3, vm0, $0xb8;
	[tilespmem:$0x10100] =	vst v63  }
0xc0: {  	s22 =	simm.s32 $0xB900  }
0xc1: {  	[tilespmem:s22], [sflag:$0x2] =	stream.indirect_vreg.gather [hbm4b:s7+s3], $0x80, v3, vm0, $0xb8;
	[tilespmem:$0x10100] =	vst v63  }
0xc2: {  	v3 =	vld [tilespmem:$0x70];
	_ =	sdelay $0x4  }
0xc3: {  	v59 =	vshll.u32 v3, $0x3  }
0xc4: {  	v3 =	vand.u32 $0x7, v3;
	v4 =	vand.u32 $0xFFFFFFC0, v59  }
0xc5: {  	v3 =	vor.u32 v3, v4  }
0xc6: {  	v4 =	vperm.xlane v3, v0;
	_ =	sdelay $0x1  }
0xc7: {  	v4 =	vadd.s32 v1, v4;
	_ =	sdelay $0x3  }
0xc8: {  	s22 =	simm.s32 $0xC100  }
0xc9: {  	[tilespmem:s22], [sflag:$0x2] =	stream.indirect_vreg.gather [hbm4b:s2+s3], $0x80, v4, vm0, $0xb8;
	[tilespmem:$0x10100] =	vst v63  }
0xca: {  	v3 =	vperm.xlane v3, v2;
	s22 =	simm.s32 $0xC900  }
0xcb: {  	[tilespmem:s22], [sflag:$0x2] =	stream.indirect_vreg.gather [hbm4b:s5+s3], $0x80, v4, vm0, $0xb8;
	[tilespmem:$0x10100] =	vst v63  }
0xcc: {  	v3 =	vadd.s32 v1, v3;
	s22 =	simm.s32 $0xD100  }
0xcd: {  	[tilespmem:s22], [sflag:$0x2] =	stream.indirect_vreg.gather [hbm4b:s6+s3], $0x80, v4, vm0, $0xb8;
	[tilespmem:$0x10100] =	vst v63  }
0xce: {  	s22 =	simm.s32 $0xD900  }
0xcf: {  	[tilespmem:s22], [sflag:$0x2] =	stream.indirect_vreg.gather [hbm4b:s7+s3], $0x80, v4, vm0, $0xb8;
	[tilespmem:$0x10100] =	vst v63  }
0xd0: {  	s22 =	simm.s32 $0xE100  }
0xd1: {  	[tilespmem:s22], [sflag:$0x2] =	stream.indirect_vreg.gather [hbm4b:s2+s3], $0x80, v3, vm0, $0xb8;
	[tilespmem:$0x10100] =	vst v63  }
0xd2: {  	s22 =	simm.s32 $0xE900  }
0xd3: {  	[tilespmem:s22], [sflag:$0x2] =	stream.indirect_vreg.gather [hbm4b:s5+s3], $0x80, v3, vm0, $0xb8;
	[tilespmem:$0x10100] =	vst v63  }
0xd4: {  	s22 =	simm.s32 $0xF100  }
0xd5: {  	[tilespmem:s22], [sflag:$0x2] =	stream.indirect_vreg.gather [hbm4b:s6+s3], $0x80, v3, vm0, $0xb8;
	[tilespmem:$0x10100] =	vst v63  }
0xd6: {  	s16 =	simm.s32 $0xF900  }
0xd7: {  	[tilespmem:s16], [sflag:$0x2] =	stream.indirect_vreg.gather [hbm4b:s7+s3], $0x80, v3, vm0, $0xb8;
	[tilespmem:$0x10100] =	vst v63  }
0xd8: {  	s22 =	rddreg [dreg:$0x5]  }
0xd9: {  	[hbm4b:s22+s3] =	stream.linear.scatter [tilespmem:s28], [sflag:$0x3], $0x8000, $0x38;
	[tilespmem:$0x10100] =	vst v63  }
0xda: {  	_ =	swait.ge [sflag:s19], $0x8000  }
0xdb: {  	[sflag:s19] =	ssyncset.done $0x0  }
0xdc: {  	[sflag:s19] =	ssyncadd.s32 $0xFFFF8000  }
0xdd: {  	_ =	swait.ge [sflag:s20], $0x8000  }
0xde: {  	[sflag:s20] =	ssyncset.done $0x0  }
0xdf: {  	[sflag:s20] =	ssyncadd.s32 $0xFFFF8000  }
0xe0: {  	v3 =	vld [tilespmem:$0x80];
	_ =	sdelay $0x4  }
0xe1: {  	v60 =	vshll.u32 v3, $0x3  }
0xe2: {  	v3 =	vand.u32 $0x7, v3;
	v4 =	vand.u32 $0xFFFFFFC0, v60  }
0xe3: {  	v3 =	vor.u32 v3, v4  }
0xe4: {  	v4 =	vperm.xlane v3, v0;
	_ =	sdelay $0x1  }
0xe5: {  	v4 =	vadd.s32 v1, v4;
	_ =	sdelay $0x4  }
0xe6: {  	[tilespmem:s28], [sflag:$0x1] =	stream.indirect_vreg.gather [hbm4b:s2+s3], $0x80, v4, vm0, $0xb8;
	[tilespmem:$0x10100] =	vst v63  }
0xe7: {  	v3 =	vperm.xlane v3, v2  }
0xe8: {  	[tilespmem:s23], [sflag:$0x1] =	stream.indirect_vreg.gather [hbm4b:s5+s3], $0x80, v4, vm0, $0xb8;
	[tilespmem:$0x10100] =	vst v63  }
0xe9: {  	v3 =	vadd.s32 v1, v3  }
0xea: {  	[tilespmem:s24], [sflag:$0x1] =	stream.indirect_vreg.gather [hbm4b:s6+s3], $0x80, v4, vm0, $0xb8;
	[tilespmem:$0x10100] =	vst v63  }
0xeb: {  	_ = 	snop  }
0xec: {  	[tilespmem:s25], [sflag:$0x1] =	stream.indirect_vreg.gather [hbm4b:s7+s3], $0x80, v4, vm0, $0xb8;
	[tilespmem:$0x10100] =	vst v63  }
0xed: {  	_ = 	snop  }
0xee: {  	[tilespmem:s29], [sflag:$0x1] =	stream.indirect_vreg.gather [hbm4b:s2+s3], $0x80, v3, vm0, $0xb8;
	[tilespmem:$0x10100] =	vst v63  }
0xef: {  	_ = 	snop  }
0xf0: {  	[tilespmem:s30], [sflag:$0x1] =	stream.indirect_vreg.gather [hbm4b:s5+s3], $0x80, v3, vm0, $0xb8;
	[tilespmem:$0x10100] =	vst v63  }
0xf1: {  	_ = 	snop  }
0xf2: {  	[tilespmem:s31], [sflag:$0x1] =	stream.indirect_vreg.gather [hbm4b:s6+s3], $0x80, v3, vm0, $0xb8;
	[tilespmem:$0x10100] =	vst v63  }
0xf3: {  	_ = 	snop  }
0xf4: {  	[tilespmem:s1], [sflag:$0x1] =	stream.indirect_vreg.gather [hbm4b:s7+s3], $0x80, v3, vm0, $0xb8;
	[tilespmem:$0x10100] =	vst v63  }
0xf5: {  	v3 =	vld [tilespmem:$0x90];
	_ =	sdelay $0x4  }
0xf6: {  	v61 =	vshll.u32 v3, $0x3  }
0xf7: {  	v3 =	vand.u32 $0x7, v3;
	v4 =	vand.u32 $0xFFFFFFC0, v61  }
0xf8: {  	v3 =	vor.u32 v3, v4  }
0xf9: {  	v4 =	vperm.xlane v3, v0;
	_ =	sdelay $0x1  }
0xfa: {  	v4 =	vadd.s32 v1, v4;
	_ =	sdelay $0x4  }
0xfb: {  	[tilespmem:s10], [sflag:$0x1] =	stream.indirect_vreg.gather [hbm4b:s2+s3], $0x80, v4, vm0, $0xb8;
	[tilespmem:$0x10100] =	vst v63  }
0xfc: {  	v3 =	vperm.xlane v3, v2  }
0xfd: {  	[tilespmem:s4], [sflag:$0x1] =	stream.indirect_vreg.gather [hbm4b:s5+s3], $0x80, v4, vm0, $0xb8;
	[tilespmem:$0x10100] =	vst v63  }
0xfe: {  	v3 =	vadd.s32 v1, v3  }
0xff: {  	[tilespmem:s9], [sflag:$0x1] =	stream.indirect_vreg.gather [hbm4b:s6+s3], $0x80, v4, vm0, $0xb8;
	[tilespmem:$0x10100] =	vst v63  }
0x100: {  	_ = 	snop  }
0x101: {  	[tilespmem:s11], [sflag:$0x1] =	stream.indirect_vreg.gather [hbm4b:s7+s3], $0x80, v4, vm0, $0xb8;
	[tilespmem:$0x10100] =	vst v63  }
0x102: {  	_ = 	snop  }
0x103: {  	[tilespmem:s12], [sflag:$0x1] =	stream.indirect_vreg.gather [hbm4b:s2+s3], $0x80, v3, vm0, $0xb8;
	[tilespmem:$0x10100] =	vst v63  }
0x104: {  	_ = 	snop  }
0x105: {  	[tilespmem:s13], [sflag:$0x1] =	stream.indirect_vreg.gather [hbm4b:s5+s3], $0x80, v3, vm0, $0xb8;
	[tilespmem:$0x10100] =	vst v63  }
0x106: {  	_ = 	snop  }
0x107: {  	[tilespmem:s14], [sflag:$0x1] =	stream.indirect_vreg.gather [hbm4b:s6+s3], $0x80, v3, vm0, $0xb8;
	[tilespmem:$0x10100] =	vst v63  }
0x108: {  	_ = 	snop  }
0x109: {  	[tilespmem:s15], [sflag:$0x1] =	stream.indirect_vreg.gather [hbm4b:s7+s3], $0x80, v3, vm0, $0xb8;
	[tilespmem:$0x10100] =	vst v63  }
0x10a: {  	s1 =	rddreg [dreg:$0x6]  }
0x10b: {  	[hbm4b:s1+s3] =	stream.linear.scatter [tilespmem:s0], [sflag:$0x4], $0x8000, $0x38;
	[tilespmem:$0x10100] =	vst v63  }
0x10c: {  	_ =	swait.ge [sflag:s26], $0x8000  }
0x10d: {  	[sflag:s26] =	ssyncset.done $0x0  }
0x10e: {  	[sflag:s26] =	ssyncadd.s32 $0xFFFF8000  }
0x10f: {  	_ =	swait.ge [sflag:s21], $0x8000  }
0x110: {  	[sflag:s21] =	ssyncset.done $0x0  }
0x111: {  	[sflag:s21] =	ssyncadd.s32 $0xFFFF8000  }
0x112: {  	v3 =	vld [tilespmem:$0xA0];
	_ =	sdelay $0x4  }
0x113: {  	v62 =	vshll.u32 v3, $0x3  }
0x114: {  	v3 =	vand.u32 $0x7, v3;
	v4 =	vand.u32 $0xFFFFFFC0, v62  }
0x115: {  	v3 =	vor.u32 v3, v4  }
0x116: {  	v4 =	vperm.xlane v3, v0;
	_ =	sdelay $0x1  }
0x117: {  	v4 =	vadd.s32 v1, v4;
	_ =	sdelay $0x4  }
0x118: {  	[tilespmem:s0], [sflag:$0x2] =	stream.indirect_vreg.gather [hbm4b:s2+s3], $0x80, v4, vm0, $0xb8;
	[tilespmem:$0x10100] =	vst v63  }
0x119: {  	s22 =	simm.s32 $0x8900;
	v3 =	vperm.xlane v3, v2  }
0x11a: {  	[tilespmem:s22], [sflag:$0x2] =	stream.indirect_vreg.gather [hbm4b:s5+s3], $0x80, v4, vm0, $0xb8;
	[tilespmem:$0x10100] =	vst v63  }
0x11b: {  	v3 =	vadd.s32 v1, v3  }
0x11c: {  	[tilespmem:s17], [sflag:$0x2] =	stream.indirect_vreg.gather [hbm4b:s6+s3], $0x80, v4, vm0, $0xb8;
	[tilespmem:$0x10100] =	vst v63  }
0x11d: {  	_ = 	snop  }
0x11e: {  	[tilespmem:s18], [sflag:$0x2] =	stream.indirect_vreg.gather [hbm4b:s7+s3], $0x80, v4, vm0, $0xb8;
	[tilespmem:$0x10100] =	vst v63  }
0x11f: {  	s22 =	simm.s32 $0xA100  }
0x120: {  	[tilespmem:s22], [sflag:$0x2] =	stream.indirect_vreg.gather [hbm4b:s2+s3], $0x80, v3, vm0, $0xb8;
	[tilespmem:$0x10100] =	vst v63  }
0x121: {  	s22 =	simm.s32 $0xA900  }
0x122: {  	[tilespmem:s22], [sflag:$0x2] =	stream.indirect_vreg.gather [hbm4b:s5+s3], $0x80, v3, vm0, $0xb8;
	[tilespmem:$0x10100] =	vst v63  }
0x123: {  	s22 =	simm.s32 $0xB100  }
0x124: {  	[tilespmem:s22], [sflag:$0x2] =	stream.indirect_vreg.gather [hbm4b:s6+s3], $0x80, v3, vm0, $0xb8;
	[tilespmem:$0x10100] =	vst v63  }
0x125: {  	s22 =	simm.s32 $0xB900  }
0x126: {  	[tilespmem:s22], [sflag:$0x2] =	stream.indirect_vreg.gather [hbm4b:s7+s3], $0x80, v3, vm0, $0xb8;
	[tilespmem:$0x10100] =	vst v63  }
0x127: {  	v3 =	vld [tilespmem:$0xB0];
	_ =	sdelay $0x4  }
0x128: {  	v63 =	vshll.u32 v3, $0x3  }
0x129: {  	v3 =	vand.u32 $0x7, v3;
	v4 =	vand.u32 $0xFFFFFFC0, v63  }
0x12a: {  	v3 =	vor.u32 v3, v4  }
0x12b: {  	v4 =	vperm.xlane v3, v0;
	_ =	sdelay $0x1  }
0x12c: {  	v4 =	vadd.s32 v1, v4;
	_ =	sdelay $0x3  }
0x12d: {  	s22 =	simm.s32 $0xC100  }
0x12e: {  	[tilespmem:s22], [sflag:$0x2] =	stream.indirect_vreg.gather [hbm4b:s2+s3], $0x80, v4, vm0, $0xb8;
	[tilespmem:$0x10100] =	vst v63  }
0x12f: {  	v3 =	vperm.xlane v3, v2;
	s22 =	simm.s32 $0xC900  }
0x130: {  	[tilespmem:s22], [sflag:$0x2] =	stream.indirect_vreg.gather [hbm4b:s5+s3], $0x80, v4, vm0, $0xb8;
	[tilespmem:$0x10100] =	vst v63  }
0x131: {  	v3 =	vadd.s32 v1, v3;
	s22 =	simm.s32 $0xD100  }
0x132: {  	[tilespmem:s22], [sflag:$0x2] =	stream.indirect_vreg.gather [hbm4b:s6+s3], $0x80, v4, vm0, $0xb8;
	[tilespmem:$0x10100] =	vst v63  }
0x133: {  	s22 =	simm.s32 $0xD900  }
0x134: {  	[tilespmem:s22], [sflag:$0x2] =	stream.indirect_vreg.gather [hbm4b:s7+s3], $0x80, v4, vm0, $0xb8;
	[tilespmem:$0x10100] =	vst v63  }
0x135: {  	s22 =	simm.s32 $0xE100  }
0x136: {  	[tilespmem:s22], [sflag:$0x2] =	stream.indirect_vreg.gather [hbm4b:s2+s3], $0x80, v3, vm0, $0xb8;
	[tilespmem:$0x10100] =	vst v63  }
0x137: {  	s22 =	simm.s32 $0xE900  }
0x138: {  	[tilespmem:s22], [sflag:$0x2] =	stream.indirect_vreg.gather [hbm4b:s5+s3], $0x80, v3, vm0, $0xb8;
	[tilespmem:$0x10100] =	vst v63  }
0x139: {  	s22 =	simm.s32 $0xF100  }
0x13a: {  	[tilespmem:s22], [sflag:$0x2] =	stream.indirect_vreg.gather [hbm4b:s6+s3], $0x80, v3, vm0, $0xb8;
	[tilespmem:$0x10100] =	vst v63  }
0x13b: {  	s16 =	simm.s32 $0xF900  }
0x13c: {  	[tilespmem:s16], [sflag:$0x2] =	stream.indirect_vreg.gather [hbm4b:s7+s3], $0x80, v3, vm0, $0xb8;
	[tilespmem:$0x10100] =	vst v63  }
0x13d: {  	s1 =	rddreg [dreg:$0x7]  }
0x13e: {  	[hbm4b:s1+s3] =	stream.linear.scatter [tilespmem:s28], [sflag:$0x3], $0x8000, $0x38;
	[tilespmem:$0x10100] =	vst v63  }
0x13f: {  	_ =	swait.ge [sflag:s19], $0x8000  }
0x140: {  	[sflag:s19] =	ssyncset.done $0x0  }
0x141: {  	s16 =	rddreg [dreg:$0x8];
	[sflag:s19] =	ssyncadd.s32 $0xFFFF8000  }
0x142: {  	[hbm4b:s16+s3] =	stream.linear.scatter [tilespmem:s0], [sflag:$0x4], $0x8000, $0x38;
	[tilespmem:$0x10100] =	vst v63  }
0x143: {  	p0 =	sne.s32 s8, $0x1;
	_ =	swait.ge [sflag:s20], $0x8000  }
.Ltmp0:
0x144: {  	[sflag:s20] =	ssyncset.done $0x0;
	(pc) =	sbr.rel @p0 .LBB2_1-.Ltmp0, $4  }
0x145: {  	[sflag:s20] =	ssyncadd.s32 $0xFFFF8000  }
0x146: {  	_ =	swait.ge [sflag:s21], $0x8000  }
0x147: {  	[sflag:s21] =	ssyncset.done $0x0  }
0x148: {  	s8 =	sadd.s32 $0xFFFFFFFF, s8;
	[sflag:s21] =	ssyncadd.s32 $0xFFFF8000  }
0x149: {  	_ =	sfence.sel $0x180000  }
0x14a: {  	[bflag:$0x0] =	sbarrier.arrive $0xFFFF  }
0x14b: {  	_ =	strace $0x9000004D  }
0x14c: {  	s0 =	stileid.u32;
	[bflag:$0x2] =	sbarrier.arrive $0xFFFF  }
0x14d: {  	p0 =	sne.s32 s0, $0x0;
	s0 =	rddreg [dreg:$0x2]  }
0x14e: {  	s0 =	sadd.s32 @!p0 $0x100000, s0  }
0x14f: {  	[sflag:s0] =	ssyncadd.tile.s32 @!p0 $0x1;
	_ =	shalt  }
.Lfunc_end2:
_tile_overlayer_lowered:
.L_overlay_start_2:
0x150: {  	(tag) =	ssettag $0x2  }
0x151: {  	s0 =	rddreg [dreg:$0x0];
	s2 =	stileid.u32  }
0x152: {  	s1 =	rddreg [dreg:$0x1];
	p0 =	sne.s32 s2, $0x0  }
0x153: {  	s3 =	rddreg [dreg:$0x2];
	[bflag:$0x3] =	sbarrier.arrive $0xFFFF;
	s2 =	simm.s32 @!p0 $0x1C05  }
0x154: {  	[timem:s3], [sflag:s2] =	dma.local @!p0 [hbm:s0], s1  }
0x155: {  	s0 =	simm.s32 @!p0 $0x5  }
0x156: {  	_ =	swait.ge @!p0 [sflag:s0], s1  }
0x157: {  	s1 =	ssub.s32 @!p0 $0x0, s1;
	[sflag:s0] =	ssyncset.done @!p0 $0x0  }
0x158: {  	[sflag:s0] =	ssyncadd.s32 @!p0 s1  }
0x159: {  	[bflag:$0x3] =	sbarrier.arrive $0xFFFF  }
0x15a: {  	_ =	shalt  }

// kernel: kernel.19.cloned.1.call-start
scs
__scs_entry_jumppad:
0x0: {  	(pc) =	sbr.rel $0x88, $3  }
0x1: {  	(tag) =	ssettag $0x0;
	lr =	simm.s32 $0x1  }
0x2: {  	[smem:$0x3F9F] =	sst lr;
	_ =	strace $0xD0000000  }
0x3: {  	_ = 	snop  }
0x4: {  	_ = 	snop  }
0x5: {  	_ = 	snop  }
0x6: {  	_ = 	snop  }
0x7: {  	_ = 	snop  }
__scs_overlays_trampoline_lowered:
0x8: {  	[smem:$0x3FAE] =	sst s0  }
0x9: {  	[smem:$0x3FAF] =	sst s1  }
0xa: {  	[smem:$0x3FB0] =	sst s2  }
0xb: {  	[smem:$0x3FB1] =	sst s3  }
0xc: {  	[smem:$0x3FB2] =	sst s4  }
0xd: {  	[smem:$0x3FB3] =	sst s5  }
0xe: {  	[smem:$0x3FB4] =	sst s6  }
0xf: {  	[smem:$0x3FB5] =	sst s7  }
0x10: {  	[smem:$0x3FB6] =	sst s8  }
0x11: {  	[smem:$0x3FB7] =	sst s9;
	s0 =	simm.s32 @!p0 $0x0  }
0x12: {  	s1 =	sld [smem:$0x3F9D];
	s0 =	simm.s32 @p0 $0x1  }
0x13: {  	[smem:$0x3FB8] =	sst s0;
	s0 =	simm.s32 @!p1 $0x0  }
0x14: {  	s2 =	sld [smem:$0x3F9C];
	s0 =	simm.s32 @p1 $0x1  }
0x15: {  	[smem:$0x3FB9] =	sst s0;
	s0 =	simm.s32 @!p2 $0x0  }
0x16: {  	s3 =	sld [smem:$0x3FDB];
	s0 =	simm.s32 @p2 $0x1  }
0x17: {  	s4 =	simm.s32 $0x1BF5;
	[smem:$0x3FBB] =	sst s0  }
0x18: {  	s0 =	sld [smem:$0x3F9E];
	_ =	swait.ge [sflag:s4], $0x0  }
0x19: {  	s7 =	sld [smem:$0x3F9F]  }
0x1a: {  	s8 =	sadd.s32 $0xFFFFE003, lr  }
0x1b: {  	s9 =	sadd.s32 $0xFFFFFEF7, lr;
	s5 =	simm.s32 $0xFFFFFFFF;
	p2 =	slt.u32 s8, $0xFFFFF086  }
0x1c: {  	p1 =	slt.u32 s9, $0xF7A;
	s5 =	simm.s32 @!p2 $0x0  }
0x1d: {  	s5 =	simm.s32 @p1 $0x1;
	p0 =	seq.s32 s7, s2  }
0x1e: {  	s7 =	smul.u32 @!p0 $0xF7A, s2;
	p2 =	seq.s32 @!p0 s5, $0x0  }
0x1f: {  	s9 =	smul.u32 $0xF7A, s1;
	s8 =	simm.s32 @!p0 $0x1BF5;
	p2 =	por !p2, p0  }
0x20: {  	[sflag:s8] =	ssyncset.s32 @!p0 $0xFFFFF086;
	s6 =	sadd.s32 @!p0 s3, s7;
	s7 =	simm.s32 @!p0 $0x108  }
0x21: {  	s3 =	sadd.s32 s3, s9;
	s6 =	sadd.s32 @!p0 $0x88, s6;
	s7 =	simm.s32 @p2 $0x1082  }
0x22: {  	[simem:s7], [sflag:s8] =	dma.local @!p0 [hbm:s6], $0xF7A  }
0x23: {  	s9 =	sor.u32 $0xD0000000, s2;
	s6 =	simm.s32 $0x108;
	_ =	swait.ge @!p0 [sflag:s8], $0x0  }
0x24: {  	s3 =	sadd.s32 $0x88, s3;
	s6 =	simm.s32 @!p1 $0x1082;
	[sflag:s4] =	ssyncset.s32 $0xFFFFF086  }
0x25: {  	[simem:s6], [sflag:s4] =	dma.local [hbm:s3], $0xF7A  }
0x26: {  	[smem:$0x3F9F] =	sst s1;
	(tag) =	ssettag s2;
	_ =	strace s9  }
0x27: {  	s1 =	sld [smem:$0x3FAF]  }
0x28: {  	s2 =	sld [smem:$0x3FB0]  }
0x29: {  	s4 =	sld [smem:$0x3FB2]  }
0x2a: {  	p0 =	seq.s32 s5, $0x0;
	s5 =	sld [smem:$0x3FB3]  }
0x2b: {  	s6 =	sld [smem:$0x3FB4]  }
0x2c: {  	s7 =	sld [smem:$0x3FB5]  }
0x2d: {  	s3 =	simm.s32 $0x108;
	s8 =	sld [smem:$0x3FB6]  }
0x2e: {  	s3 =	simm.s32 @!p0 $0x1082;
	s9 =	sld [smem:$0x3FB7]  }
0x2f: {  	lr =	sadd.s32 s0, s3;
	s0 =	sld [smem:$0x3FAE]  }
0x30: {  	s3 =	sld [smem:$0x3FB1]  }
0x31: {  	[smem:$0x3FBA] =	sst s10  }
0x32: {  	s10 =	sld [smem:$0x3FB8];
	_ =	sdelay $0x3  }
0x33: {  	p0 =	seq.s32 s10, $0x1;
	s10 =	sld [smem:$0x3FBA];
	_ =	sdelay $0x3  }
0x34: {  	[smem:$0x3FBA] =	sst s10  }
0x35: {  	s10 =	sld [smem:$0x3FB9];
	_ =	sdelay $0x3  }
0x36: {  	p1 =	seq.s32 s10, $0x1;
	s10 =	sld [smem:$0x3FBA];
	_ =	sdelay $0x3  }
0x37: {  	[smem:$0x3FBA] =	sst s10  }
0x38: {  	s10 =	sld [smem:$0x3FBB]  }
0x39: {  	_ = 	snop;
	(pc) =	sbr.ind lr, $3  }
0x3a: {  	_ = 	snop  }
0x3b: {  	_ = 	snop  }
0x3c: {  	p2 =	seq.s32 s10, $0x1;
	s10 =	sld [smem:$0x3FBA]  }
0x3d: {  	_ =	shalt  }
0x3e: {  	_ =	shalt  }
0x3f: {  	_ =	shalt  }
0x40: {  	_ =	shalt  }
0x41: {  	_ =	shalt  }
0x42: {  	_ =	shalt  }
0x43: {  	_ =	shalt  }
0x44: {  	_ =	shalt  }
0x45: {  	_ =	shalt  }
0x46: {  	_ =	shalt  }
0x47: {  	_ =	shalt  }
0x48: {  	_ =	shalt  }
0x49: {  	_ =	shalt  }
0x4a: {  	_ =	shalt  }
0x4b: {  	_ =	shalt  }
0x4c: {  	_ =	shalt  }
0x4d: {  	_ =	shalt  }
0x4e: {  	_ =	shalt  }
0x4f: {  	_ =	shalt  }
0x50: {  	_ =	shalt  }
0x51: {  	_ =	shalt  }
0x52: {  	_ =	shalt  }
0x53: {  	_ =	shalt  }
0x54: {  	_ =	shalt  }
0x55: {  	_ =	shalt  }
0x56: {  	_ =	shalt  }
0x57: {  	_ =	shalt  }
0x58: {  	_ =	shalt  }
0x59: {  	_ =	shalt  }
0x5a: {  	_ =	shalt  }
0x5b: {  	_ =	shalt  }
0x5c: {  	_ =	shalt  }
0x5d: {  	_ =	shalt  }
0x5e: {  	_ =	shalt  }
0x5f: {  	_ =	shalt  }
0x60: {  	_ =	shalt  }
0x61: {  	_ =	shalt  }
0x62: {  	_ =	shalt  }
0x63: {  	_ =	shalt  }
0x64: {  	_ =	shalt  }
0x65: {  	_ =	shalt  }
0x66: {  	_ =	shalt  }
0x67: {  	_ =	shalt  }
0x68: {  	_ =	shalt  }
0x69: {  	_ =	shalt  }
0x6a: {  	_ =	shalt  }
0x6b: {  	_ =	shalt  }
0x6c: {  	_ =	shalt  }
0x6d: {  	_ =	shalt  }
0x6e: {  	_ =	shalt  }
0x6f: {  	_ =	shalt  }
0x70: {  	_ =	shalt  }
0x71: {  	_ =	shalt  }
0x72: {  	_ =	shalt  }
0x73: {  	_ =	shalt  }
0x74: {  	_ =	shalt  }
0x75: {  	_ =	shalt  }
0x76: {  	_ =	shalt  }
0x77: {  	_ =	shalt  }
0x78: {  	_ =	shalt  }
0x79: {  	_ =	shalt  }
0x7a: {  	_ =	shalt  }
0x7b: {  	_ =	shalt  }
0x7c: {  	_ =	shalt  }
0x7d: {  	_ =	shalt  }
0x7e: {  	_ =	shalt  }
0x7f: {  	_ =	shalt  }
0x80: {  	_ =	shalt  }
0x81: {  	_ =	shalt  }
0x82: {  	_ =	shalt  }
0x83: {  	_ =	shalt  }
0x84: {  	_ =	shalt  }
0x85: {  	_ =	shalt  }
0x86: {  	_ =	shalt  }
0x87: {  	_ =	shalt  }
.Lfunc_end0:
.L_simem_size_0:
called_computation.3_lowered:
.L_overlay_start_0:
0x88: {  	s2 =	sld [smem:$0x3FD9]  }
0x89: {  	s3 =	sld [smem:$0x3FFE];
	_ =	sdelay $0x1  }
0x8a: {  	s1 =	srdreg.scid  }
0x8b: {  	s0 =	sand.u32 $0x1, s1  }
0x8c: {  	s17 =	sshll.u32 s0, $0xA;
	s2 =	sadd.s32 s3, s2  }
0x8d: {  	s2 =	sadd.s32 s2, s17  }
0x8e: {  	[smem:$0x3FC6] =	sst s2  }
0x8f: {  	_ = 	snop  }
0x90: {  	s18 =	sld [smem:$0x3FC9];
	(tm) =	ssettm $0x1  }
0x91: {  	s19 =	sld [smem:$0x3FFB];
	_ =	sdelay $0x3  }
0x92: {  	_ =	strace s19  }
0x93: {  	s2 =	sld [smem:$0x3FFC];
	_ =	sdelay $0x3  }
0x94: {  	_ =	strace s2  }
0x95: {  	s2 =	sld [smem:$0x3FFD];
	_ =	sdelay $0x3  }
0x96: {  	_ =	strace s2  }
0x97: {  	_ =	strace $0x8FFFFFFF  }
0x98: {  	s20 =	sld [smem:$0x3FDB];
	_ =	sdelay $0x1  }
0x99: {  	s4 =	simm.s32 $_scs_section_size  }
0x9a: {  	s5 =	simm.s32 $_size__tile_overlayer_lowered;
	s6 =	simm.s32 $_tile_overlayer_lowered  }
0x9b: {  	s7 =	simm.s32 $0x1BFF;
	s21 =	sshll.u32 s6, $0x1;
	s4 =	sadd.s32 s4, s20  }
0x9c: {  	s22 =	simm.s32 $0x0;
	s5 =	sshll.u32 s5, $0x1;
	s6 =	sadd.s32 s21, s4  }
0x9d: {  	[timem:s22], [sflag:s7] =	dma.local [hbm:s6], s5  }
0x9e: {  	_ =	swait.ge [sflag:s7], s5  }
0x9f: {  	s5 =	ssub.s32 $0x0, s5;
	[sflag:s7] =	ssyncset.done $0x0  }
0xa0: {  	[sflag:s7] =	ssyncadd.s32 s5;
	_ =	sdelay $0x1  }
0xa1: {  	s23 =	simm.s32 $0x1B8B  }
0xa2: {  	_ =	swait.ge [sflag:s23], $0x1  }
0xa3: {  	[sflag:s23] =	ssyncset.done $0x0  }
0xa4: {  	[sflag:s23] =	ssyncadd.s32 $0xFFFFFFFF  }
0xa5: {  	s5 =	sld [smem:$0x0]  }
0xa6: {  	s6 =	sand.u32 $0xFFFFFFFE, s1  }
0xa7: {  	p0 =	sne.s32 s1, s6  }
0xa8: {  	s6 =	sshll.u32 @p0 s6, $0xE  }
0xa9: {  	s6 =	sadd.s32 @p0 $0x11B8D, s6;
	s7 =	sshll.u32 @p0 s5, $0x11  }
0xaa: {  	s6 =	sor.u32 @p0 s7, s6  }
0xab: {  	[sflag:s6] =	ssyncadd.remote.s32 @p0 $0x1;
	_ =	sdelay $0x1  }
0xac: {  	s6 =	simm.s32 @p0 $0x1B8D  }
0xad: {  	_ =	swait.eq @p0 [sflag:s6], $0x1  }
0xae: {  	[sflag:s6] =	ssyncadd.s32 @p0 $0xFFFFFFFF  }
0xaf: {  	s7 =	sshll.u32 @!p0 s1, $0xE  }
0xb0: {  	s7 =	sor.u32 @!p0 $0x4000, s7;
	s6 =	simm.s32 @!p0 $0x1B8D  }
0xb1: {  	s5 =	sshll.u32 @!p0 s5, $0x11;
	s7 =	sadd.s32 @!p0 $0x11B8D, s7;
	_ =	swait.eq @!p0 [sflag:s6], $0x1  }
0xb2: {  	s5 =	sor.u32 @!p0 s5, s7;
	[sflag:s6] =	ssyncadd.s32 @!p0 $0xFFFFFFFF  }
0xb3: {  	s25 =	simm.s32 $0x1B8E;
	s24 =	sld [smem:$0x3FFE];
	[sflag:s5] =	ssyncadd.remote.s32 @!p0 $0x1  }
0xb4: {  	s26 =	simm.s32 $execute0_lowered;
	[smem:$0x3FD2] =	sst s25  }
0xb5: {  	s6 =	sshll.u32 s26, $0x1;
	_ =	strace $0x8000004F;
	[dreg:$0x1] =	wrdreg $0xFFFFFFFF  }
0xb6: {  	s28 =	simm.s32 $_size_execute0_lowered;
	s4 =	sadd.s32 s4, s6;
	[dreg:$0x0] =	wrdreg $0x0  }
0xb7: {  	s6 =	sshll.u32 s28, $0x1;
	[dreg:$0x2] =	wrdreg s4  }
0xb8: {  	[dreg:$0x3] =	wrdreg s6  }
0xb9: {  	[dreg:$0x4] =	wrdreg $0xC0  }
0xba: {  	_ =	task [dreg:s22], $0x5FFFF  }
0xbb: {  	[dreg:$0x1] =	wrdreg $0xFFFFFFFF  }
0xbc: {  	[dreg:$0x0] =	wrdreg $0x60  }
0xbd: {  	[dreg:$0x2] =	wrdreg s18  }
0xbe: {  	[dreg:$0x3] =	wrdreg s24  }
0xbf: {  	[dreg:$0x4] =	wrdreg $0xC  }
0xc0: {  	_ =	task.clear_ibuf [dreg:s22], $0x5FFFF;
	_ =	strace $0x9000004F  }
0xc1: {  	s29 =	simm.s32 $0xC;
	_ =	strace $0x80000051  }
0xc2: {  	_ =	swait.ge [sflag:s29], $0x1  }
0xc3: {  	[sflag:s29] =	ssyncadd.s32 $0xFFFFFFFF  }
0xc4: {  	_ =	strace $0x90000051  }
0xc5: {  	_ =	sfence  }
0xc6: {  	s30 =	sld [smem:$0x0];
	_ =	sdelay $0x2  }
0xc7: {  	s31 =	sshll.u32 s1, $0xD;
	s1 =	sshrl.u32 s1, $0x2  }
0xc8: {  	s4 =	sand.u32 $0x4000, s31;
	s1 =	sadd.s32 s1, s30  }
0xc9: {  	s0 =	sor.u32 s4, s0;
	s1 =	sshll.u32 s1, $0x11  }
0xca: {  	s0 =	sor.u32 s1, s0  }
0xcb: {  	s0 =	sadd.s32 $0x8F2B, s0  }
0xcc: {  	[sflag:s0] =	ssyncadd.remote.s32 $0x1  }
0xcd: {  	_ =	sfence.sel $0xFFFF  }
0xce: {  	[dreg:$0x0] =	wrdreg $0xFFFFFFFF;
	(pc) =	sbr.abs _section_cstart, $3  }
0xcf: {  	[dreg:$0x1] =	wrdreg $0xFFFFFFFF  }
0xd0: {  	_ =	task.clear_ibuf [dreg:s22], $0x2FFFF;
	_ =	strace $0x9FFFFFFF  }
0xd1: {  	(tm) =	ssettm $0x7FFFFFFF  }
tec
execute0_lowered:
.L_overlay_start_1:
0x0: {  	(tag) =	ssettag $0x1  }
0x1: {  	s1 =	srdreg.scid;
	s2 =	rddreg [dreg:$0x0]  }
0x2: {  	s0 =	stileid.u32;
	s5 =	rddreg [dreg:$0x1];
	s15 =	simm.s32 $0x880  }
0x3: {  	s16 =	simm.s32 $0x1080;
	s17 =	simm.s32 $0x1880;
	s1 =	sand.u32 $0x1, s1  }
0x4: {  	s18 =	simm.s32 $0x2080;
	s3 =	sshll.u32 s0, $0x7;
	s4 =	sshll.u32 s1, $0x6  }
0x5: {  	s19 =	simm.s32 $0x2880;
	s4 =	sor.u32 s4, s3;
	s3 =	simm.s32 $0x0  }
0x6: {  	s20 =	simm.s32 $0x3080;
	s22 =	simm.s32 $0x3880;
	[smem:$0x7FF] =	sst s3  }
0x7: {  	s23 =	simm.s32 $0x4080;
	_ =	strace $0x80000050;
	[dreg:$0x6] =	wrdreg s15  }
0x8: {  	s24 =	simm.s32 $0x4880;
	s7 =	simm.s32 $0x5080;
	[dreg:$0x7] =	wrdreg s16  }
0x9: {  	s8 =	simm.s32 $0x5880;
	s25 =	simm.s32 $0x6080;
	[dreg:$0x8] =	wrdreg s17  }
0xa: {  	s26 =	simm.s32 $0x6880;
	s9 =	simm.s32 $0x80;
	[dreg:$0x9] =	wrdreg s18  }
0xb: {  	s11 =	simm.s32 $0x7880;
	s12 =	simm.s32 $0x1;
	[dreg:$0xa] =	wrdreg s19  }
0xc: {  	s28 =	simm.s32 $0xF080;
	s29 =	simm.s32 $0xF880;
	[dreg:$0xb] =	wrdreg s20  }
0xd: {  	s30 =	simm.s32 $0x2;
	s1 =	ssub.s32 $0x2, s1;
	[dreg:$0xc] =	wrdreg s22  }
0xe: {  	s31 =	simm.s32 $0x3;
	s21 =	sshrl.u32 s1, $0x1;
	[dreg:$0xd] =	wrdreg s23  }
0xf: {  	s6 =	sshrl.u32 s4, $0x3;
	s4 =	sshll.u32 s4, $0x7;
	[dreg:$0xe] =	wrdreg s24  }
0x10: {  	s1 =	ssub.s32 s1, s21;
	s21 =	simm.s32 $0xC080;
	[dreg:$0xf] =	wrdreg s7  }
0x11: {  	s6 =	sadd.s32 s6, s5;
	s4 =	sadd.s32 s4, s5;
	[dreg:$0x10] =	wrdreg s8  }
0x12: {  	s5 =	sadd.s32 $0x200, s2;
	s7 =	smax.u32 s1, $0x1;
	[dreg:$0x11] =	wrdreg s25  }
0x13: {  	s8 =	simm.s32 $0x5;
	[dreg:$0x12] =	wrdreg s26;
	s15 =	simm.s32 $0x9080  }
0x14: {  	s16 =	simm.s32 $0x9880;
	s17 =	simm.s32 $0xA080;
	s18 =	simm.s32 $0xA880  }
0x15: {  	s19 =	simm.s32 $0xB080;
	s20 =	simm.s32 $0xB880;
	s22 =	simm.s32 $0xC880  }
0x16: {  	s23 =	simm.s32 $0xD080;
	s24 =	simm.s32 $0xD880;
	s13 =	sadd.s32 $0x1C00, s6  }
0x17: {  	s25 =	simm.s32 $0xE080;
	s14 =	sadd.s32 $0x182600, s4;
	[dreg:$0x3] =	wrdreg s13  }
0x18: {  	v2 =	vlaneseq.u32;
	s26 =	simm.s32 $0xE880;
	s4 =	sadd.s32 $0x183600, s4;
	[dreg:$0x4] =	wrdreg s14  }
0x19: {  	vm0 =	vmmov $0xffff;
	v1 =	vshrl.u32 v2, $0x3;
	s1 =	simm.s32 $0x4;
	s6 =	sadd.s32 $0x300, s2;
	[dreg:$0x5] =	wrdreg s4  }
0x1a: {  	v0 =	vand.u32 $0x7, v2;
	v2 =	vor.u32 $0x8, v2;
	v1 =	vmul.u32 $0x8, v1;
	s4 =	sadd.s32 $0x100, s2;
	s13 =	simm.s32 $0x8080;
	s14 =	simm.s32 $0x8880  }
.LBB2_1:
0x1b: {  	s0 =	rddreg [dreg:$0x3]  }
0x1c: {  	[tilespmem:s3], [sflag:$0x5] =	stream.linear.gather [hbm4b:s0+s3], $0x40, $0x38;
	[tilespmem:$0x10080] =	vst v63  }
0x1d: {  	_ =	swait.ge [sflag:s8], $0x40  }
0x1e: {  	[sflag:s8] =	ssyncset.done $0x0  }
0x1f: {  	[sflag:s8] =	ssyncadd.s32 $0xFFFFFFC0  }
0x20: {  	v3 =	vld [tilespmem:$0x0];
	_ =	sdelay $0x4  }
0x21: {  	v4 =	vshll.u32 v3, $0x3  }
0x22: {  	v3 =	vand.u32 $0x7, v3;
	v4 =	vand.u32 $0xFFFFFFC0, v4  }
0x23: {  	v3 =	vor.u32 v3, v4  }
0x24: {  	v4 =	vperm.xlane v3, v0;
	_ =	sdelay $0x1  }
0x25: {  	v4 =	vadd.s32 v1, v4;
	_ =	sdelay $0x4  }
0x26: {  	[tilespmem:s9], [sflag:$0x1] =	stream.indirect_vreg.gather [hbm4b:s2+s3], $0x80, v4, vm0, $0xb8;
	[tilespmem:$0x10080] =	vst v63  }
0x27: {  	s0 =	rddreg [dreg:$0x6];
	v3 =	vperm.xlane v3, v2  }
0x28: {  	[tilespmem:s0], [sflag:$0x1] =	stream.indirect_vreg.gather [hbm4b:s4+s3], $0x80, v4, vm0, $0xb8;
	[tilespmem:$0x10080] =	vst v63  }
0x29: {  	s10 =	rddreg [dreg:$0x7];
	v3 =	vadd.s32 v1, v3  }
0x2a: {  	[tilespmem:s10], [sflag:$0x1] =	stream.indirect_vreg.gather [hbm4b:s5+s3], $0x80, v4, vm0, $0xb8;
	[tilespmem:$0x10080] =	vst v63  }
0x2b: {  	s0 =	rddreg [dreg:$0x8]  }
0x2c: {  	[tilespmem:s0], [sflag:$0x1] =	stream.indirect_vreg.gather [hbm4b:s6+s3], $0x80, v4, vm0, $0xb8;
	[tilespmem:$0x10080] =	vst v63  }
0x2d: {  	s10 =	rddreg [dreg:$0x9]  }
0x2e: {  	[tilespmem:s10], [sflag:$0x1] =	stream.indirect_vreg.gather [hbm4b:s2+s3], $0x80, v3, vm0, $0xb8;
	[tilespmem:$0x10080] =	vst v63  }
0x2f: {  	s0 =	rddreg [dreg:$0xa]  }
0x30: {  	[tilespmem:s0], [sflag:$0x1] =	stream.indirect_vreg.gather [hbm4b:s4+s3], $0x80, v3, vm0, $0xb8;
	[tilespmem:$0x10080] =	vst v63  }
0x31: {  	s10 =	rddreg [dreg:$0xb]  }
0x32: {  	[tilespmem:s10], [sflag:$0x1] =	stream.indirect_vreg.gather [hbm4b:s5+s3], $0x80, v3, vm0, $0xb8;
	[tilespmem:$0x10080] =	vst v63  }
0x33: {  	s0 =	rddreg [dreg:$0xc]  }
0x34: {  	[tilespmem:s0], [sflag:$0x1] =	stream.indirect_vreg.gather [hbm4b:s6+s3], $0x80, v3, vm0, $0xb8;
	[tilespmem:$0x10080] =	vst v63  }
0x35: {  	v3 =	vld [tilespmem:$0x10];
	_ =	sdelay $0x4  }
0x36: {  	v61 =	vshll.u32 v3, $0x3  }
0x37: {  	v3 =	vand.u32 $0x7, v3;
	v4 =	vand.u32 $0xFFFFFFC0, v61  }
0x38: {  	v3 =	vor.u32 v3, v4  }
0x39: {  	v4 =	vperm.xlane v3, v0;
	_ =	sdelay $0x1  }
0x3a: {  	v4 =	vadd.s32 v1, v4;
	_ =	sdelay $0x3  }
0x3b: {  	s0 =	rddreg [dreg:$0xd]  }
0x3c: {  	[tilespmem:s0], [sflag:$0x1] =	stream.indirect_vreg.gather [hbm4b:s2+s3], $0x80, v4, vm0, $0xb8;
	[tilespmem:$0x10080] =	vst v63  }
0x3d: {  	s10 =	rddreg [dreg:$0xe];
	v3 =	vperm.xlane v3, v2  }
0x3e: {  	[tilespmem:s10], [sflag:$0x1] =	stream.indirect_vreg.gather [hbm4b:s4+s3], $0x80, v4, vm0, $0xb8;
	[tilespmem:$0x10080] =	vst v63  }
0x3f: {  	v3 =	vadd.s32 v1, v3;
	s0 =	rddreg [dreg:$0xf]  }
0x40: {  	[tilespmem:s0], [sflag:$0x1] =	stream.indirect_vreg.gather [hbm4b:s5+s3], $0x80, v4, vm0, $0xb8;
	[tilespmem:$0x10080] =	vst v63  }
0x41: {  	s10 =	rddreg [dreg:$0x10]  }
0x42: {  	[tilespmem:s10], [sflag:$0x1] =	stream.indirect_vreg.gather [hbm4b:s6+s3], $0x80, v4, vm0, $0xb8;
	[tilespmem:$0x10080] =	vst v63  }
0x43: {  	s0 =	rddreg [dreg:$0x11]  }
0x44: {  	[tilespmem:s0], [sflag:$0x1] =	stream.indirect_vreg.gather [hbm4b:s2+s3], $0x80, v3, vm0, $0xb8;
	[tilespmem:$0x10080] =	vst v63  }
0x45: {  	s10 =	rddreg [dreg:$0x12]  }
0x46: {  	[tilespmem:s10], [sflag:$0x1] =	stream.indirect_vreg.gather [hbm4b:s4+s3], $0x80, v3, vm0, $0xb8;
	[tilespmem:$0x10080] =	vst v63  }
0x47: {  	s10 =	simm.s32 $0x7080  }
0x48: {  	[tilespmem:s10], [sflag:$0x1] =	stream.indirect_vreg.gather [hbm4b:s5+s3], $0x80, v3, vm0, $0xb8;
	[tilespmem:$0x10080] =	vst v63  }
0x49: {  	_ = 	snop  }
0x4a: {  	[tilespmem:s11], [sflag:$0x1] =	stream.indirect_vreg.gather [hbm4b:s6+s3], $0x80, v3, vm0, $0xb8;
	[tilespmem:$0x10080] =	vst v63  }
0x4b: {  	_ =	swait.ge [sflag:s12], $0x8000  }
0x4c: {  	[sflag:s12] =	ssyncset.done $0x0  }
0x4d: {  	[sflag:s12] =	ssyncadd.s32 $0xFFFF8000  }
0x4e: {  	v3 =	vld [tilespmem:$0x20];
	_ =	sdelay $0x4  }
0x4f: {  	v62 =	vshll.u32 v3, $0x3  }
0x50: {  	v3 =	vand.u32 $0x7, v3;
	v4 =	vand.u32 $0xFFFFFFC0, v62  }
0x51: {  	v3 =	vor.u32 v3, v4  }
0x52: {  	v4 =	vperm.xlane v3, v0;
	_ =	sdelay $0x1  }
0x53: {  	v4 =	vadd.s32 v1, v4;
	_ =	sdelay $0x4  }
0x54: {  	[tilespmem:s13], [sflag:$0x2] =	stream.indirect_vreg.gather [hbm4b:s2+s3], $0x80, v4, vm0, $0xb8;
	[tilespmem:$0x10080] =	vst v63  }
0x55: {  	v3 =	vperm.xlane v3, v2  }
0x56: {  	[tilespmem:s14], [sflag:$0x2] =	stream.indirect_vreg.gather [hbm4b:s4+s3], $0x80, v4, vm0, $0xb8;
	[tilespmem:$0x10080] =	vst v63  }
0x57: {  	v3 =	vadd.s32 v1, v3  }
0x58: {  	[tilespmem:s15], [sflag:$0x2] =	stream.indirect_vreg.gather [hbm4b:s5+s3], $0x80, v4, vm0, $0xb8;
	[tilespmem:$0x10080] =	vst v63  }
0x59: {  	_ = 	snop  }
0x5a: {  	[tilespmem:s16], [sflag:$0x2] =	stream.indirect_vreg.gather [hbm4b:s6+s3], $0x80, v4, vm0, $0xb8;
	[tilespmem:$0x10080] =	vst v63  }
0x5b: {  	_ = 	snop  }
0x5c: {  	[tilespmem:s17], [sflag:$0x2] =	stream.indirect_vreg.gather [hbm4b:s2+s3], $0x80, v3, vm0, $0xb8;
	[tilespmem:$0x10080] =	vst v63  }
0x5d: {  	_ = 	snop  }
0x5e: {  	[tilespmem:s18], [sflag:$0x2] =	stream.indirect_vreg.gather [hbm4b:s4+s3], $0x80, v3, vm0, $0xb8;
	[tilespmem:$0x10080] =	vst v63  }
0x5f: {  	_ = 	snop  }
0x60: {  	[tilespmem:s19], [sflag:$0x2] =	stream.indirect_vreg.gather [hbm4b:s5+s3], $0x80, v3, vm0, $0xb8;
	[tilespmem:$0x10080] =	vst v63  }
0x61: {  	_ = 	snop  }
0x62: {  	[tilespmem:s20], [sflag:$0x2] =	stream.indirect_vreg.gather [hbm4b:s6+s3], $0x80, v3, vm0, $0xb8;
	[tilespmem:$0x10080] =	vst v63  }
0x63: {  	v3 =	vld [tilespmem:$0x30];
	_ =	sdelay $0x4  }
0x64: {  	v63 =	vshll.u32 v3, $0x3  }
0x65: {  	v3 =	vand.u32 $0x7, v3;
	v4 =	vand.u32 $0xFFFFFFC0, v63  }
0x66: {  	v3 =	vor.u32 v3, v4  }
0x67: {  	v4 =	vperm.xlane v3, v0;
	_ =	sdelay $0x1  }
0x68: {  	v4 =	vadd.s32 v1, v4;
	_ =	sdelay $0x4  }
0x69: {  	[tilespmem:s21], [sflag:$0x2] =	stream.indirect_vreg.gather [hbm4b:s2+s3], $0x80, v4, vm0, $0xb8;
	[tilespmem:$0x10080] =	vst v63  }
0x6a: {  	v3 =	vperm.xlane v3, v2  }
0x6b: {  	[tilespmem:s22], [sflag:$0x2] =	stream.indirect_vreg.gather [hbm4b:s4+s3], $0x80, v4, vm0, $0xb8;
	[tilespmem:$0x10080] =	vst v63  }
0x6c: {  	v3 =	vadd.s32 v1, v3  }
0x6d: {  	[tilespmem:s23], [sflag:$0x2] =	stream.indirect_vreg.gather [hbm4b:s5+s3], $0x80, v4, vm0, $0xb8;
	[tilespmem:$0x10080] =	vst v63  }
0x6e: {  	_ = 	snop  }
0x6f: {  	[tilespmem:s24], [sflag:$0x2] =	stream.indirect_vreg.gather [hbm4b:s6+s3], $0x80, v4, vm0, $0xb8;
	[tilespmem:$0x10080] =	vst v63  }
0x70: {  	_ = 	snop  }
0x71: {  	[tilespmem:s25], [sflag:$0x2] =	stream.indirect_vreg.gather [hbm4b:s2+s3], $0x80, v3, vm0, $0xb8;
	[tilespmem:$0x10080] =	vst v63  }
0x72: {  	_ = 	snop  }
0x73: {  	[tilespmem:s26], [sflag:$0x2] =	stream.indirect_vreg.gather [hbm4b:s4+s3], $0x80, v3, vm0, $0xb8;
	[tilespmem:$0x10080] =	vst v63  }
0x74: {  	_ = 	snop  }
0x75: {  	[tilespmem:s28], [sflag:$0x2] =	stream.indirect_vreg.gather [hbm4b:s5+s3], $0x80, v3, vm0, $0xb8;
	[tilespmem:$0x10080] =	vst v63  }
0x76: {  	_ = 	snop  }
0x77: {  	[tilespmem:s29], [sflag:$0x2] =	stream.indirect_vreg.gather [hbm4b:s6+s3], $0x80, v3, vm0, $0xb8;
	[tilespmem:$0x10080] =	vst v63  }
0x78: {  	s10 =	rddreg [dreg:$0x4]  }
0x79: {  	[hbm4b:s10+s3] =	stream.linear.scatter [tilespmem:s9], [sflag:$0x3], $0x8000, $0x38;
	[tilespmem:$0x10080] =	vst v63  }
0x7a: {  	_ =	swait.ge [sflag:s30], $0x8000  }
0x7b: {  	[sflag:s30] =	ssyncset.done $0x0  }
0x7c: {  	s10 =	rddreg [dreg:$0x5];
	[sflag:s30] =	ssyncadd.s32 $0xFFFF8000  }
0x7d: {  	[hbm4b:s10+s3] =	stream.linear.scatter [tilespmem:s13], [sflag:$0x4], $0x8000, $0x38;
	[tilespmem:$0x10080] =	vst v63  }
0x7e: {  	p0 =	sne.s32 s7, $0x1;
	_ =	swait.ge [sflag:s31], $0x8000  }
.Ltmp0:
0x7f: {  	[sflag:s31] =	ssyncset.done $0x0;
	(pc) =	sbr.rel @p0 .LBB2_1-.Ltmp0, $4  }
0x80: {  	[sflag:s31] =	ssyncadd.s32 $0xFFFF8000  }
0x81: {  	_ =	swait.ge [sflag:s1], $0x8000  }
0x82: {  	[sflag:s1] =	ssyncset.done $0x0  }
0x83: {  	s7 =	sadd.s32 $0xFFFFFFFF, s7;
	[sflag:s1] =	ssyncadd.s32 $0xFFFF8000  }
0x84: {  	_ =	sfence.sel $0x180000  }
0x85: {  	[bflag:$0x0] =	sbarrier.arrive $0xFFFF  }
0x86: {  	_ =	strace $0x90000050  }
0x87: {  	s0 =	stileid.u32;
	[bflag:$0x2] =	sbarrier.arrive $0xFFFF  }
0x88: {  	p0 =	sne.s32 s0, $0x0;
	s0 =	rddreg [dreg:$0x2]  }
0x89: {  	s0 =	sadd.s32 @!p0 $0x100000, s0  }
0x8a: {  	[sflag:s0] =	ssyncadd.tile.s32 @!p0 $0x1;
	_ =	shalt  }
.Lfunc_end2:
_tile_overlayer_lowered:
.L_overlay_start_2:
0x8b: {  	(tag) =	ssettag $0x2  }
0x8c: {  	s0 =	rddreg [dreg:$0x0];
	s2 =	stileid.u32  }
0x8d: {  	s1 =	rddreg [dreg:$0x1];
	p0 =	sne.s32 s2, $0x0  }
0x8e: {  	s3 =	rddreg [dreg:$0x2];
	[bflag:$0x3] =	sbarrier.arrive $0xFFFF;
	s2 =	simm.s32 @!p0 $0x1C05  }
0x8f: {  	[timem:s3], [sflag:s2] =	dma.local @!p0 [hbm:s0], s1  }
0x90: {  	s0 =	simm.s32 @!p0 $0x5  }
0x91: {  	_ =	swait.ge @!p0 [sflag:s0], s1  }
0x92: {  	s1 =	ssub.s32 @!p0 $0x0, s1;
	[sflag:s0] =	ssyncset.done @!p0 $0x0  }
0x93: {  	[sflag:s0] =	ssyncadd.s32 @!p0 s1  }
0x94: {  	[bflag:$0x3] =	sbarrier.arrive $0xFFFF  }
0x95: {  	_ =	shalt  }

</sc_bundles>
